<compile_context>
chip_gen: v7x
topology: tpu7x:2x2x1
jax: 0.10.2.dev20260603
libtpu: 0.0.44.dev20260713+nightly
codegen_flags: <defaults>
</compile_context>

<pallas_src>
import functools

import jax
import jax.numpy as jnp
from jax import lax
from jax.experimental import pallas as pl
from jax.experimental.pallas import tpu as pltpu
from jax.experimental.pallas import tpu_sc as plsc

VOCAB = 100000
D = 64
B = 4096
NEG = 5
LANES = 16
NCHUNK = D // LANES

NC = 2
NS = 16
NW = NC * NS
BW = B // NW
NBW = NEG * BW

_mesh = plsc.VectorSubcoreMesh(core_axis_name="c", subcore_axis_name="s")


@functools.partial(
    pl.kernel,
    out_type=jax.ShapeDtypeStruct((NW, 2, LANES), jnp.float32),
    mesh=_mesh,
    compiler_params=pltpu.CompilerParams(needs_layout_passes=False),
    scratch_types=[
        pltpu.VMEM((BW,), jnp.int32),
        pltpu.VMEM((BW,), jnp.int32),
        pltpu.VMEM((BW,), jnp.int32),
        pltpu.VMEM((BW,), jnp.int32),
        pltpu.VMEM((NBW,), jnp.int32),
        pltpu.VMEM((NBW,), jnp.int32),
        pltpu.VMEM((BW, 2 * D), jnp.int32),
        pltpu.VMEM((BW, 2 * D), jnp.int32),
        pltpu.VMEM((BW, 2 * D), jnp.int32),
        pltpu.VMEM((BW, 2 * D), jnp.int32),
        pltpu.VMEM((BW, D), jnp.float32),
        pltpu.VMEM((NBW // 4, 2 * D), jnp.int32),
        pltpu.VMEM((NBW // 4, 2 * D), jnp.int32),
        pltpu.VMEM((2, LANES), jnp.float32),
        pltpu.SemaphoreType.DMA,
        pltpu.SemaphoreType.DMA,
    ],
)
def _nerank_sc(u0_h, u1_h, v0_h, v1_h, n0_h, n1_h, w_h, out_h,
               iu0, iu1, iv0, iv1, in0, in1,
               ru_v, au_v, rv_v, av_v, eu_v, rvn_v, avn_v, accb, sem, sem2):
    wid = lax.axis_index("s") * NC + lax.axis_index("c")
    base = wid * BW

    idx_copies = [
        pltpu.async_copy(u0_h.at[pl.ds(base, BW)], iu0, sem),
        pltpu.async_copy(u1_h.at[pl.ds(base, BW)], iu1, sem),
        pltpu.async_copy(v0_h.at[pl.ds(base, BW)], iv0, sem),
        pltpu.async_copy(v1_h.at[pl.ds(base, BW)], iv1, sem),
        pltpu.async_copy(n0_h.at[pl.ds(base * NEG, NBW)], in0, sem),
        pltpu.async_copy(n1_h.at[pl.ds(base * NEG, NBW)], in1, sem),
    ]
    for cp in idx_copies:
        cp.wait()

    copies = [
        pltpu.async_copy(w_h.at[iu0], ru_v, sem),
        pltpu.async_copy(w_h.at[iu1], au_v, sem),
        pltpu.async_copy(w_h.at[iv0], rv_v, sem),
        pltpu.async_copy(w_h.at[iv1], av_v, sem),
    ]
    neg_prev = [
        pltpu.async_copy(w_h.at[in0.at[pl.ds(0, NBW // 4)]], rvn_v, sem2),
        pltpu.async_copy(w_h.at[in1.at[pl.ds(0, NBW // 4)]], avn_v, sem2),
    ]
    for cp in copies:
        cp.wait()

    zeros = jnp.zeros((LANES,), jnp.float32)
    himask = jnp.full((LANES,), -65536, jnp.int32)

    def _hi(x):
        return plsc.bitcast(x & himask, jnp.float32)

    def _lo(x):
        return plsc.bitcast(lax.shift_left(x, 16), jnp.float32)

    def ubody(j, carry):
        outs = []
        for c in range(NCHUNK):
            sl = pl.ds(c * LANES, LANES)
            slr = pl.ds(D + c * LANES, LANES)
            u = _hi(ru_v[j, sl]) + _lo(au_v[j, sl])
            v = _hi(rv_v[j, slr]) + _lo(av_v[j, slr])
            eu_v[j, sl] = u
            outs.append(carry[c] + u * v)
        return tuple(outs)

    scarry = lax.fori_loop(0, BW, ubody, (zeros,) * NCHUNK)

    def make_nbody(buf0, buf1, j0):
        def nbody(j, carry):
            outs = []
            for c in range(NCHUNK):
                sl = pl.ds(c * LANES, LANES)
                slr = pl.ds(D + c * LANES, LANES)
                ns = _hi(buf0[j * NEG, slr]) + _lo(buf1[j * NEG, slr])
                for n in range(1, NEG):
                    ns = ns + _hi(buf0[j * NEG + n, slr]) + _lo(buf1[j * NEG + n, slr])
                outs.append(carry[c] + eu_v[j0 + j, sl] * ns)
            return tuple(outs)
        return nbody

    ncarry = (zeros,) * NCHUNK
    jb = BW // 4
    for k in range(4):
        for cp in neg_prev:
            cp.wait()
        ncarry = lax.fori_loop(0, jb, make_nbody(rvn_v, avn_v, k * jb), ncarry)
        if k < 3:
            neg_prev = [
                pltpu.async_copy(
                    w_h.at[in0.at[pl.ds((k + 1) * (NBW // 4), NBW // 4)]],
                    rvn_v, sem2),
                pltpu.async_copy(
                    w_h.at[in1.at[pl.ds((k + 1) * (NBW // 4), NBW // 4)]],
                    avn_v, sem2),
            ]

    svec = scarry[0]
    nvec = ncarry[0]
    for c in range(1, NCHUNK):
        svec = svec + scarry[c]
        nvec = nvec + ncarry[c]
    accb[0, :] = svec
    accb[1, :] = nvec
    pltpu.sync_copy(accb, out_h.at[wid])


def kernel(upos, vpos, npos, batch_size, ru_w, rv_w, au_w, av_w):
    u0 = upos[0].astype(jnp.int32)
    u1 = upos[1].astype(jnp.int32)
    v0 = vpos[0].astype(jnp.int32)
    v1 = vpos[1].astype(jnp.int32)
    n0 = npos[0].astype(jnp.int32).reshape(-1)
    n1 = npos[1].astype(jnp.int32).reshape(-1)
    hi_mask = jnp.uint32(0xFFFF0000)
    bt = lambda t: jax.lax.bitcast_convert_type(t.T, jnp.uint32)
    p1t = (bt(ru_w) & hi_mask) | (bt(au_w) >> 16)
    p2t = (bt(rv_w) & hi_mask) | (bt(av_w) >> 16)
    s = jax.lax.optimization_barrier(
        jax.lax.bitcast_convert_type(jnp.stack([p1t, p2t], axis=0), jnp.int32))
    w = s.reshape(2 * D, VOCAB).T
    parts = _nerank_sc(u0, u1, v0, v1, n0, n1, w)
    score = jnp.sum(parts[:, 0, :])
    neg_score = jnp.sum(parts[:, 1, :])
    return jax.nn.log_sigmoid(score) + jax.nn.log_sigmoid(-neg_score)

# --- scband reference (transcript-rebuilt; emitter-appended) ---
"""Pipeline reference for scband-ne-rank-67697274520351 (READ-ONLY COPY).

The authoritative reference and input builder live on the scoring server;
editing this copy changes nothing except your own understanding.
"""

import jax, jax.numpy as jnp
import numpy as np

VOCAB = 100000
D = 64
B = 4096
NEG = 5


def setup_inputs(seed: int = 0) -> dict:
    key = jax.random.key(seed)
    k1, k2, k3, k4, k5, k6, k7 = jax.random.split(key, 7)
    initrange = 0.5 / D
    upos = jax.random.randint(k1, (2, B), 0, VOCAB, dtype=jnp.int64 if jax.config.jax_enable_x64 else jnp.int32)
    vpos = jax.random.randint(k2, (2, B), 0, VOCAB, dtype=jnp.int64 if jax.config.jax_enable_x64 else jnp.int32)
    npos = jax.random.randint(k3, (2, B, NEG), 0, VOCAB, dtype=jnp.int64 if jax.config.jax_enable_x64 else jnp.int32)
    ru_w = jax.random.uniform(k4, (VOCAB, D), jnp.float32, -initrange, initrange)
    rv_w = jax.random.uniform(k5, (VOCAB, D), jnp.float32, -initrange, initrange)
    au_w = jax.random.uniform(k6, (VOCAB, D), jnp.float32, -initrange, initrange)
    av_w = jax.random.uniform(k7, (VOCAB, D), jnp.float32, -initrange, initrange)
    return {"upos": upos, "vpos": vpos, "npos": npos, "batch_size": B,
            "ru_w": ru_w, "rv_w": rv_w, "au_w": au_w, "av_w": av_w}


def reference(upos, vpos, npos, batch_size, ru_w, rv_w, au_w, av_w):
    # === Network Embedding Part ===
    # R-channel and A-channel embedding lookups (gather)
    embed_ru = jnp.take(ru_w, upos[0], axis=0)          # [B, D]
    embed_au = jnp.take(au_w, upos[1], axis=0)          # [B, D]
    embed_rv = jnp.take(rv_w, vpos[0], axis=0)          # [B, D]
    embed_av = jnp.take(av_w, vpos[1], axis=0)          # [B, D]
    # question embeddings are zero-initialized in the original (LongTensor.zero_())
    embed_u = embed_ru + embed_au                        # [B, D]
    embed_v = embed_rv + embed_av                        # [B, D]
    score = jnp.sum(embed_u * embed_v)
    log_target = jax.nn.log_sigmoid(score)
    # negative samples
    neg_embed_rv = jnp.take(rv_w, npos[0], axis=0)       # [B, NEG, D]
    neg_embed_av = jnp.take(av_w, npos[1], axis=0)       # [B, NEG, D]
    neg_embed_v = neg_embed_rv + neg_embed_av            # [B, NEG, D]
    # bmm(neg_embed_v, embed_u.unsqueeze(2)).squeeze() -> [B, NEG]
    neg_score_mat = jnp.einsum('bnd,bd->bn', neg_embed_v, embed_u)
    neg_score = jnp.sum(neg_score_mat)
    sum_log_sampled = jax.nn.log_sigmoid(-1.0 * neg_score)
    loss = log_target + sum_log_sampled
    return loss

if __name__ == "__main__":
    import jax
    _d = setup_inputs()
    print(jax.jit(kernel)(*tuple(_d.values())))

</pallas_src>

<mosaic_0001>
#map = affine_map<(d0, d1) -> (0)>
#map1 = affine_map<(d0, d1) -> (0, 0)>
#map2 = affine_map<(d0, d1) -> (0, 0, 0)>
module attributes {stable_mosaic.version = 14 : i64} {
  func.func @_nerank_sc(%arg0: i32, %arg1: i32, %arg2: memref<4096xi32, #tpu.memory_space<hbm>>, %arg3: memref<4096xi32, #tpu.memory_space<hbm>>, %arg4: memref<4096xi32, #tpu.memory_space<hbm>>, %arg5: memref<4096xi32, #tpu.memory_space<hbm>>, %arg6: memref<20480xi32, #tpu.memory_space<hbm>>, %arg7: memref<20480xi32, #tpu.memory_space<hbm>>, %arg8: memref<100000x128xi32, #tpu.memory_space<hbm>>, %arg9: memref<32x2x16xf32, #tpu.memory_space<hbm>>, %arg10: memref<128xi32, #tpu.memory_space<vmem>>, %arg11: memref<128xi32, #tpu.memory_space<vmem>>, %arg12: memref<128xi32, #tpu.memory_space<vmem>>, %arg13: memref<128xi32, #tpu.memory_space<vmem>>, %arg14: memref<640xi32, #tpu.memory_space<vmem>>, %arg15: memref<640xi32, #tpu.memory_space<vmem>>, %arg16: memref<128x128xi32, #tpu.memory_space<vmem>>, %arg17: memref<128x128xi32, #tpu.memory_space<vmem>>, %arg18: memref<128x128xi32, #tpu.memory_space<vmem>>, %arg19: memref<128x128xi32, #tpu.memory_space<vmem>>, %arg20: memref<128x64xf32, #tpu.memory_space<vmem>>, %arg21: memref<160x128xi32, #tpu.memory_space<vmem>>, %arg22: memref<160x128xi32, #tpu.memory_space<vmem>>, %arg23: memref<2x16xf32, #tpu.memory_space<vmem>>, %arg24: memref<!tpu.dma_semaphore, #tpu.memory_space<semaphore_mem>>, %arg25: memref<!tpu.dma_semaphore, #tpu.memory_space<semaphore_mem>>) attributes {dimension_semantics = [#tpu.dimension_semantics<core_parallel>, #tpu.dimension_semantics<subcore_parallel>], iteration_bounds = array<i64: 2, 16>, scalar_prefetch = 0 : i64, scratch_operands = 16 : i64, tpu.core_type = #tpu.core_type<sc_vector_subcore>, window_params = [{transform_indices = #map}, {transform_indices = #map}, {transform_indices = #map}, {transform_indices = #map}, {transform_indices = #map}, {transform_indices = #map}, {transform_indices = #map1}, {transform_indices = #map2}]} {
    %mul3A = arith.constant 2 : i32
    %mul3A_0 = arith.muli %arg1, %mul3A : i32
    %add3A = arith.addi %mul3A_0, %arg0 : i32
    %mul3A_1 = arith.constant 128 : i32
    %mul3A_2 = arith.muli %add3A, %mul3A_1 : i32
    %dma_start3A = tpu.memref_slice %arg2[%mul3A_2] : memref<4096xi32, #tpu.memory_space<hbm>> -> memref<128xi32, #tpu.memory_space<hbm>>
    %dma_start3A_3 = tpu.memref_slice %arg2[%mul3A_2] : memref<4096xi32, #tpu.memory_space<hbm>> -> memref<128xi32, #tpu.memory_space<hbm>>
    tpu.enqueue_dma source(%dma_start3A_3 : memref<128xi32, #tpu.memory_space<hbm>>) target(%arg10 : memref<128xi32, #tpu.memory_space<vmem>>) target_semaphore(%arg24 : memref<!tpu.dma_semaphore, #tpu.memory_space<semaphore_mem>>)
    %dma_start3A_4 = tpu.memref_slice %arg3[%mul3A_2] : memref<4096xi32, #tpu.memory_space<hbm>> -> memref<128xi32, #tpu.memory_space<hbm>>
    %dma_start3A_5 = tpu.memref_slice %arg3[%mul3A_2] : memref<4096xi32, #tpu.memory_space<hbm>> -> memref<128xi32, #tpu.memory_space<hbm>>
    tpu.enqueue_dma source(%dma_start3A_5 : memref<128xi32, #tpu.memory_space<hbm>>) target(%arg11 : memref<128xi32, #tpu.memory_space<vmem>>) target_semaphore(%arg24 : memref<!tpu.dma_semaphore, #tpu.memory_space<semaphore_mem>>)
    %dma_start3A_6 = tpu.memref_slice %arg4[%mul3A_2] : memref<4096xi32, #tpu.memory_space<hbm>> -> memref<128xi32, #tpu.memory_space<hbm>>
    %dma_start3A_7 = tpu.memref_slice %arg4[%mul3A_2] : memref<4096xi32, #tpu.memory_space<hbm>> -> memref<128xi32, #tpu.memory_space<hbm>>
    tpu.enqueue_dma source(%dma_start3A_7 : memref<128xi32, #tpu.memory_space<hbm>>) target(%arg12 : memref<128xi32, #tpu.memory_space<vmem>>) target_semaphore(%arg24 : memref<!tpu.dma_semaphore, #tpu.memory_space<semaphore_mem>>)
    %dma_start3A_8 = tpu.memref_slice %arg5[%mul3A_2] : memref<4096xi32, #tpu.memory_space<hbm>> -> memref<128xi32, #tpu.memory_space<hbm>>
    %dma_start3A_9 = tpu.memref_slice %arg5[%mul3A_2] : memref<4096xi32, #tpu.memory_space<hbm>> -> memref<128xi32, #tpu.memory_space<hbm>>
    tpu.enqueue_dma source(%dma_start3A_9 : memref<128xi32, #tpu.memory_space<hbm>>) target(%arg13 : memref<128xi32, #tpu.memory_space<vmem>>) target_semaphore(%arg24 : memref<!tpu.dma_semaphore, #tpu.memory_space<semaphore_mem>>)
    %mul3A_10 = arith.constant 5 : i32
    %mul3A_11 = arith.muli %mul3A_2, %mul3A_10 : i32
    %dma_start3A_12 = tpu.memref_slice %arg6[%mul3A_11] : memref<20480xi32, #tpu.memory_space<hbm>> -> memref<640xi32, #tpu.memory_space<hbm>>
    %dma_start3A_13 = tpu.memref_slice %arg6[%mul3A_11] : memref<20480xi32, #tpu.memory_space<hbm>> -> memref<640xi32, #tpu.memory_space<hbm>>
    tpu.enqueue_dma source(%dma_start3A_13 : memref<640xi32, #tpu.memory_space<hbm>>) target(%arg14 : memref<640xi32, #tpu.memory_space<vmem>>) target_semaphore(%arg24 : memref<!tpu.dma_semaphore, #tpu.memory_space<semaphore_mem>>)
    %mul3A_14 = arith.constant 5 : i32
    %mul3A_15 = arith.muli %mul3A_2, %mul3A_14 : i32
    %dma_start3A_16 = tpu.memref_slice %arg7[%mul3A_15] : memref<20480xi32, #tpu.memory_space<hbm>> -> memref<640xi32, #tpu.memory_space<hbm>>
    %dma_start3A_17 = tpu.memref_slice %arg7[%mul3A_15] : memref<20480xi32, #tpu.memory_space<hbm>> -> memref<640xi32, #tpu.memory_space<hbm>>
    tpu.enqueue_dma source(%dma_start3A_17 : memref<640xi32, #tpu.memory_space<hbm>>) target(%arg15 : memref<640xi32, #tpu.memory_space<vmem>>) target_semaphore(%arg24 : memref<!tpu.dma_semaphore, #tpu.memory_space<semaphore_mem>>)
    %dma_wait3A = tpu.memref_slice %arg2[%mul3A_2] : memref<4096xi32, #tpu.memory_space<hbm>> -> memref<128xi32, #tpu.memory_space<hbm>>
    %dma_wait3A_18 = tpu.memref_slice %arg2[%mul3A_2] : memref<4096xi32, #tpu.memory_space<hbm>> -> memref<128xi32, #tpu.memory_space<hbm>>
    tpu.wait_dma2 semaphore(%arg24 : memref<!tpu.dma_semaphore, #tpu.memory_space<semaphore_mem>>) src(%dma_wait3A_18 : memref<128xi32, #tpu.memory_space<hbm>>) dst(%arg10 : memref<128xi32, #tpu.memory_space<vmem>>)
    %dma_wait3A_19 = tpu.memref_slice %arg3[%mul3A_2] : memref<4096xi32, #tpu.memory_space<hbm>> -> memref<128xi32, #tpu.memory_space<hbm>>
    %dma_wait3A_20 = tpu.memref_slice %arg3[%mul3A_2] : memref<4096xi32, #tpu.memory_space<hbm>> -> memref<128xi32, #tpu.memory_space<hbm>>
    tpu.wait_dma2 semaphore(%arg24 : memref<!tpu.dma_semaphore, #tpu.memory_space<semaphore_mem>>) src(%dma_wait3A_20 : memref<128xi32, #tpu.memory_space<hbm>>) dst(%arg11 : memref<128xi32, #tpu.memory_space<vmem>>)
    %dma_wait3A_21 = tpu.memref_slice %arg4[%mul3A_2] : memref<4096xi32, #tpu.memory_space<hbm>> -> memref<128xi32, #tpu.memory_space<hbm>>
    %dma_wait3A_22 = tpu.memref_slice %arg4[%mul3A_2] : memref<4096xi32, #tpu.memory_space<hbm>> -> memref<128xi32, #tpu.memory_space<hbm>>
    tpu.wait_dma2 semaphore(%arg24 : memref<!tpu.dma_semaphore, #tpu.memory_space<semaphore_mem>>) src(%dma_wait3A_22 : memref<128xi32, #tpu.memory_space<hbm>>) dst(%arg12 : memref<128xi32, #tpu.memory_space<vmem>>)
    %dma_wait3A_23 = tpu.memref_slice %arg5[%mul3A_2] : memref<4096xi32, #tpu.memory_space<hbm>> -> memref<128xi32, #tpu.memory_space<hbm>>
    %dma_wait3A_24 = tpu.memref_slice %arg5[%mul3A_2] : memref<4096xi32, #tpu.memory_space<hbm>> -> memref<128xi32, #tpu.memory_space<hbm>>
    tpu.wait_dma2 semaphore(%arg24 : memref<!tpu.dma_semaphore, #tpu.memory_space<semaphore_mem>>) src(%dma_wait3A_24 : memref<128xi32, #tpu.memory_space<hbm>>) dst(%arg13 : memref<128xi32, #tpu.memory_space<vmem>>)
    %dma_wait3A_25 = tpu.memref_slice %arg6[%mul3A_11] : memref<20480xi32, #tpu.memory_space<hbm>> -> memref<640xi32, #tpu.memory_space<hbm>>
    %dma_wait3A_26 = tpu.memref_slice %arg6[%mul3A_11] : memref<20480xi32, #tpu.memory_space<hbm>> -> memref<640xi32, #tpu.memory_space<hbm>>
    tpu.wait_dma2 semaphore(%arg24 : memref<!tpu.dma_semaphore, #tpu.memory_space<semaphore_mem>>) src(%dma_wait3A_26 : memref<640xi32, #tpu.memory_space<hbm>>) dst(%arg14 : memref<640xi32, #tpu.memory_space<vmem>>)
    %dma_wait3A_27 = tpu.memref_slice %arg7[%mul3A_15] : memref<20480xi32, #tpu.memory_space<hbm>> -> memref<640xi32, #tpu.memory_space<hbm>>
    %dma_wait3A_28 = tpu.memref_slice %arg7[%mul3A_15] : memref<20480xi32, #tpu.memory_space<hbm>> -> memref<640xi32, #tpu.memory_space<hbm>>
    tpu.wait_dma2 semaphore(%arg24 : memref<!tpu.dma_semaphore, #tpu.memory_space<semaphore_mem>>) src(%dma_wait3A_28 : memref<640xi32, #tpu.memory_space<hbm>>) dst(%arg15 : memref<640xi32, #tpu.memory_space<vmem>>)
    %dma_start3A_29 = arith.constant 0 : i32
    %dma_start3A_30 = arith.constant 0 : i32
    %dma_start3A_31 = tpu.memref_slice %arg8[%dma_start3A_29, %dma_start3A_30] : memref<100000x128xi32, #tpu.memory_space<hbm>> -> memref<100000x128xi32, #tpu.memory_space<hbm>>
    tpu.enqueue_indirect_dma source(%dma_start3A_31 : memref<100000x128xi32, #tpu.memory_space<hbm>>) target(%arg16 : memref<128x128xi32, #tpu.memory_space<vmem>>) offsets(%arg10 : memref<128xi32, #tpu.memory_space<vmem>>) semaphore(%arg24 : memref<!tpu.dma_semaphore, #tpu.memory_space<semaphore_mem>>)
    %dma_start3A_32 = arith.constant 0 : i32
    %dma_start3A_33 = arith.constant 0 : i32
    %dma_start3A_34 = tpu.memref_slice %arg8[%dma_start3A_32, %dma_start3A_33] : memref<100000x128xi32, #tpu.memory_space<hbm>> -> memref<100000x128xi32, #tpu.memory_space<hbm>>
    tpu.enqueue_indirect_dma source(%dma_start3A_34 : memref<100000x128xi32, #tpu.memory_space<hbm>>) target(%arg17 : memref<128x128xi32, #tpu.memory_space<vmem>>) offsets(%arg11 : memref<128xi32, #tpu.memory_space<vmem>>) semaphore(%arg24 : memref<!tpu.dma_semaphore, #tpu.memory_space<semaphore_mem>>)
    %dma_start3A_35 = arith.constant 0 : i32
    %dma_start3A_36 = arith.constant 0 : i32
    %dma_start3A_37 = tpu.memref_slice %arg8[%dma_start3A_35, %dma_start3A_36] : memref<100000x128xi32, #tpu.memory_space<hbm>> -> memref<100000x128xi32, #tpu.memory_space<hbm>>
    tpu.enqueue_indirect_dma source(%dma_start3A_37 : memref<100000x128xi32, #tpu.memory_space<hbm>>) target(%arg18 : memref<128x128xi32, #tpu.memory_space<vmem>>) offsets(%arg12 : memref<128xi32, #tpu.memory_space<vmem>>) semaphore(%arg24 : memref<!tpu.dma_semaphore, #tpu.memory_space<semaphore_mem>>)
    %dma_start3A_38 = arith.constant 0 : i32
    %dma_start3A_39 = arith.constant 0 : i32
    %dma_start3A_40 = tpu.memref_slice %arg8[%dma_start3A_38, %dma_start3A_39] : memref<100000x128xi32, #tpu.memory_space<hbm>> -> memref<100000x128xi32, #tpu.memory_space<hbm>>
    tpu.enqueue_indirect_dma source(%dma_start3A_40 : memref<100000x128xi32, #tpu.memory_space<hbm>>) target(%arg19 : memref<128x128xi32, #tpu.memory_space<vmem>>) offsets(%arg13 : memref<128xi32, #tpu.memory_space<vmem>>) semaphore(%arg24 : memref<!tpu.dma_semaphore, #tpu.memory_space<semaphore_mem>>)
    %dma_start3A_41 = arith.constant 0 : i32
    %dma_start3A_42 = tpu.memref_slice %arg14[%dma_start3A_41] : memref<640xi32, #tpu.memory_space<vmem>> -> memref<160xi32, #tpu.memory_space<vmem>>
    %dma_start3A_43 = arith.constant 0 : i32
    %dma_start3A_44 = arith.constant 0 : i32
    %dma_start3A_45 = tpu.memref_slice %arg8[%dma_start3A_43, %dma_start3A_44] : memref<100000x128xi32, #tpu.memory_space<hbm>> -> memref<100000x128xi32, #tpu.memory_space<hbm>>
    tpu.enqueue_indirect_dma source(%dma_start3A_45 : memref<100000x128xi32, #tpu.memory_space<hbm>>) target(%arg21 : memref<160x128xi32, #tpu.memory_space<vmem>>) offsets(%dma_start3A_42 : memref<160xi32, #tpu.memory_space<vmem>>) semaphore(%arg25 : memref<!tpu.dma_semaphore, #tpu.memory_space<semaphore_mem>>)
    %dma_start3A_46 = arith.constant 0 : i32
    %dma_start3A_47 = tpu.memref_slice %arg15[%dma_start3A_46] : memref<640xi32, #tpu.memory_space<vmem>> -> memref<160xi32, #tpu.memory_space<vmem>>
    %dma_start3A_48 = arith.constant 0 : i32
    %dma_start3A_49 = arith.constant 0 : i32
    %dma_start3A_50 = tpu.memref_slice %arg8[%dma_start3A_48, %dma_start3A_49] : memref<100000x128xi32, #tpu.memory_space<hbm>> -> memref<100000x128xi32, #tpu.memory_space<hbm>>
    tpu.enqueue_indirect_dma source(%dma_start3A_50 : memref<100000x128xi32, #tpu.memory_space<hbm>>) target(%arg22 : memref<160x128xi32, #tpu.memory_space<vmem>>) offsets(%dma_start3A_47 : memref<160xi32, #tpu.memory_space<vmem>>) semaphore(%arg25 : memref<!tpu.dma_semaphore, #tpu.memory_space<semaphore_mem>>)
    %dma_wait3A_51 = arith.constant 0 : i32
    %dma_wait3A_52 = arith.constant 0 : i32
    %dma_wait3A_53 = tpu.memref_slice %arg8[%dma_wait3A_51, %dma_wait3A_52] : memref<100000x128xi32, #tpu.memory_space<hbm>> -> memref<100000x128xi32, #tpu.memory_space<hbm>>
    tpu.wait_indirect_dma semaphore(%arg24 : memref<!tpu.dma_semaphore, #tpu.memory_space<semaphore_mem>>) src(%dma_wait3A_53 : memref<100000x128xi32, #tpu.memory_space<hbm>>) dst(%arg16 : memref<128x128xi32, #tpu.memory_space<vmem>>)
    %dma_wait3A_54 = arith.constant 0 : i32
    %dma_wait3A_55 = arith.constant 0 : i32
    %dma_wait3A_56 = tpu.memref_slice %arg8[%dma_wait3A_54, %dma_wait3A_55] : memref<100000x128xi32, #tpu.memory_space<hbm>> -> memref<100000x128xi32, #tpu.memory_space<hbm>>
    tpu.wait_indirect_dma semaphore(%arg24 : memref<!tpu.dma_semaphore, #tpu.memory_space<semaphore_mem>>) src(%dma_wait3A_56 : memref<100000x128xi32, #tpu.memory_space<hbm>>) dst(%arg17 : memref<128x128xi32, #tpu.memory_space<vmem>>)
    %dma_wait3A_57 = arith.constant 0 : i32
    %dma_wait3A_58 = arith.constant 0 : i32
    %dma_wait3A_59 = tpu.memref_slice %arg8[%dma_wait3A_57, %dma_wait3A_58] : memref<100000x128xi32, #tpu.memory_space<hbm>> -> memref<100000x128xi32, #tpu.memory_space<hbm>>
    tpu.wait_indirect_dma semaphore(%arg24 : memref<!tpu.dma_semaphore, #tpu.memory_space<semaphore_mem>>) src(%dma_wait3A_59 : memref<100000x128xi32, #tpu.memory_space<hbm>>) dst(%arg18 : memref<128x128xi32, #tpu.memory_space<vmem>>)
    %dma_wait3A_60 = arith.constant 0 : i32
    %dma_wait3A_61 = arith.constant 0 : i32
    %dma_wait3A_62 = tpu.memref_slice %arg8[%dma_wait3A_60, %dma_wait3A_61] : memref<100000x128xi32, #tpu.memory_space<hbm>> -> memref<100000x128xi32, #tpu.memory_space<hbm>>
    tpu.wait_indirect_dma semaphore(%arg24 : memref<!tpu.dma_semaphore, #tpu.memory_space<semaphore_mem>>) src(%dma_wait3A_62 : memref<100000x128xi32, #tpu.memory_space<hbm>>) dst(%arg19 : memref<128x128xi32, #tpu.memory_space<vmem>>)
    %broadcast_in_dim3A = arith.constant 0.000000e+00 : f32
    %broadcast_in_dim3A_63 = vector.broadcast %broadcast_in_dim3A : f32 to vector<16xf32>
    %broadcast_in_dim3A_64 = arith.constant -65536 : i32
    %broadcast_in_dim3A_65 = vector.broadcast %broadcast_in_dim3A_64 : i32 to vector<16xi32>
    %scan3A = arith.constant 0 : i32
    %scan3A_66 = arith.constant 128 : i32
    %scan3A_67 = arith.addi %scan3A, %scan3A_66 : i32
    %scan3A_68 = arith.constant 1 : i32
    %scan3A_69:4 = scf.for %scan3A_178 = %scan3A to %scan3A_67 step %scan3A_68 iter_args(%scan3A_179 = %broadcast_in_dim3A_63, %scan3A_180 = %broadcast_in_dim3A_63, %scan3A_181 = %broadcast_in_dim3A_63, %scan3A_182 = %broadcast_in_dim3A_63) -> (vector<16xf32>, vector<16xf32>, vector<16xf32>, vector<16xf32>)  : i32 {
      %get3A = arith.index_cast %scan3A_178 : i32 to index
      %get3A_183 = arith.constant 0 : index
      %get3A_184 = tpu.vector_load %arg16[%get3A, %get3A_183] {strides = array<i32>} : memref<128x128xi32, #tpu.memory_space<vmem>>, vector<16xi32>,
      %and3A = arith.andi %get3A_184, %broadcast_in_dim3A_65 : vector<16xi32>
      %bitcast3A = vector.bitcast %and3A : vector<16xi32> to vector<16xf32>
      %get3A_185 = arith.index_cast %scan3A_178 : i32 to index
      %get3A_186 = arith.constant 0 : index
      %get3A_187 = tpu.vector_load %arg17[%get3A_185, %get3A_186] {strides = array<i32>} : memref<128x128xi32, #tpu.memory_space<vmem>>, vector<16xi32>,
      %shift_left3A = arith.constant 16 : i32
      %shift_left3A_188 = vector.broadcast %shift_left3A : i32 to vector<16xi32>
      %shift_left3A_189 = arith.shli %get3A_187, %shift_left3A_188 : vector<16xi32>
      %bitcast3A_190 = vector.bitcast %shift_left3A_189 : vector<16xi32> to vector<16xf32>
      %add3A_191 = arith.addf %bitcast3A, %bitcast3A_190 : vector<16xf32>
      %get3A_192 = arith.index_cast %scan3A_178 : i32 to index
      %get3A_193 = arith.constant 64 : index
      %get3A_194 = tpu.vector_load %arg18[%get3A_192, %get3A_193] {strides = array<i32>} : memref<128x128xi32, #tpu.memory_space<vmem>>, vector<16xi32>,
      %and3A_195 = arith.andi %get3A_194, %broadcast_in_dim3A_65 : vector<16xi32>
      %bitcast3A_196 = vector.bitcast %and3A_195 : vector<16xi32> to vector<16xf32>
      %get3A_197 = arith.index_cast %scan3A_178 : i32 to index
      %get3A_198 = arith.constant 64 : index
      %get3A_199 = tpu.vector_load %arg19[%get3A_197, %get3A_198] {strides = array<i32>} : memref<128x128xi32, #tpu.memory_space<vmem>>, vector<16xi32>,
      %shift_left3A_200 = arith.constant 16 : i32
      %shift_left3A_201 = vector.broadcast %shift_left3A_200 : i32 to vector<16xi32>
      %shift_left3A_202 = arith.shli %get3A_199, %shift_left3A_201 : vector<16xi32>
      %bitcast3A_203 = vector.bitcast %shift_left3A_202 : vector<16xi32> to vector<16xf32>
      %add3A_204 = arith.addf %bitcast3A_196, %bitcast3A_203 : vector<16xf32>
      %swap3A_205 = arith.index_cast %scan3A_178 : i32 to index
      %swap3A_206 = arith.constant 0 : index
      %swap3A_207 = tpu.vector_load %arg20[%swap3A_205, %swap3A_206] {strides = array<i32>} : memref<128x64xf32, #tpu.memory_space<vmem>>, vector<16xf32>,
      tpu.vector_store %arg20[%swap3A_205, %swap3A_206], %add3A_191 {strides = array<i32>} : memref<128x64xf32, #tpu.memory_space<vmem>>, vector<16xf32>,
      %mul3A_208 = arith.mulf %add3A_191, %add3A_204 : vector<16xf32>
      %add3A_209 = arith.addf %scan3A_179, %mul3A_208 : vector<16xf32>
      %get3A_210 = arith.index_cast %scan3A_178 : i32 to index
      %get3A_211 = arith.constant 16 : index
      %get3A_212 = tpu.vector_load %arg16[%get3A_210, %get3A_211] {strides = array<i32>} : memref<128x128xi32, #tpu.memory_space<vmem>>, vector<16xi32>,
      %and3A_213 = arith.andi %get3A_212, %broadcast_in_dim3A_65 : vector<16xi32>
      %bitcast3A_214 = vector.bitcast %and3A_213 : vector<16xi32> to vector<16xf32>
      %get3A_215 = arith.index_cast %scan3A_178 : i32 to index
      %get3A_216 = arith.constant 16 : index
      %get3A_217 = tpu.vector_load %arg17[%get3A_215, %get3A_216] {strides = array<i32>} : memref<128x128xi32, #tpu.memory_space<vmem>>, vector<16xi32>,
      %shift_left3A_218 = arith.constant 16 : i32
      %shift_left3A_219 = vector.broadcast %shift_left3A_218 : i32 to vector<16xi32>
      %shift_left3A_220 = arith.shli %get3A_217, %shift_left3A_219 : vector<16xi32>
      %bitcast3A_221 = vector.bitcast %shift_left3A_220 : vector<16xi32> to vector<16xf32>
      %add3A_222 = arith.addf %bitcast3A_214, %bitcast3A_221 : vector<16xf32>
      %get3A_223 = arith.index_cast %scan3A_178 : i32 to index
      %get3A_224 = arith.constant 80 : index
      %get3A_225 = tpu.vector_load %arg18[%get3A_223, %get3A_224] {strides = array<i32>} : memref<128x128xi32, #tpu.memory_space<vmem>>, vector<16xi32>,
      %and3A_226 = arith.andi %get3A_225, %broadcast_in_dim3A_65 : vector<16xi32>
      %bitcast3A_227 = vector.bitcast %and3A_226 : vector<16xi32> to vector<16xf32>
      %get3A_228 = arith.index_cast %scan3A_178 : i32 to index
      %get3A_229 = arith.constant 80 : index
      %get3A_230 = tpu.vector_load %arg19[%get3A_228, %get3A_229] {strides = array<i32>} : memref<128x128xi32, #tpu.memory_space<vmem>>, vector<16xi32>,
      %shift_left3A_231 = arith.constant 16 : i32
      %shift_left3A_232 = vector.broadcast %shift_left3A_231 : i32 to vector<16xi32>
      %shift_left3A_233 = arith.shli %get3A_230, %shift_left3A_232 : vector<16xi32>
      %bitcast3A_234 = vector.bitcast %shift_left3A_233 : vector<16xi32> to vector<16xf32>
      %add3A_235 = arith.addf %bitcast3A_227, %bitcast3A_234 : vector<16xf32>
      %swap3A_236 = arith.index_cast %scan3A_178 : i32 to index
      %swap3A_237 = arith.constant 16 : index
      %swap3A_238 = tpu.vector_load %arg20[%swap3A_236, %swap3A_237] {strides = array<i32>} : memref<128x64xf32, #tpu.memory_space<vmem>>, vector<16xf32>,
      tpu.vector_store %arg20[%swap3A_236, %swap3A_237], %add3A_222 {strides = array<i32>} : memref<128x64xf32, #tpu.memory_space<vmem>>, vector<16xf32>,
      %mul3A_239 = arith.mulf %add3A_222, %add3A_235 : vector<16xf32>
      %add3A_240 = arith.addf %scan3A_180, %mul3A_239 : vector<16xf32>
      %get3A_241 = arith.index_cast %scan3A_178 : i32 to index
      %get3A_242 = arith.constant 32 : index
      %get3A_243 = tpu.vector_load %arg16[%get3A_241, %get3A_242] {strides = array<i32>} : memref<128x128xi32, #tpu.memory_space<vmem>>, vector<16xi32>,
      %and3A_244 = arith.andi %get3A_243, %broadcast_in_dim3A_65 : vector<16xi32>
      %bitcast3A_245 = vector.bitcast %and3A_244 : vector<16xi32> to vector<16xf32>
      %get3A_246 = arith.index_cast %scan3A_178 : i32 to index
      %get3A_247 = arith.constant 32 : index
      %get3A_248 = tpu.vector_load %arg17[%get3A_246, %get3A_247] {strides = array<i32>} : memref<128x128xi32, #tpu.memory_space<vmem>>, vector<16xi32>,
      %shift_left3A_249 = arith.constant 16 : i32
      %shift_left3A_250 = vector.broadcast %shift_left3A_249 : i32 to vector<16xi32>
      %shift_left3A_251 = arith.shli %get3A_248, %shift_left3A_250 : vector<16xi32>
      %bitcast3A_252 = vector.bitcast %shift_left3A_251 : vector<16xi32> to vector<16xf32>
      %add3A_253 = arith.addf %bitcast3A_245, %bitcast3A_252 : vector<16xf32>
      %get3A_254 = arith.index_cast %scan3A_178 : i32 to index
      %get3A_255 = arith.constant 96 : index
      %get3A_256 = tpu.vector_load %arg18[%get3A_254, %get3A_255] {strides = array<i32>} : memref<128x128xi32, #tpu.memory_space<vmem>>, vector<16xi32>,
      %and3A_257 = arith.andi %get3A_256, %broadcast_in_dim3A_65 : vector<16xi32>
      %bitcast3A_258 = vector.bitcast %and3A_257 : vector<16xi32> to vector<16xf32>
      %get3A_259 = arith.index_cast %scan3A_178 : i32 to index
      %get3A_260 = arith.constant 96 : index
      %get3A_261 = tpu.vector_load %arg19[%get3A_259, %get3A_260] {strides = array<i32>} : memref<128x128xi32, #tpu.memory_space<vmem>>, vector<16xi32>,
      %shift_left3A_262 = arith.constant 16 : i32
      %shift_left3A_263 = vector.broadcast %shift_left3A_262 : i32 to vector<16xi32>
      %shift_left3A_264 = arith.shli %get3A_261, %shift_left3A_263 : vector<16xi32>
      %bitcast3A_265 = vector.bitcast %shift_left3A_264 : vector<16xi32> to vector<16xf32>
      %add3A_266 = arith.addf %bitcast3A_258, %bitcast3A_265 : vector<16xf32>
      %swap3A_267 = arith.index_cast %scan3A_178 : i32 to index
      %swap3A_268 = arith.constant 32 : index
      %swap3A_269 = tpu.vector_load %arg20[%swap3A_267, %swap3A_268] {strides = array<i32>} : memref<128x64xf32, #tpu.memory_space<vmem>>, vector<16xf32>,
      tpu.vector_store %arg20[%swap3A_267, %swap3A_268], %add3A_253 {strides = array<i32>} : memref<128x64xf32, #tpu.memory_space<vmem>>, vector<16xf32>,
      %mul3A_270 = arith.mulf %add3A_253, %add3A_266 : vector<16xf32>
      %add3A_271 = arith.addf %scan3A_181, %mul3A_270 : vector<16xf32>
      %get3A_272 = arith.index_cast %scan3A_178 : i32 to index
      %get3A_273 = arith.constant 48 : index
      %get3A_274 = tpu.vector_load %arg16[%get3A_272, %get3A_273] {strides = array<i32>} : memref<128x128xi32, #tpu.memory_space<vmem>>, vector<16xi32>,
      %and3A_275 = arith.andi %get3A_274, %broadcast_in_dim3A_65 : vector<16xi32>
      %bitcast3A_276 = vector.bitcast %and3A_275 : vector<16xi32> to vector<16xf32>
      %get3A_277 = arith.index_cast %scan3A_178 : i32 to index
      %get3A_278 = arith.constant 48 : index
      %get3A_279 = tpu.vector_load %arg17[%get3A_277, %get3A_278] {strides = array<i32>} : memref<128x128xi32, #tpu.memory_space<vmem>>, vector<16xi32>,
      %shift_left3A_280 = arith.constant 16 : i32
      %shift_left3A_281 = vector.broadcast %shift_left3A_280 : i32 to vector<16xi32>
      %shift_left3A_282 = arith.shli %get3A_279, %shift_left3A_281 : vector<16xi32>
      %bitcast3A_283 = vector.bitcast %shift_left3A_282 : vector<16xi32> to vector<16xf32>
      %add3A_284 = arith.addf %bitcast3A_276, %bitcast3A_283 : vector<16xf32>
      %get3A_285 = arith.index_cast %scan3A_178 : i32 to index
      %get3A_286 = arith.constant 112 : index
      %get3A_287 = tpu.vector_load %arg18[%get3A_285, %get3A_286] {strides = array<i32>} : memref<128x128xi32, #tpu.memory_space<vmem>>, vector<16xi32>,
      %and3A_288 = arith.andi %get3A_287, %broadcast_in_dim3A_65 : vector<16xi32>
      %bitcast3A_289 = vector.bitcast %and3A_288 : vector<16xi32> to vector<16xf32>
      %get3A_290 = arith.index_cast %scan3A_178 : i32 to index
      %get3A_291 = arith.constant 112 : index
      %get3A_292 = tpu.vector_load %arg19[%get3A_290, %get3A_291] {strides = array<i32>} : memref<128x128xi32, #tpu.memory_space<vmem>>, vector<16xi32>,
      %shift_left3A_293 = arith.constant 16 : i32
      %shift_left3A_294 = vector.broadcast %shift_left3A_293 : i32 to vector<16xi32>
      %shift_left3A_295 = arith.shli %get3A_292, %shift_left3A_294 : vector<16xi32>
      %bitcast3A_296 = vector.bitcast %shift_left3A_295 : vector<16xi32> to vector<16xf32>
      %add3A_297 = arith.addf %bitcast3A_289, %bitcast3A_296 : vector<16xf32>
      %swap3A_298 = arith.index_cast %scan3A_178 : i32 to index
      %swap3A_299 = arith.constant 48 : index
      %swap3A_300 = tpu.vector_load %arg20[%swap3A_298, %swap3A_299] {strides = array<i32>} : memref<128x64xf32, #tpu.memory_space<vmem>>, vector<16xf32>,
      tpu.vector_store %arg20[%swap3A_298, %swap3A_299], %add3A_284 {strides = array<i32>} : memref<128x64xf32, #tpu.memory_space<vmem>>, vector<16xf32>,
      %mul3A_301 = arith.mulf %add3A_284, %add3A_297 : vector<16xf32>
      %add3A_302 = arith.addf %scan3A_182, %mul3A_301 : vector<16xf32>
      scf.yield %add3A_209, %add3A_240, %add3A_271, %add3A_302 : vector<16xf32>, vector<16xf32>, vector<16xf32>, vector<16xf32>
    }
    %scan3A_70 = arith.constant 128 : i32
    %dma_wait3A_71 = arith.constant 0 : i32
    %dma_wait3A_72 = tpu.memref_slice %arg14[%dma_wait3A_71] : memref<640xi32, #tpu.memory_space<vmem>> -> memref<160xi32, #tpu.memory_space<vmem>>
    %dma_wait3A_73 = arith.constant 0 : i32
    %dma_wait3A_74 = arith.constant 0 : i32
    %dma_wait3A_75 = tpu.memref_slice %arg8[%dma_wait3A_73, %dma_wait3A_74] : memref<100000x128xi32, #tpu.memory_space<hbm>> -> memref<100000x128xi32, #tpu.memory_space<hbm>>
    tpu.wait_indirect_dma semaphore(%arg25 : memref<!tpu.dma_semaphore, #tpu.memory_space<semaphore_mem>>) src(%dma_wait3A_75 : memref<100000x128xi32, #tpu.memory_space<hbm>>) dst(%arg21 : memref<160x128xi32, #tpu.memory_space<vmem>>)
    %dma_wait3A_76 = arith.constant 0 : i32
    %dma_wait3A_77 = tpu.memref_slice %arg15[%dma_wait3A_76] : memref<640xi32, #tpu.memory_space<vmem>> -> memref<160xi32, #tpu.memory_space<vmem>>
    %dma_wait3A_78 = arith.constant 0 : i32
    %dma_wait3A_79 = arith.constant 0 : i32
    %dma_wait3A_80 = tpu.memref_slice %arg8[%dma_wait3A_78, %dma_wait3A_79] : memref<100000x128xi32, #tpu.memory_space<hbm>> -> memref<100000x128xi32, #tpu.memory_space<hbm>>
    tpu.wait_indirect_dma semaphore(%arg25 : memref<!tpu.dma_semaphore, #tpu.memory_space<semaphore_mem>>) src(%dma_wait3A_80 : memref<100000x128xi32, #tpu.memory_space<hbm>>) dst(%arg22 : memref<160x128xi32, #tpu.memory_space<vmem>>)
    %scan3A_81 = arith.constant 0 : i32
    %scan3A_82 = arith.constant 32 : i32
    %scan3A_83 = arith.addi %scan3A_81, %scan3A_82 : i32
    %scan3A_84 = arith.constant 1 : i32
    %scan3A_85:4 = scf.for %scan3A_178 = %scan3A_81 to %scan3A_83 step %scan3A_84 iter_args(%scan3A_179 = %broadcast_in_dim3A_63, %scan3A_180 = %broadcast_in_dim3A_63, %scan3A_181 = %broadcast_in_dim3A_63, %scan3A_182 = %broadcast_in_dim3A_63) -> (vector<16xf32>, vector<16xf32>, vector<16xf32>, vector<16xf32>)  : i32 {
      %mul3A_183 = arith.constant 5 : i32
      %mul3A_184 = arith.muli %scan3A_178, %mul3A_183 : i32
      %get3A = arith.index_cast %mul3A_184 : i32 to index
      %get3A_185 = arith.constant 64 : index
      %get3A_186 = tpu.vector_load %arg21[%get3A, %get3A_185] {strides = array<i32>} : memref<160x128xi32, #tpu.memory_space<vmem>>, vector<16xi32>,
      %and3A = arith.andi %get3A_186, %broadcast_in_dim3A_65 : vector<16xi32>
      %bitcast3A = vector.bitcast %and3A : vector<16xi32> to vector<16xf32>
      %mul3A_187 = arith.constant 5 : i32
      %mul3A_188 = arith.muli %scan3A_178, %mul3A_187 : i32
      %get3A_189 = arith.index_cast %mul3A_188 : i32 to index
      %get3A_190 = arith.constant 64 : index
      %get3A_191 = tpu.vector_load %arg22[%get3A_189, %get3A_190] {strides = array<i32>} : memref<160x128xi32, #tpu.memory_space<vmem>>, vector<16xi32>,
      %shift_left3A = arith.constant 16 : i32
      %shift_left3A_192 = vector.broadcast %shift_left3A : i32 to vector<16xi32>
      %shift_left3A_193 = arith.shli %get3A_191, %shift_left3A_192 : vector<16xi32>
      %bitcast3A_194 = vector.bitcast %shift_left3A_193 : vector<16xi32> to vector<16xf32>
      %add3A_195 = arith.addf %bitcast3A, %bitcast3A_194 : vector<16xf32>
      %mul3A_196 = arith.constant 5 : i32
      %mul3A_197 = arith.muli %scan3A_178, %mul3A_196 : i32
      %add3A_198 = arith.constant 1 : i32
      %add3A_199 = arith.addi %mul3A_197, %add3A_198 : i32
      %get3A_200 = arith.index_cast %add3A_199 : i32 to index
      %get3A_201 = arith.constant 64 : index
      %get3A_202 = tpu.vector_load %arg21[%get3A_200, %get3A_201] {strides = array<i32>} : memref<160x128xi32, #tpu.memory_space<vmem>>, vector<16xi32>,
      %and3A_203 = arith.andi %get3A_202, %broadcast_in_dim3A_65 : vector<16xi32>
      %bitcast3A_204 = vector.bitcast %and3A_203 : vector<16xi32> to vector<16xf32>
      %add3A_205 = arith.addf %add3A_195, %bitcast3A_204 : vector<16xf32>
      %mul3A_206 = arith.constant 5 : i32
      %mul3A_207 = arith.muli %scan3A_178, %mul3A_206 : i32
      %add3A_208 = arith.constant 1 : i32
      %add3A_209 = arith.addi %mul3A_207, %add3A_208 : i32
      %get3A_210 = arith.index_cast %add3A_209 : i32 to index
      %get3A_211 = arith.constant 64 : index
      %get3A_212 = tpu.vector_load %arg22[%get3A_210, %get3A_211] {strides = array<i32>} : memref<160x128xi32, #tpu.memory_space<vmem>>, vector<16xi32>,
      %shift_left3A_213 = arith.constant 16 : i32
      %shift_left3A_214 = vector.broadcast %shift_left3A_213 : i32 to vector<16xi32>
      %shift_left3A_215 = arith.shli %get3A_212, %shift_left3A_214 : vector<16xi32>
      %bitcast3A_216 = vector.bitcast %shift_left3A_215 : vector<16xi32> to vector<16xf32>
      %add3A_217 = arith.addf %add3A_205, %bitcast3A_216 : vector<16xf32>
      %mul3A_218 = arith.constant 5 : i32
      %mul3A_219 = arith.muli %scan3A_178, %mul3A_218 : i32
      %add3A_220 = arith.constant 2 : i32
      %add3A_221 = arith.addi %mul3A_219, %add3A_220 : i32
      %get3A_222 = arith.index_cast %add3A_221 : i32 to index
      %get3A_223 = arith.constant 64 : index
      %get3A_224 = tpu.vector_load %arg21[%get3A_222, %get3A_223] {strides = array<i32>} : memref<160x128xi32, #tpu.memory_space<vmem>>, vector<16xi32>,
      %and3A_225 = arith.andi %get3A_224, %broadcast_in_dim3A_65 : vector<16xi32>
      %bitcast3A_226 = vector.bitcast %and3A_225 : vector<16xi32> to vector<16xf32>
      %add3A_227 = arith.addf %add3A_217, %bitcast3A_226 : vector<16xf32>
      %mul3A_228 = arith.constant 5 : i32
      %mul3A_229 = arith.muli %scan3A_178, %mul3A_228 : i32
      %add3A_230 = arith.constant 2 : i32
      %add3A_231 = arith.addi %mul3A_229, %add3A_230 : i32
      %get3A_232 = arith.index_cast %add3A_231 : i32 to index
      %get3A_233 = arith.constant 64 : index
      %get3A_234 = tpu.vector_load %arg22[%get3A_232, %get3A_233] {strides = array<i32>} : memref<160x128xi32, #tpu.memory_space<vmem>>, vector<16xi32>,
      %shift_left3A_235 = arith.constant 16 : i32
      %shift_left3A_236 = vector.broadcast %shift_left3A_235 : i32 to vector<16xi32>
      %shift_left3A_237 = arith.shli %get3A_234, %shift_left3A_236 : vector<16xi32>
      %bitcast3A_238 = vector.bitcast %shift_left3A_237 : vector<16xi32> to vector<16xf32>
      %add3A_239 = arith.addf %add3A_227, %bitcast3A_238 : vector<16xf32>
      %mul3A_240 = arith.constant 5 : i32
      %mul3A_241 = arith.muli %scan3A_178, %mul3A_240 : i32
      %add3A_242 = arith.constant 3 : i32
      %add3A_243 = arith.addi %mul3A_241, %add3A_242 : i32
      %get3A_244 = arith.index_cast %add3A_243 : i32 to index
      %get3A_245 = arith.constant 64 : index
      %get3A_246 = tpu.vector_load %arg21[%get3A_244, %get3A_245] {strides = array<i32>} : memref<160x128xi32, #tpu.memory_space<vmem>>, vector<16xi32>,
      %and3A_247 = arith.andi %get3A_246, %broadcast_in_dim3A_65 : vector<16xi32>
      %bitcast3A_248 = vector.bitcast %and3A_247 : vector<16xi32> to vector<16xf32>
      %add3A_249 = arith.addf %add3A_239, %bitcast3A_248 : vector<16xf32>
      %mul3A_250 = arith.constant 5 : i32
      %mul3A_251 = arith.muli %scan3A_178, %mul3A_250 : i32
      %add3A_252 = arith.constant 3 : i32
      %add3A_253 = arith.addi %mul3A_251, %add3A_252 : i32
      %get3A_254 = arith.index_cast %add3A_253 : i32 to index
      %get3A_255 = arith.constant 64 : index
      %get3A_256 = tpu.vector_load %arg22[%get3A_254, %get3A_255] {strides = array<i32>} : memref<160x128xi32, #tpu.memory_space<vmem>>, vector<16xi32>,
      %shift_left3A_257 = arith.constant 16 : i32
      %shift_left3A_258 = vector.broadcast %shift_left3A_257 : i32 to vector<16xi32>
      %shift_left3A_259 = arith.shli %get3A_256, %shift_left3A_258 : vector<16xi32>
      %bitcast3A_260 = vector.bitcast %shift_left3A_259 : vector<16xi32> to vector<16xf32>
      %add3A_261 = arith.addf %add3A_249, %bitcast3A_260 : vector<16xf32>
      %mul3A_262 = arith.constant 5 : i32
      %mul3A_263 = arith.muli %scan3A_178, %mul3A_262 : i32
      %add3A_264 = arith.constant 4 : i32
      %add3A_265 = arith.addi %mul3A_263, %add3A_264 : i32
      %get3A_266 = arith.index_cast %add3A_265 : i32 to index
      %get3A_267 = arith.constant 64 : index
      %get3A_268 = tpu.vector_load %arg21[%get3A_266, %get3A_267] {strides = array<i32>} : memref<160x128xi32, #tpu.memory_space<vmem>>, vector<16xi32>,
      %and3A_269 = arith.andi %get3A_268, %broadcast_in_dim3A_65 : vector<16xi32>
      %bitcast3A_270 = vector.bitcast %and3A_269 : vector<16xi32> to vector<16xf32>
      %add3A_271 = arith.addf %add3A_261, %bitcast3A_270 : vector<16xf32>
      %mul3A_272 = arith.constant 5 : i32
      %mul3A_273 = arith.muli %scan3A_178, %mul3A_272 : i32
      %add3A_274 = arith.constant 4 : i32
      %add3A_275 = arith.addi %mul3A_273, %add3A_274 : i32
      %get3A_276 = arith.index_cast %add3A_275 : i32 to index
      %get3A_277 = arith.constant 64 : index
      %get3A_278 = tpu.vector_load %arg22[%get3A_276, %get3A_277] {strides = array<i32>} : memref<160x128xi32, #tpu.memory_space<vmem>>, vector<16xi32>,
      %shift_left3A_279 = arith.constant 16 : i32
      %shift_left3A_280 = vector.broadcast %shift_left3A_279 : i32 to vector<16xi32>
      %shift_left3A_281 = arith.shli %get3A_278, %shift_left3A_280 : vector<16xi32>
      %bitcast3A_282 = vector.bitcast %shift_left3A_281 : vector<16xi32> to vector<16xf32>
      %add3A_283 = arith.addf %add3A_271, %bitcast3A_282 : vector<16xf32>
      %add3A_284 = arith.constant 0 : i32
      %add3A_285 = arith.addi %add3A_284, %scan3A_178 : i32
      %get3A_286 = arith.index_cast %add3A_285 : i32 to index
      %get3A_287 = arith.constant 0 : index
      %get3A_288 = tpu.vector_load %arg20[%get3A_286, %get3A_287] {strides = array<i32>} : memref<128x64xf32, #tpu.memory_space<vmem>>, vector<16xf32>,
      %mul3A_289 = arith.mulf %get3A_288, %add3A_283 : vector<16xf32>
      %add3A_290 = arith.addf %scan3A_179, %mul3A_289 : vector<16xf32>
      %mul3A_291 = arith.constant 5 : i32
      %mul3A_292 = arith.muli %scan3A_178, %mul3A_291 : i32
      %get3A_293 = arith.index_cast %mul3A_292 : i32 to index
      %get3A_294 = arith.constant 80 : index
      %get3A_295 = tpu.vector_load %arg21[%get3A_293, %get3A_294] {strides = array<i32>} : memref<160x128xi32, #tpu.memory_space<vmem>>, vector<16xi32>,
      %and3A_296 = arith.andi %get3A_295, %broadcast_in_dim3A_65 : vector<16xi32>
      %bitcast3A_297 = vector.bitcast %and3A_296 : vector<16xi32> to vector<16xf32>
      %mul3A_298 = arith.constant 5 : i32
      %mul3A_299 = arith.muli %scan3A_178, %mul3A_298 : i32
      %get3A_300 = arith.index_cast %mul3A_299 : i32 to index
      %get3A_301 = arith.constant 80 : index
      %get3A_302 = tpu.vector_load %arg22[%get3A_300, %get3A_301] {strides = array<i32>} : memref<160x128xi32, #tpu.memory_space<vmem>>, vector<16xi32>,
      %shift_left3A_303 = arith.constant 16 : i32
      %shift_left3A_304 = vector.broadcast %shift_left3A_303 : i32 to vector<16xi32>
      %shift_left3A_305 = arith.shli %get3A_302, %shift_left3A_304 : vector<16xi32>
      %bitcast3A_306 = vector.bitcast %shift_left3A_305 : vector<16xi32> to vector<16xf32>
      %add3A_307 = arith.addf %bitcast3A_297, %bitcast3A_306 : vector<16xf32>
      %mul3A_308 = arith.constant 5 : i32
      %mul3A_309 = arith.muli %scan3A_178, %mul3A_308 : i32
      %add3A_310 = arith.constant 1 : i32
      %add3A_311 = arith.addi %mul3A_309, %add3A_310 : i32
      %get3A_312 = arith.index_cast %add3A_311 : i32 to index
      %get3A_313 = arith.constant 80 : index
      %get3A_314 = tpu.vector_load %arg21[%get3A_312, %get3A_313] {strides = array<i32>} : memref<160x128xi32, #tpu.memory_space<vmem>>, vector<16xi32>,
      %and3A_315 = arith.andi %get3A_314, %broadcast_in_dim3A_65 : vector<16xi32>
      %bitcast3A_316 = vector.bitcast %and3A_315 : vector<16xi32> to vector<16xf32>
      %add3A_317 = arith.addf %add3A_307, %bitcast3A_316 : vector<16xf32>
      %mul3A_318 = arith.constant 5 : i32
      %mul3A_319 = arith.muli %scan3A_178, %mul3A_318 : i32
      %add3A_320 = arith.constant 1 : i32
      %add3A_321 = arith.addi %mul3A_319, %add3A_320 : i32
      %get3A_322 = arith.index_cast %add3A_321 : i32 to index
      %get3A_323 = arith.constant 80 : index
      %get3A_324 = tpu.vector_load %arg22[%get3A_322, %get3A_323] {strides = array<i32>} : memref<160x128xi32, #tpu.memory_space<vmem>>, vector<16xi32>,
      %shift_left3A_325 = arith.constant 16 : i32
      %shift_left3A_326 = vector.broadcast %shift_left3A_325 : i32 to vector<16xi32>
      %shift_left3A_327 = arith.shli %get3A_324, %shift_left3A_326 : vector<16xi32>
      %bitcast3A_328 = vector.bitcast %shift_left3A_327 : vector<16xi32> to vector<16xf32>
      %add3A_329 = arith.addf %add3A_317, %bitcast3A_328 : vector<16xf32>
      %mul3A_330 = arith.constant 5 : i32
      %mul3A_331 = arith.muli %scan3A_178, %mul3A_330 : i32
      %add3A_332 = arith.constant 2 : i32
      %add3A_333 = arith.addi %mul3A_331, %add3A_332 : i32
      %get3A_334 = arith.index_cast %add3A_333 : i32 to index
      %get3A_335 = arith.constant 80 : index
      %get3A_336 = tpu.vector_load %arg21[%get3A_334, %get3A_335] {strides = array<i32>} : memref<160x128xi32, #tpu.memory_space<vmem>>, vector<16xi32>,
      %and3A_337 = arith.andi %get3A_336, %broadcast_in_dim3A_65 : vector<16xi32>
      %bitcast3A_338 = vector.bitcast %and3A_337 : vector<16xi32> to vector<16xf32>
      %add3A_339 = arith.addf %add3A_329, %bitcast3A_338 : vector<16xf32>
      %mul3A_340 = arith.constant 5 : i32
      %mul3A_341 = arith.muli %scan3A_178, %mul3A_340 : i32
      %add3A_342 = arith.constant 2 : i32
      %add3A_343 = arith.addi %mul3A_341, %add3A_342 : i32
      %get3A_344 = arith.index_cast %add3A_343 : i32 to index
      %get3A_345 = arith.constant 80 : index
      %get3A_346 = tpu.vector_load %arg22[%get3A_344, %get3A_345] {strides = array<i32>} : memref<160x128xi32, #tpu.memory_space<vmem>>, vector<16xi32>,
      %shift_left3A_347 = arith.constant 16 : i32
      %shift_left3A_348 = vector.broadcast %shift_left3A_347 : i32 to vector<16xi32>
      %shift_left3A_349 = arith.shli %get3A_346, %shift_left3A_348 : vector<16xi32>
      %bitcast3A_350 = vector.bitcast %shift_left3A_349 : vector<16xi32> to vector<16xf32>
      %add3A_351 = arith.addf %add3A_339, %bitcast3A_350 : vector<16xf32>
      %mul3A_352 = arith.constant 5 : i32
      %mul3A_353 = arith.muli %scan3A_178, %mul3A_352 : i32
      %add3A_354 = arith.constant 3 : i32
      %add3A_355 = arith.addi %mul3A_353, %add3A_354 : i32
      %get3A_356 = arith.index_cast %add3A_355 : i32 to index
      %get3A_357 = arith.constant 80 : index
      %get3A_358 = tpu.vector_load %arg21[%get3A_356, %get3A_357] {strides = array<i32>} : memref<160x128xi32, #tpu.memory_space<vmem>>, vector<16xi32>,
      %and3A_359 = arith.andi %get3A_358, %broadcast_in_dim3A_65 : vector<16xi32>
      %bitcast3A_360 = vector.bitcast %and3A_359 : vector<16xi32> to vector<16xf32>
      %add3A_361 = arith.addf %add3A_351, %bitcast3A_360 : vector<16xf32>
      %mul3A_362 = arith.constant 5 : i32
      %mul3A_363 = arith.muli %scan3A_178, %mul3A_362 : i32
      %add3A_364 = arith.constant 3 : i32
      %add3A_365 = arith.addi %mul3A_363, %add3A_364 : i32
      %get3A_366 = arith.index_cast %add3A_365 : i32 to index
      %get3A_367 = arith.constant 80 : index
      %get3A_368 = tpu.vector_load %arg22[%get3A_366, %get3A_367] {strides = array<i32>} : memref<160x128xi32, #tpu.memory_space<vmem>>, vector<16xi32>,
      %shift_left3A_369 = arith.constant 16 : i32
      %shift_left3A_370 = vector.broadcast %shift_left3A_369 : i32 to vector<16xi32>
      %shift_left3A_371 = arith.shli %get3A_368, %shift_left3A_370 : vector<16xi32>
      %bitcast3A_372 = vector.bitcast %shift_left3A_371 : vector<16xi32> to vector<16xf32>
      %add3A_373 = arith.addf %add3A_361, %bitcast3A_372 : vector<16xf32>
      %mul3A_374 = arith.constant 5 : i32
      %mul3A_375 = arith.muli %scan3A_178, %mul3A_374 : i32
      %add3A_376 = arith.constant 4 : i32
      %add3A_377 = arith.addi %mul3A_375, %add3A_376 : i32
      %get3A_378 = arith.index_cast %add3A_377 : i32 to index
      %get3A_379 = arith.constant 80 : index
      %get3A_380 = tpu.vector_load %arg21[%get3A_378, %get3A_379] {strides = array<i32>} : memref<160x128xi32, #tpu.memory_space<vmem>>, vector<16xi32>,
      %and3A_381 = arith.andi %get3A_380, %broadcast_in_dim3A_65 : vector<16xi32>
      %bitcast3A_382 = vector.bitcast %and3A_381 : vector<16xi32> to vector<16xf32>
      %add3A_383 = arith.addf %add3A_373, %bitcast3A_382 : vector<16xf32>
      %mul3A_384 = arith.constant 5 : i32
      %mul3A_385 = arith.muli %scan3A_178, %mul3A_384 : i32
      %add3A_386 = arith.constant 4 : i32
      %add3A_387 = arith.addi %mul3A_385, %add3A_386 : i32
      %get3A_388 = arith.index_cast %add3A_387 : i32 to index
      %get3A_389 = arith.constant 80 : index
      %get3A_390 = tpu.vector_load %arg22[%get3A_388, %get3A_389] {strides = array<i32>} : memref<160x128xi32, #tpu.memory_space<vmem>>, vector<16xi32>,
      %shift_left3A_391 = arith.constant 16 : i32
      %shift_left3A_392 = vector.broadcast %shift_left3A_391 : i32 to vector<16xi32>
      %shift_left3A_393 = arith.shli %get3A_390, %shift_left3A_392 : vector<16xi32>
      %bitcast3A_394 = vector.bitcast %shift_left3A_393 : vector<16xi32> to vector<16xf32>
      %add3A_395 = arith.addf %add3A_383, %bitcast3A_394 : vector<16xf32>
      %add3A_396 = arith.constant 0 : i32
      %add3A_397 = arith.addi %add3A_396, %scan3A_178 : i32
      %get3A_398 = arith.index_cast %add3A_397 : i32 to index
      %get3A_399 = arith.constant 16 : index
      %get3A_400 = tpu.vector_load %arg20[%get3A_398, %get3A_399] {strides = array<i32>} : memref<128x64xf32, #tpu.memory_space<vmem>>, vector<16xf32>,
      %mul3A_401 = arith.mulf %get3A_400, %add3A_395 : vector<16xf32>
      %add3A_402 = arith.addf %scan3A_180, %mul3A_401 : vector<16xf32>
      %mul3A_403 = arith.constant 5 : i32
      %mul3A_404 = arith.muli %scan3A_178, %mul3A_403 : i32
      %get3A_405 = arith.index_cast %mul3A_404 : i32 to index
      %get3A_406 = arith.constant 96 : index
      %get3A_407 = tpu.vector_load %arg21[%get3A_405, %get3A_406] {strides = array<i32>} : memref<160x128xi32, #tpu.memory_space<vmem>>, vector<16xi32>,
      %and3A_408 = arith.andi %get3A_407, %broadcast_in_dim3A_65 : vector<16xi32>
      %bitcast3A_409 = vector.bitcast %and3A_408 : vector<16xi32> to vector<16xf32>
      %mul3A_410 = arith.constant 5 : i32
      %mul3A_411 = arith.muli %scan3A_178, %mul3A_410 : i32
      %get3A_412 = arith.index_cast %mul3A_411 : i32 to index
      %get3A_413 = arith.constant 96 : index
      %get3A_414 = tpu.vector_load %arg22[%get3A_412, %get3A_413] {strides = array<i32>} : memref<160x128xi32, #tpu.memory_space<vmem>>, vector<16xi32>,
      %shift_left3A_415 = arith.constant 16 : i32
      %shift_left3A_416 = vector.broadcast %shift_left3A_415 : i32 to vector<16xi32>
      %shift_left3A_417 = arith.shli %get3A_414, %shift_left3A_416 : vector<16xi32>
      %bitcast3A_418 = vector.bitcast %shift_left3A_417 : vector<16xi32> to vector<16xf32>
      %add3A_419 = arith.addf %bitcast3A_409, %bitcast3A_418 : vector<16xf32>
      %mul3A_420 = arith.constant 5 : i32
      %mul3A_421 = arith.muli %scan3A_178, %mul3A_420 : i32
      %add3A_422 = arith.constant 1 : i32
      %add3A_423 = arith.addi %mul3A_421, %add3A_422 : i32
      %get3A_424 = arith.index_cast %add3A_423 : i32 to index
      %get3A_425 = arith.constant 96 : index
      %get3A_426 = tpu.vector_load %arg21[%get3A_424, %get3A_425] {strides = array<i32>} : memref<160x128xi32, #tpu.memory_space<vmem>>, vector<16xi32>,
      %and3A_427 = arith.andi %get3A_426, %broadcast_in_dim3A_65 : vector<16xi32>
      %bitcast3A_428 = vector.bitcast %and3A_427 : vector<16xi32> to vector<16xf32>
      %add3A_429 = arith.addf %add3A_419, %bitcast3A_428 : vector<16xf32>
      %mul3A_430 = arith.constant 5 : i32
      %mul3A_431 = arith.muli %scan3A_178, %mul3A_430 : i32
      %add3A_432 = arith.constant 1 : i32
      %add3A_433 = arith.addi %mul3A_431, %add3A_432 : i32
      %get3A_434 = arith.index_cast %add3A_433 : i32 to index
      %get3A_435 = arith.constant 96 : index
      %get3A_436 = tpu.vector_load %arg22[%get3A_434, %get3A_435] {strides = array<i32>} : memref<160x128xi32, #tpu.memory_space<vmem>>, vector<16xi32>,
      %shift_left3A_437 = arith.constant 16 : i32
      %shift_left3A_438 = vector.broadcast %shift_left3A_437 : i32 to vector<16xi32>
      %shift_left3A_439 = arith.shli %get3A_436, %shift_left3A_438 : vector<16xi32>
      %bitcast3A_440 = vector.bitcast %shift_left3A_439 : vector<16xi32> to vector<16xf32>
      %add3A_441 = arith.addf %add3A_429, %bitcast3A_440 : vector<16xf32>
      %mul3A_442 = arith.constant 5 : i32
      %mul3A_443 = arith.muli %scan3A_178, %mul3A_442 : i32
      %add3A_444 = arith.constant 2 : i32
      %add3A_445 = arith.addi %mul3A_443, %add3A_444 : i32
      %get3A_446 = arith.index_cast %add3A_445 : i32 to index
      %get3A_447 = arith.constant 96 : index
      %get3A_448 = tpu.vector_load %arg21[%get3A_446, %get3A_447] {strides = array<i32>} : memref<160x128xi32, #tpu.memory_space<vmem>>, vector<16xi32>,
      %and3A_449 = arith.andi %get3A_448, %broadcast_in_dim3A_65 : vector<16xi32>
      %bitcast3A_450 = vector.bitcast %and3A_449 : vector<16xi32> to vector<16xf32>
      %add3A_451 = arith.addf %add3A_441, %bitcast3A_450 : vector<16xf32>
      %mul3A_452 = arith.constant 5 : i32
      %mul3A_453 = arith.muli %scan3A_178, %mul3A_452 : i32
      %add3A_454 = arith.constant 2 : i32
      %add3A_455 = arith.addi %mul3A_453, %add3A_454 : i32
      %get3A_456 = arith.index_cast %add3A_455 : i32 to index
      %get3A_457 = arith.constant 96 : index
      %get3A_458 = tpu.vector_load %arg22[%get3A_456, %get3A_457] {strides = array<i32>} : memref<160x128xi32, #tpu.memory_space<vmem>>, vector<16xi32>,
      %shift_left3A_459 = arith.constant 16 : i32
      %shift_left3A_460 = vector.broadcast %shift_left3A_459 : i32 to vector<16xi32>
      %shift_left3A_461 = arith.shli %get3A_458, %shift_left3A_460 : vector<16xi32>
      %bitcast3A_462 = vector.bitcast %shift_left3A_461 : vector<16xi32> to vector<16xf32>
      %add3A_463 = arith.addf %add3A_451, %bitcast3A_462 : vector<16xf32>
      %mul3A_464 = arith.constant 5 : i32
      %mul3A_465 = arith.muli %scan3A_178, %mul3A_464 : i32
      %add3A_466 = arith.constant 3 : i32
      %add3A_467 = arith.addi %mul3A_465, %add3A_466 : i32
      %get3A_468 = arith.index_cast %add3A_467 : i32 to index
      %get3A_469 = arith.constant 96 : index
      %get3A_470 = tpu.vector_load %arg21[%get3A_468, %get3A_469] {strides = array<i32>} : memref<160x128xi32, #tpu.memory_space<vmem>>, vector<16xi32>,
      %and3A_471 = arith.andi %get3A_470, %broadcast_in_dim3A_65 : vector<16xi32>
      %bitcast3A_472 = vector.bitcast %and3A_471 : vector<16xi32> to vector<16xf32>
      %add3A_473 = arith.addf %add3A_463, %bitcast3A_472 : vector<16xf32>
      %mul3A_474 = arith.constant 5 : i32
      %mul3A_475 = arith.muli %scan3A_178, %mul3A_474 : i32
      %add3A_476 = arith.constant 3 : i32
      %add3A_477 = arith.addi %mul3A_475, %add3A_476 : i32
      %get3A_478 = arith.index_cast %add3A_477 : i32 to index
      %get3A_479 = arith.constant 96 : index
      %get3A_480 = tpu.vector_load %arg22[%get3A_478, %get3A_479] {strides = array<i32>} : memref<160x128xi32, #tpu.memory_space<vmem>>, vector<16xi32>,
      %shift_left3A_481 = arith.constant 16 : i32
      %shift_left3A_482 = vector.broadcast %shift_left3A_481 : i32 to vector<16xi32>
      %shift_left3A_483 = arith.shli %get3A_480, %shift_left3A_482 : vector<16xi32>
      %bitcast3A_484 = vector.bitcast %shift_left3A_483 : vector<16xi32> to vector<16xf32>
      %add3A_485 = arith.addf %add3A_473, %bitcast3A_484 : vector<16xf32>
      %mul3A_486 = arith.constant 5 : i32
      %mul3A_487 = arith.muli %scan3A_178, %mul3A_486 : i32
      %add3A_488 = arith.constant 4 : i32
      %add3A_489 = arith.addi %mul3A_487, %add3A_488 : i32
      %get3A_490 = arith.index_cast %add3A_489 : i32 to index
      %get3A_491 = arith.constant 96 : index
      %get3A_492 = tpu.vector_load %arg21[%get3A_490, %get3A_491] {strides = array<i32>} : memref<160x128xi32, #tpu.memory_space<vmem>>, vector<16xi32>,
      %and3A_493 = arith.andi %get3A_492, %broadcast_in_dim3A_65 : vector<16xi32>
      %bitcast3A_494 = vector.bitcast %and3A_493 : vector<16xi32> to vector<16xf32>
      %add3A_495 = arith.addf %add3A_485, %bitcast3A_494 : vector<16xf32>
      %mul3A_496 = arith.constant 5 : i32
      %mul3A_497 = arith.muli %scan3A_178, %mul3A_496 : i32
      %add3A_498 = arith.constant 4 : i32
      %add3A_499 = arith.addi %mul3A_497, %add3A_498 : i32
      %get3A_500 = arith.index_cast %add3A_499 : i32 to index
      %get3A_501 = arith.constant 96 : index
      %get3A_502 = tpu.vector_load %arg22[%get3A_500, %get3A_501] {strides = array<i32>} : memref<160x128xi32, #tpu.memory_space<vmem>>, vector<16xi32>,
      %shift_left3A_503 = arith.constant 16 : i32
      %shift_left3A_504 = vector.broadcast %shift_left3A_503 : i32 to vector<16xi32>
      %shift_left3A_505 = arith.shli %get3A_502, %shift_left3A_504 : vector<16xi32>
      %bitcast3A_506 = vector.bitcast %shift_left3A_505 : vector<16xi32> to vector<16xf32>
      %add3A_507 = arith.addf %add3A_495, %bitcast3A_506 : vector<16xf32>
      %add3A_508 = arith.constant 0 : i32
      %add3A_509 = arith.addi %add3A_508, %scan3A_178 : i32
      %get3A_510 = arith.index_cast %add3A_509 : i32 to index
      %get3A_511 = arith.constant 32 : index
      %get3A_512 = tpu.vector_load %arg20[%get3A_510, %get3A_511] {strides = array<i32>} : memref<128x64xf32, #tpu.memory_space<vmem>>, vector<16xf32>,
      %mul3A_513 = arith.mulf %get3A_512, %add3A_507 : vector<16xf32>
      %add3A_514 = arith.addf %scan3A_181, %mul3A_513 : vector<16xf32>
      %mul3A_515 = arith.constant 5 : i32
      %mul3A_516 = arith.muli %scan3A_178, %mul3A_515 : i32
      %get3A_517 = arith.index_cast %mul3A_516 : i32 to index
      %get3A_518 = arith.constant 112 : index
      %get3A_519 = tpu.vector_load %arg21[%get3A_517, %get3A_518] {strides = array<i32>} : memref<160x128xi32, #tpu.memory_space<vmem>>, vector<16xi32>,
      %and3A_520 = arith.andi %get3A_519, %broadcast_in_dim3A_65 : vector<16xi32>
      %bitcast3A_521 = vector.bitcast %and3A_520 : vector<16xi32> to vector<16xf32>
      %mul3A_522 = arith.constant 5 : i32
      %mul3A_523 = arith.muli %scan3A_178, %mul3A_522 : i32
      %get3A_524 = arith.index_cast %mul3A_523 : i32 to index
      %get3A_525 = arith.constant 112 : index
      %get3A_526 = tpu.vector_load %arg22[%get3A_524, %get3A_525] {strides = array<i32>} : memref<160x128xi32, #tpu.memory_space<vmem>>, vector<16xi32>,
      %shift_left3A_527 = arith.constant 16 : i32
      %shift_left3A_528 = vector.broadcast %shift_left3A_527 : i32 to vector<16xi32>
      %shift_left3A_529 = arith.shli %get3A_526, %shift_left3A_528 : vector<16xi32>
      %bitcast3A_530 = vector.bitcast %shift_left3A_529 : vector<16xi32> to vector<16xf32>
      %add3A_531 = arith.addf %bitcast3A_521, %bitcast3A_530 : vector<16xf32>
      %mul3A_532 = arith.constant 5 : i32
      %mul3A_533 = arith.muli %scan3A_178, %mul3A_532 : i32
      %add3A_534 = arith.constant 1 : i32
      %add3A_535 = arith.addi %mul3A_533, %add3A_534 : i32
      %get3A_536 = arith.index_cast %add3A_535 : i32 to index
      %get3A_537 = arith.constant 112 : index
      %get3A_538 = tpu.vector_load %arg21[%get3A_536, %get3A_537] {strides = array<i32>} : memref<160x128xi32, #tpu.memory_space<vmem>>, vector<16xi32>,
      %and3A_539 = arith.andi %get3A_538, %broadcast_in_dim3A_65 : vector<16xi32>
      %bitcast3A_540 = vector.bitcast %and3A_539 : vector<16xi32> to vector<16xf32>
      %add3A_541 = arith.addf %add3A_531, %bitcast3A_540 : vector<16xf32>
      %mul3A_542 = arith.constant 5 : i32
      %mul3A_543 = arith.muli %scan3A_178, %mul3A_542 : i32
      %add3A_544 = arith.constant 1 : i32
      %add3A_545 = arith.addi %mul3A_543, %add3A_544 : i32
      %get3A_546 = arith.index_cast %add3A_545 : i32 to index
      %get3A_547 = arith.constant 112 : index
      %get3A_548 = tpu.vector_load %arg22[%get3A_546, %get3A_547] {strides = array<i32>} : memref<160x128xi32, #tpu.memory_space<vmem>>, vector<16xi32>,
      %shift_left3A_549 = arith.constant 16 : i32
      %shift_left3A_550 = vector.broadcast %shift_left3A_549 : i32 to vector<16xi32>
      %shift_left3A_551 = arith.shli %get3A_548, %shift_left3A_550 : vector<16xi32>
      %bitcast3A_552 = vector.bitcast %shift_left3A_551 : vector<16xi32> to vector<16xf32>
      %add3A_553 = arith.addf %add3A_541, %bitcast3A_552 : vector<16xf32>
      %mul3A_554 = arith.constant 5 : i32
      %mul3A_555 = arith.muli %scan3A_178, %mul3A_554 : i32
      %add3A_556 = arith.constant 2 : i32
      %add3A_557 = arith.addi %mul3A_555, %add3A_556 : i32
      %get3A_558 = arith.index_cast %add3A_557 : i32 to index
      %get3A_559 = arith.constant 112 : index
      %get3A_560 = tpu.vector_load %arg21[%get3A_558, %get3A_559] {strides = array<i32>} : memref<160x128xi32, #tpu.memory_space<vmem>>, vector<16xi32>,
      %and3A_561 = arith.andi %get3A_560, %broadcast_in_dim3A_65 : vector<16xi32>
      %bitcast3A_562 = vector.bitcast %and3A_561 : vector<16xi32> to vector<16xf32>
      %add3A_563 = arith.addf %add3A_553, %bitcast3A_562 : vector<16xf32>
      %mul3A_564 = arith.constant 5 : i32
      %mul3A_565 = arith.muli %scan3A_178, %mul3A_564 : i32
      %add3A_566 = arith.constant 2 : i32
      %add3A_567 = arith.addi %mul3A_565, %add3A_566 : i32
      %get3A_568 = arith.index_cast %add3A_567 : i32 to index
      %get3A_569 = arith.constant 112 : index
      %get3A_570 = tpu.vector_load %arg22[%get3A_568, %get3A_569] {strides = array<i32>} : memref<160x128xi32, #tpu.memory_space<vmem>>, vector<16xi32>,
      %shift_left3A_571 = arith.constant 16 : i32
      %shift_left3A_572 = vector.broadcast %shift_left3A_571 : i32 to vector<16xi32>
      %shift_left3A_573 = arith.shli %get3A_570, %shift_left3A_572 : vector<16xi32>
      %bitcast3A_574 = vector.bitcast %shift_left3A_573 : vector<16xi32> to vector<16xf32>
      %add3A_575 = arith.addf %add3A_563, %bitcast3A_574 : vector<16xf32>
      %mul3A_576 = arith.constant 5 : i32
      %mul3A_577 = arith.muli %scan3A_178, %mul3A_576 : i32
      %add3A_578 = arith.constant 3 : i32
      %add3A_579 = arith.addi %mul3A_577, %add3A_578 : i32
      %get3A_580 = arith.index_cast %add3A_579 : i32 to index
      %get3A_581 = arith.constant 112 : index
      %get3A_582 = tpu.vector_load %arg21[%get3A_580, %get3A_581] {strides = array<i32>} : memref<160x128xi32, #tpu.memory_space<vmem>>, vector<16xi32>,
      %and3A_583 = arith.andi %get3A_582, %broadcast_in_dim3A_65 : vector<16xi32>
      %bitcast3A_584 = vector.bitcast %and3A_583 : vector<16xi32> to vector<16xf32>
      %add3A_585 = arith.addf %add3A_575, %bitcast3A_584 : vector<16xf32>
      %mul3A_586 = arith.constant 5 : i32
      %mul3A_587 = arith.muli %scan3A_178, %mul3A_586 : i32
      %add3A_588 = arith.constant 3 : i32
      %add3A_589 = arith.addi %mul3A_587, %add3A_588 : i32
      %get3A_590 = arith.index_cast %add3A_589 : i32 to index
      %get3A_591 = arith.constant 112 : index
      %get3A_592 = tpu.vector_load %arg22[%get3A_590, %get3A_591] {strides = array<i32>} : memref<160x128xi32, #tpu.memory_space<vmem>>, vector<16xi32>,
      %shift_left3A_593 = arith.constant 16 : i32
      %shift_left3A_594 = vector.broadcast %shift_left3A_593 : i32 to vector<16xi32>
      %shift_left3A_595 = arith.shli %get3A_592, %shift_left3A_594 : vector<16xi32>
      %bitcast3A_596 = vector.bitcast %shift_left3A_595 : vector<16xi32> to vector<16xf32>
      %add3A_597 = arith.addf %add3A_585, %bitcast3A_596 : vector<16xf32>
      %mul3A_598 = arith.constant 5 : i32
      %mul3A_599 = arith.muli %scan3A_178, %mul3A_598 : i32
      %add3A_600 = arith.constant 4 : i32
      %add3A_601 = arith.addi %mul3A_599, %add3A_600 : i32
      %get3A_602 = arith.index_cast %add3A_601 : i32 to index
      %get3A_603 = arith.constant 112 : index
      %get3A_604 = tpu.vector_load %arg21[%get3A_602, %get3A_603] {strides = array<i32>} : memref<160x128xi32, #tpu.memory_space<vmem>>, vector<16xi32>,
      %and3A_605 = arith.andi %get3A_604, %broadcast_in_dim3A_65 : vector<16xi32>
      %bitcast3A_606 = vector.bitcast %and3A_605 : vector<16xi32> to vector<16xf32>
      %add3A_607 = arith.addf %add3A_597, %bitcast3A_606 : vector<16xf32>
      %mul3A_608 = arith.constant 5 : i32
      %mul3A_609 = arith.muli %scan3A_178, %mul3A_608 : i32
      %add3A_610 = arith.constant 4 : i32
      %add3A_611 = arith.addi %mul3A_609, %add3A_610 : i32
      %get3A_612 = arith.index_cast %add3A_611 : i32 to index
      %get3A_613 = arith.constant 112 : index
      %get3A_614 = tpu.vector_load %arg22[%get3A_612, %get3A_613] {strides = array<i32>} : memref<160x128xi32, #tpu.memory_space<vmem>>, vector<16xi32>,
      %shift_left3A_615 = arith.constant 16 : i32
      %shift_left3A_616 = vector.broadcast %shift_left3A_615 : i32 to vector<16xi32>
      %shift_left3A_617 = arith.shli %get3A_614, %shift_left3A_616 : vector<16xi32>
      %bitcast3A_618 = vector.bitcast %shift_left3A_617 : vector<16xi32> to vector<16xf32>
      %add3A_619 = arith.addf %add3A_607, %bitcast3A_618 : vector<16xf32>
      %add3A_620 = arith.constant 0 : i32
      %add3A_621 = arith.addi %add3A_620, %scan3A_178 : i32
      %get3A_622 = arith.index_cast %add3A_621 : i32 to index
      %get3A_623 = arith.constant 48 : index
      %get3A_624 = tpu.vector_load %arg20[%get3A_622, %get3A_623] {strides = array<i32>} : memref<128x64xf32, #tpu.memory_space<vmem>>, vector<16xf32>,
      %mul3A_625 = arith.mulf %get3A_624, %add3A_619 : vector<16xf32>
      %add3A_626 = arith.addf %scan3A_182, %mul3A_625 : vector<16xf32>
      scf.yield %add3A_290, %add3A_402, %add3A_514, %add3A_626 : vector<16xf32>, vector<16xf32>, vector<16xf32>, vector<16xf32>
    }
    %scan3A_86 = arith.constant 32 : i32
    %dma_start3A_87 = arith.constant 160 : i32
    %dma_start3A_88 = tpu.memref_slice %arg14[%dma_start3A_87] : memref<640xi32, #tpu.memory_space<vmem>> -> memref<160xi32, #tpu.memory_space<vmem>>
    %dma_start3A_89 = arith.constant 0 : i32
    %dma_start3A_90 = arith.constant 0 : i32
    %dma_start3A_91 = tpu.memref_slice %arg8[%dma_start3A_89, %dma_start3A_90] : memref<100000x128xi32, #tpu.memory_space<hbm>> -> memref<100000x128xi32, #tpu.memory_space<hbm>>
    tpu.enqueue_indirect_dma source(%dma_start3A_91 : memref<100000x128xi32, #tpu.memory_space<hbm>>) target(%arg21 : memref<160x128xi32, #tpu.memory_space<vmem>>) offsets(%dma_start3A_88 : memref<160xi32, #tpu.memory_space<vmem>>) semaphore(%arg25 : memref<!tpu.dma_semaphore, #tpu.memory_space<semaphore_mem>>)
    %dma_start3A_92 = arith.constant 160 : i32
    %dma_start3A_93 = tpu.memref_slice %arg15[%dma_start3A_92] : memref<640xi32, #tpu.memory_space<vmem>> -> memref<160xi32, #tpu.memory_space<vmem>>
    %dma_start3A_94 = arith.constant 0 : i32
    %dma_start3A_95 = arith.constant 0 : i32
    %dma_start3A_96 = tpu.memref_slice %arg8[%dma_start3A_94, %dma_start3A_95] : memref<100000x128xi32, #tpu.memory_space<hbm>> -> memref<100000x128xi32, #tpu.memory_space<hbm>>
    tpu.enqueue_indirect_dma source(%dma_start3A_96 : memref<100000x128xi32, #tpu.memory_space<hbm>>) target(%arg22 : memref<160x128xi32, #tpu.memory_space<vmem>>) offsets(%dma_start3A_93 : memref<160xi32, #tpu.memory_space<vmem>>) semaphore(%arg25 : memref<!tpu.dma_semaphore, #tpu.memory_space<semaphore_mem>>)
    %dma_wait3A_97 = arith.constant 160 : i32
    %dma_wait3A_98 = tpu.memref_slice %arg14[%dma_wait3A_97] : memref<640xi32, #tpu.memory_space<vmem>> -> memref<160xi32, #tpu.memory_space<vmem>>
    %dma_wait3A_99 = arith.constant 0 : i32
    %dma_wait3A_100 = arith.constant 0 : i32
    %dma_wait3A_101 = tpu.memref_slice %arg8[%dma_wait3A_99, %dma_wait3A_100] : memref<100000x128xi32, #tpu.memory_space<hbm>> -> memref<100000x128xi32, #tpu.memory_space<hbm>>
    tpu.wait_indirect_dma semaphore(%arg25 : memref<!tpu.dma_semaphore, #tpu.memory_space<semaphore_mem>>) src(%dma_wait3A_101 : memref<100000x128xi32, #tpu.memory_space<hbm>>) dst(%arg21 : memref<160x128xi32, #tpu.memory_space<vmem>>)
    %dma_wait3A_102 = arith.constant 160 : i32
    %dma_wait3A_103 = tpu.memref_slice %arg15[%dma_wait3A_102] : memref<640xi32, #tpu.memory_space<vmem>> -> memref<160xi32, #tpu.memory_space<vmem>>
    %dma_wait3A_104 = arith.constant 0 : i32
    %dma_wait3A_105 = arith.constant 0 : i32
    %dma_wait3A_106 = tpu.memref_slice %arg8[%dma_wait3A_104, %dma_wait3A_105] : memref<100000x128xi32, #tpu.memory_space<hbm>> -> memref<100000x128xi32, #tpu.memory_space<hbm>>
    tpu.wait_indirect_dma semaphore(%arg25 : memref<!tpu.dma_semaphore, #tpu.memory_space<semaphore_mem>>) src(%dma_wait3A_106 : memref<100000x128xi32, #tpu.memory_space<hbm>>) dst(%arg22 : memref<160x128xi32, #tpu.memory_space<vmem>>)
    %scan3A_107 = arith.constant 0 : i32
    %scan3A_108 = arith.constant 32 : i32
    %scan3A_109 = arith.addi %scan3A_107, %scan3A_108 : i32
    %scan3A_110 = arith.constant 1 : i32
    %scan3A_111:4 = scf.for %scan3A_178 = %scan3A_107 to %scan3A_109 step %scan3A_110 iter_args(%scan3A_179 = %scan3A_85#0, %scan3A_180 = %scan3A_85#1, %scan3A_181 = %scan3A_85#2, %scan3A_182 = %scan3A_85#3) -> (vector<16xf32>, vector<16xf32>, vector<16xf32>, vector<16xf32>)  : i32 {
      %mul3A_183 = arith.constant 5 : i32
      %mul3A_184 = arith.muli %scan3A_178, %mul3A_183 : i32
      %get3A = arith.index_cast %mul3A_184 : i32 to index
      %get3A_185 = arith.constant 64 : index
      %get3A_186 = tpu.vector_load %arg21[%get3A, %get3A_185] {strides = array<i32>} : memref<160x128xi32, #tpu.memory_space<vmem>>, vector<16xi32>,
      %and3A = arith.andi %get3A_186, %broadcast_in_dim3A_65 : vector<16xi32>
      %bitcast3A = vector.bitcast %and3A : vector<16xi32> to vector<16xf32>
      %mul3A_187 = arith.constant 5 : i32
      %mul3A_188 = arith.muli %scan3A_178, %mul3A_187 : i32
      %get3A_189 = arith.index_cast %mul3A_188 : i32 to index
      %get3A_190 = arith.constant 64 : index
      %get3A_191 = tpu.vector_load %arg22[%get3A_189, %get3A_190] {strides = array<i32>} : memref<160x128xi32, #tpu.memory_space<vmem>>, vector<16xi32>,
      %shift_left3A = arith.constant 16 : i32
      %shift_left3A_192 = vector.broadcast %shift_left3A : i32 to vector<16xi32>
      %shift_left3A_193 = arith.shli %get3A_191, %shift_left3A_192 : vector<16xi32>
      %bitcast3A_194 = vector.bitcast %shift_left3A_193 : vector<16xi32> to vector<16xf32>
      %add3A_195 = arith.addf %bitcast3A, %bitcast3A_194 : vector<16xf32>
      %mul3A_196 = arith.constant 5 : i32
      %mul3A_197 = arith.muli %scan3A_178, %mul3A_196 : i32
      %add3A_198 = arith.constant 1 : i32
      %add3A_199 = arith.addi %mul3A_197, %add3A_198 : i32
      %get3A_200 = arith.index_cast %add3A_199 : i32 to index
      %get3A_201 = arith.constant 64 : index
      %get3A_202 = tpu.vector_load %arg21[%get3A_200, %get3A_201] {strides = array<i32>} : memref<160x128xi32, #tpu.memory_space<vmem>>, vector<16xi32>,
      %and3A_203 = arith.andi %get3A_202, %broadcast_in_dim3A_65 : vector<16xi32>
      %bitcast3A_204 = vector.bitcast %and3A_203 : vector<16xi32> to vector<16xf32>
      %add3A_205 = arith.addf %add3A_195, %bitcast3A_204 : vector<16xf32>
      %mul3A_206 = arith.constant 5 : i32
      %mul3A_207 = arith.muli %scan3A_178, %mul3A_206 : i32
      %add3A_208 = arith.constant 1 : i32
      %add3A_209 = arith.addi %mul3A_207, %add3A_208 : i32
      %get3A_210 = arith.index_cast %add3A_209 : i32 to index
      %get3A_211 = arith.constant 64 : index
      %get3A_212 = tpu.vector_load %arg22[%get3A_210, %get3A_211] {strides = array<i32>} : memref<160x128xi32, #tpu.memory_space<vmem>>, vector<16xi32>,
      %shift_left3A_213 = arith.constant 16 : i32
      %shift_left3A_214 = vector.broadcast %shift_left3A_213 : i32 to vector<16xi32>
      %shift_left3A_215 = arith.shli %get3A_212, %shift_left3A_214 : vector<16xi32>
      %bitcast3A_216 = vector.bitcast %shift_left3A_215 : vector<16xi32> to vector<16xf32>
      %add3A_217 = arith.addf %add3A_205, %bitcast3A_216 : vector<16xf32>
      %mul3A_218 = arith.constant 5 : i32
      %mul3A_219 = arith.muli %scan3A_178, %mul3A_218 : i32
      %add3A_220 = arith.constant 2 : i32
      %add3A_221 = arith.addi %mul3A_219, %add3A_220 : i32
      %get3A_222 = arith.index_cast %add3A_221 : i32 to index
      %get3A_223 = arith.constant 64 : index
      %get3A_224 = tpu.vector_load %arg21[%get3A_222, %get3A_223] {strides = array<i32>} : memref<160x128xi32, #tpu.memory_space<vmem>>, vector<16xi32>,
      %and3A_225 = arith.andi %get3A_224, %broadcast_in_dim3A_65 : vector<16xi32>
      %bitcast3A_226 = vector.bitcast %and3A_225 : vector<16xi32> to vector<16xf32>
      %add3A_227 = arith.addf %add3A_217, %bitcast3A_226 : vector<16xf32>
      %mul3A_228 = arith.constant 5 : i32
      %mul3A_229 = arith.muli %scan3A_178, %mul3A_228 : i32
      %add3A_230 = arith.constant 2 : i32
      %add3A_231 = arith.addi %mul3A_229, %add3A_230 : i32
      %get3A_232 = arith.index_cast %add3A_231 : i32 to index
      %get3A_233 = arith.constant 64 : index
      %get3A_234 = tpu.vector_load %arg22[%get3A_232, %get3A_233] {strides = array<i32>} : memref<160x128xi32, #tpu.memory_space<vmem>>, vector<16xi32>,
      %shift_left3A_235 = arith.constant 16 : i32
      %shift_left3A_236 = vector.broadcast %shift_left3A_235 : i32 to vector<16xi32>
      %shift_left3A_237 = arith.shli %get3A_234, %shift_left3A_236 : vector<16xi32>
      %bitcast3A_238 = vector.bitcast %shift_left3A_237 : vector<16xi32> to vector<16xf32>
      %add3A_239 = arith.addf %add3A_227, %bitcast3A_238 : vector<16xf32>
      %mul3A_240 = arith.constant 5 : i32
      %mul3A_241 = arith.muli %scan3A_178, %mul3A_240 : i32
      %add3A_242 = arith.constant 3 : i32
      %add3A_243 = arith.addi %mul3A_241, %add3A_242 : i32
      %get3A_244 = arith.index_cast %add3A_243 : i32 to index
      %get3A_245 = arith.constant 64 : index
      %get3A_246 = tpu.vector_load %arg21[%get3A_244, %get3A_245] {strides = array<i32>} : memref<160x128xi32, #tpu.memory_space<vmem>>, vector<16xi32>,
      %and3A_247 = arith.andi %get3A_246, %broadcast_in_dim3A_65 : vector<16xi32>
      %bitcast3A_248 = vector.bitcast %and3A_247 : vector<16xi32> to vector<16xf32>
      %add3A_249 = arith.addf %add3A_239, %bitcast3A_248 : vector<16xf32>
      %mul3A_250 = arith.constant 5 : i32
      %mul3A_251 = arith.muli %scan3A_178, %mul3A_250 : i32
      %add3A_252 = arith.constant 3 : i32
      %add3A_253 = arith.addi %mul3A_251, %add3A_252 : i32
      %get3A_254 = arith.index_cast %add3A_253 : i32 to index
      %get3A_255 = arith.constant 64 : index
      %get3A_256 = tpu.vector_load %arg22[%get3A_254, %get3A_255] {strides = array<i32>} : memref<160x128xi32, #tpu.memory_space<vmem>>, vector<16xi32>,
      %shift_left3A_257 = arith.constant 16 : i32
      %shift_left3A_258 = vector.broadcast %shift_left3A_257 : i32 to vector<16xi32>
      %shift_left3A_259 = arith.shli %get3A_256, %shift_left3A_258 : vector<16xi32>
      %bitcast3A_260 = vector.bitcast %shift_left3A_259 : vector<16xi32> to vector<16xf32>
      %add3A_261 = arith.addf %add3A_249, %bitcast3A_260 : vector<16xf32>
      %mul3A_262 = arith.constant 5 : i32
      %mul3A_263 = arith.muli %scan3A_178, %mul3A_262 : i32
      %add3A_264 = arith.constant 4 : i32
      %add3A_265 = arith.addi %mul3A_263, %add3A_264 : i32
      %get3A_266 = arith.index_cast %add3A_265 : i32 to index
      %get3A_267 = arith.constant 64 : index
      %get3A_268 = tpu.vector_load %arg21[%get3A_266, %get3A_267] {strides = array<i32>} : memref<160x128xi32, #tpu.memory_space<vmem>>, vector<16xi32>,
      %and3A_269 = arith.andi %get3A_268, %broadcast_in_dim3A_65 : vector<16xi32>
      %bitcast3A_270 = vector.bitcast %and3A_269 : vector<16xi32> to vector<16xf32>
      %add3A_271 = arith.addf %add3A_261, %bitcast3A_270 : vector<16xf32>
      %mul3A_272 = arith.constant 5 : i32
      %mul3A_273 = arith.muli %scan3A_178, %mul3A_272 : i32
      %add3A_274 = arith.constant 4 : i32
      %add3A_275 = arith.addi %mul3A_273, %add3A_274 : i32
      %get3A_276 = arith.index_cast %add3A_275 : i32 to index
      %get3A_277 = arith.constant 64 : index
      %get3A_278 = tpu.vector_load %arg22[%get3A_276, %get3A_277] {strides = array<i32>} : memref<160x128xi32, #tpu.memory_space<vmem>>, vector<16xi32>,
      %shift_left3A_279 = arith.constant 16 : i32
      %shift_left3A_280 = vector.broadcast %shift_left3A_279 : i32 to vector<16xi32>
      %shift_left3A_281 = arith.shli %get3A_278, %shift_left3A_280 : vector<16xi32>
      %bitcast3A_282 = vector.bitcast %shift_left3A_281 : vector<16xi32> to vector<16xf32>
      %add3A_283 = arith.addf %add3A_271, %bitcast3A_282 : vector<16xf32>
      %add3A_284 = arith.constant 32 : i32
      %add3A_285 = arith.addi %add3A_284, %scan3A_178 : i32
      %get3A_286 = arith.index_cast %add3A_285 : i32 to index
      %get3A_287 = arith.constant 0 : index
      %get3A_288 = tpu.vector_load %arg20[%get3A_286, %get3A_287] {strides = array<i32>} : memref<128x64xf32, #tpu.memory_space<vmem>>, vector<16xf32>,
      %mul3A_289 = arith.mulf %get3A_288, %add3A_283 : vector<16xf32>
      %add3A_290 = arith.addf %scan3A_179, %mul3A_289 : vector<16xf32>
      %mul3A_291 = arith.constant 5 : i32
      %mul3A_292 = arith.muli %scan3A_178, %mul3A_291 : i32
      %get3A_293 = arith.index_cast %mul3A_292 : i32 to index
      %get3A_294 = arith.constant 80 : index
      %get3A_295 = tpu.vector_load %arg21[%get3A_293, %get3A_294] {strides = array<i32>} : memref<160x128xi32, #tpu.memory_space<vmem>>, vector<16xi32>,
      %and3A_296 = arith.andi %get3A_295, %broadcast_in_dim3A_65 : vector<16xi32>
      %bitcast3A_297 = vector.bitcast %and3A_296 : vector<16xi32> to vector<16xf32>
      %mul3A_298 = arith.constant 5 : i32
      %mul3A_299 = arith.muli %scan3A_178, %mul3A_298 : i32
      %get3A_300 = arith.index_cast %mul3A_299 : i32 to index
      %get3A_301 = arith.constant 80 : index
      %get3A_302 = tpu.vector_load %arg22[%get3A_300, %get3A_301] {strides = array<i32>} : memref<160x128xi32, #tpu.memory_space<vmem>>, vector<16xi32>,
      %shift_left3A_303 = arith.constant 16 : i32
      %shift_left3A_304 = vector.broadcast %shift_left3A_303 : i32 to vector<16xi32>
      %shift_left3A_305 = arith.shli %get3A_302, %shift_left3A_304 : vector<16xi32>
      %bitcast3A_306 = vector.bitcast %shift_left3A_305 : vector<16xi32> to vector<16xf32>
      %add3A_307 = arith.addf %bitcast3A_297, %bitcast3A_306 : vector<16xf32>
      %mul3A_308 = arith.constant 5 : i32
      %mul3A_309 = arith.muli %scan3A_178, %mul3A_308 : i32
      %add3A_310 = arith.constant 1 : i32
      %add3A_311 = arith.addi %mul3A_309, %add3A_310 : i32
      %get3A_312 = arith.index_cast %add3A_311 : i32 to index
      %get3A_313 = arith.constant 80 : index
      %get3A_314 = tpu.vector_load %arg21[%get3A_312, %get3A_313] {strides = array<i32>} : memref<160x128xi32, #tpu.memory_space<vmem>>, vector<16xi32>,
      %and3A_315 = arith.andi %get3A_314, %broadcast_in_dim3A_65 : vector<16xi32>
      %bitcast3A_316 = vector.bitcast %and3A_315 : vector<16xi32> to vector<16xf32>
      %add3A_317 = arith.addf %add3A_307, %bitcast3A_316 : vector<16xf32>
      %mul3A_318 = arith.constant 5 : i32
      %mul3A_319 = arith.muli %scan3A_178, %mul3A_318 : i32
      %add3A_320 = arith.constant 1 : i32
      %add3A_321 = arith.addi %mul3A_319, %add3A_320 : i32
      %get3A_322 = arith.index_cast %add3A_321 : i32 to index
      %get3A_323 = arith.constant 80 : index
      %get3A_324 = tpu.vector_load %arg22[%get3A_322, %get3A_323] {strides = array<i32>} : memref<160x128xi32, #tpu.memory_space<vmem>>, vector<16xi32>,
      %shift_left3A_325 = arith.constant 16 : i32
      %shift_left3A_326 = vector.broadcast %shift_left3A_325 : i32 to vector<16xi32>
      %shift_left3A_327 = arith.shli %get3A_324, %shift_left3A_326 : vector<16xi32>
      %bitcast3A_328 = vector.bitcast %shift_left3A_327 : vector<16xi32> to vector<16xf32>
      %add3A_329 = arith.addf %add3A_317, %bitcast3A_328 : vector<16xf32>
      %mul3A_330 = arith.constant 5 : i32
      %mul3A_331 = arith.muli %scan3A_178, %mul3A_330 : i32
      %add3A_332 = arith.constant 2 : i32
      %add3A_333 = arith.addi %mul3A_331, %add3A_332 : i32
      %get3A_334 = arith.index_cast %add3A_333 : i32 to index
      %get3A_335 = arith.constant 80 : index
      %get3A_336 = tpu.vector_load %arg21[%get3A_334, %get3A_335] {strides = array<i32>} : memref<160x128xi32, #tpu.memory_space<vmem>>, vector<16xi32>,
      %and3A_337 = arith.andi %get3A_336, %broadcast_in_dim3A_65 : vector<16xi32>
      %bitcast3A_338 = vector.bitcast %and3A_337 : vector<16xi32> to vector<16xf32>
      %add3A_339 = arith.addf %add3A_329, %bitcast3A_338 : vector<16xf32>
      %mul3A_340 = arith.constant 5 : i32
      %mul3A_341 = arith.muli %scan3A_178, %mul3A_340 : i32
      %add3A_342 = arith.constant 2 : i32
      %add3A_343 = arith.addi %mul3A_341, %add3A_342 : i32
      %get3A_344 = arith.index_cast %add3A_343 : i32 to index
      %get3A_345 = arith.constant 80 : index
      %get3A_346 = tpu.vector_load %arg22[%get3A_344, %get3A_345] {strides = array<i32>} : memref<160x128xi32, #tpu.memory_space<vmem>>, vector<16xi32>,
      %shift_left3A_347 = arith.constant 16 : i32
      %shift_left3A_348 = vector.broadcast %shift_left3A_347 : i32 to vector<16xi32>
      %shift_left3A_349 = arith.shli %get3A_346, %shift_left3A_348 : vector<16xi32>
      %bitcast3A_350 = vector.bitcast %shift_left3A_349 : vector<16xi32> to vector<16xf32>
      %add3A_351 = arith.addf %add3A_339, %bitcast3A_350 : vector<16xf32>
      %mul3A_352 = arith.constant 5 : i32
      %mul3A_353 = arith.muli %scan3A_178, %mul3A_352 : i32
      %add3A_354 = arith.constant 3 : i32
      %add3A_355 = arith.addi %mul3A_353, %add3A_354 : i32
      %get3A_356 = arith.index_cast %add3A_355 : i32 to index
      %get3A_357 = arith.constant 80 : index
      %get3A_358 = tpu.vector_load %arg21[%get3A_356, %get3A_357] {strides = array<i32>} : memref<160x128xi32, #tpu.memory_space<vmem>>, vector<16xi32>,
      %and3A_359 = arith.andi %get3A_358, %broadcast_in_dim3A_65 : vector<16xi32>
      %bitcast3A_360 = vector.bitcast %and3A_359 : vector<16xi32> to vector<16xf32>
      %add3A_361 = arith.addf %add3A_351, %bitcast3A_360 : vector<16xf32>
      %mul3A_362 = arith.constant 5 : i32
      %mul3A_363 = arith.muli %scan3A_178, %mul3A_362 : i32
      %add3A_364 = arith.constant 3 : i32
      %add3A_365 = arith.addi %mul3A_363, %add3A_364 : i32
      %get3A_366 = arith.index_cast %add3A_365 : i32 to index
      %get3A_367 = arith.constant 80 : index
      %get3A_368 = tpu.vector_load %arg22[%get3A_366, %get3A_367] {strides = array<i32>} : memref<160x128xi32, #tpu.memory_space<vmem>>, vector<16xi32>,
      %shift_left3A_369 = arith.constant 16 : i32
      %shift_left3A_370 = vector.broadcast %shift_left3A_369 : i32 to vector<16xi32>
      %shift_left3A_371 = arith.shli %get3A_368, %shift_left3A_370 : vector<16xi32>
      %bitcast3A_372 = vector.bitcast %shift_left3A_371 : vector<16xi32> to vector<16xf32>
      %add3A_373 = arith.addf %add3A_361, %bitcast3A_372 : vector<16xf32>
      %mul3A_374 = arith.constant 5 : i32
      %mul3A_375 = arith.muli %scan3A_178, %mul3A_374 : i32
      %add3A_376 = arith.constant 4 : i32
      %add3A_377 = arith.addi %mul3A_375, %add3A_376 : i32
      %get3A_378 = arith.index_cast %add3A_377 : i32 to index
      %get3A_379 = arith.constant 80 : index
      %get3A_380 = tpu.vector_load %arg21[%get3A_378, %get3A_379] {strides = array<i32>} : memref<160x128xi32, #tpu.memory_space<vmem>>, vector<16xi32>,
      %and3A_381 = arith.andi %get3A_380, %broadcast_in_dim3A_65 : vector<16xi32>
      %bitcast3A_382 = vector.bitcast %and3A_381 : vector<16xi32> to vector<16xf32>
      %add3A_383 = arith.addf %add3A_373, %bitcast3A_382 : vector<16xf32>
      %mul3A_384 = arith.constant 5 : i32
      %mul3A_385 = arith.muli %scan3A_178, %mul3A_384 : i32
      %add3A_386 = arith.constant 4 : i32
      %add3A_387 = arith.addi %mul3A_385, %add3A_386 : i32
      %get3A_388 = arith.index_cast %add3A_387 : i32 to index
      %get3A_389 = arith.constant 80 : index
      %get3A_390 = tpu.vector_load %arg22[%get3A_388, %get3A_389] {strides = array<i32>} : memref<160x128xi32, #tpu.memory_space<vmem>>, vector<16xi32>,
      %shift_left3A_391 = arith.constant 16 : i32
      %shift_left3A_392 = vector.broadcast %shift_left3A_391 : i32 to vector<16xi32>
      %shift_left3A_393 = arith.shli %get3A_390, %shift_left3A_392 : vector<16xi32>
      %bitcast3A_394 = vector.bitcast %shift_left3A_393 : vector<16xi32> to vector<16xf32>
      %add3A_395 = arith.addf %add3A_383, %bitcast3A_394 : vector<16xf32>
      %add3A_396 = arith.constant 32 : i32
      %add3A_397 = arith.addi %add3A_396, %scan3A_178 : i32
      %get3A_398 = arith.index_cast %add3A_397 : i32 to index
      %get3A_399 = arith.constant 16 : index
      %get3A_400 = tpu.vector_load %arg20[%get3A_398, %get3A_399] {strides = array<i32>} : memref<128x64xf32, #tpu.memory_space<vmem>>, vector<16xf32>,
      %mul3A_401 = arith.mulf %get3A_400, %add3A_395 : vector<16xf32>
      %add3A_402 = arith.addf %scan3A_180, %mul3A_401 : vector<16xf32>
      %mul3A_403 = arith.constant 5 : i32
      %mul3A_404 = arith.muli %scan3A_178, %mul3A_403 : i32
      %get3A_405 = arith.index_cast %mul3A_404 : i32 to index
      %get3A_406 = arith.constant 96 : index
      %get3A_407 = tpu.vector_load %arg21[%get3A_405, %get3A_406] {strides = array<i32>} : memref<160x128xi32, #tpu.memory_space<vmem>>, vector<16xi32>,
      %and3A_408 = arith.andi %get3A_407, %broadcast_in_dim3A_65 : vector<16xi32>
      %bitcast3A_409 = vector.bitcast %and3A_408 : vector<16xi32> to vector<16xf32>
      %mul3A_410 = arith.constant 5 : i32
      %mul3A_411 = arith.muli %scan3A_178, %mul3A_410 : i32
      %get3A_412 = arith.index_cast %mul3A_411 : i32 to index
      %get3A_413 = arith.constant 96 : index
      %get3A_414 = tpu.vector_load %arg22[%get3A_412, %get3A_413] {strides = array<i32>} : memref<160x128xi32, #tpu.memory_space<vmem>>, vector<16xi32>,
      %shift_left3A_415 = arith.constant 16 : i32
      %shift_left3A_416 = vector.broadcast %shift_left3A_415 : i32 to vector<16xi32>
      %shift_left3A_417 = arith.shli %get3A_414, %shift_left3A_416 : vector<16xi32>
      %bitcast3A_418 = vector.bitcast %shift_left3A_417 : vector<16xi32> to vector<16xf32>
      %add3A_419 = arith.addf %bitcast3A_409, %bitcast3A_418 : vector<16xf32>
      %mul3A_420 = arith.constant 5 : i32
      %mul3A_421 = arith.muli %scan3A_178, %mul3A_420 : i32
      %add3A_422 = arith.constant 1 : i32
      %add3A_423 = arith.addi %mul3A_421, %add3A_422 : i32
      %get3A_424 = arith.index_cast %add3A_423 : i32 to index
      %get3A_425 = arith.constant 96 : index
      %get3A_426 = tpu.vector_load %arg21[%get3A_424, %get3A_425] {strides = array<i32>} : memref<160x128xi32, #tpu.memory_space<vmem>>, vector<16xi32>,
      %and3A_427 = arith.andi %get3A_426, %broadcast_in_dim3A_65 : vector<16xi32>
      %bitcast3A_428 = vector.bitcast %and3A_427 : vector<16xi32> to vector<16xf32>
      %add3A_429 = arith.addf %add3A_419, %bitcast3A_428 : vector<16xf32>
      %mul3A_430 = arith.constant 5 : i32
      %mul3A_431 = arith.muli %scan3A_178, %mul3A_430 : i32
      %add3A_432 = arith.constant 1 : i32
      %add3A_433 = arith.addi %mul3A_431, %add3A_432 : i32
      %get3A_434 = arith.index_cast %add3A_433 : i32 to index
      %get3A_435 = arith.constant 96 : index
      %get3A_436 = tpu.vector_load %arg22[%get3A_434, %get3A_435] {strides = array<i32>} : memref<160x128xi32, #tpu.memory_space<vmem>>, vector<16xi32>,
      %shift_left3A_437 = arith.constant 16 : i32
      %shift_left3A_438 = vector.broadcast %shift_left3A_437 : i32 to vector<16xi32>
      %shift_left3A_439 = arith.shli %get3A_436, %shift_left3A_438 : vector<16xi32>
      %bitcast3A_440 = vector.bitcast %shift_left3A_439 : vector<16xi32> to vector<16xf32>
      %add3A_441 = arith.addf %add3A_429, %bitcast3A_440 : vector<16xf32>
      %mul3A_442 = arith.constant 5 : i32
      %mul3A_443 = arith.muli %scan3A_178, %mul3A_442 : i32
      %add3A_444 = arith.constant 2 : i32
      %add3A_445 = arith.addi %mul3A_443, %add3A_444 : i32
      %get3A_446 = arith.index_cast %add3A_445 : i32 to index
      %get3A_447 = arith.constant 96 : index
      %get3A_448 = tpu.vector_load %arg21[%get3A_446, %get3A_447] {strides = array<i32>} : memref<160x128xi32, #tpu.memory_space<vmem>>, vector<16xi32>,
      %and3A_449 = arith.andi %get3A_448, %broadcast_in_dim3A_65 : vector<16xi32>
      %bitcast3A_450 = vector.bitcast %and3A_449 : vector<16xi32> to vector<16xf32>
      %add3A_451 = arith.addf %add3A_441, %bitcast3A_450 : vector<16xf32>
      %mul3A_452 = arith.constant 5 : i32
      %mul3A_453 = arith.muli %scan3A_178, %mul3A_452 : i32
      %add3A_454 = arith.constant 2 : i32
      %add3A_455 = arith.addi %mul3A_453, %add3A_454 : i32
      %get3A_456 = arith.index_cast %add3A_455 : i32 to index
      %get3A_457 = arith.constant 96 : index
      %get3A_458 = tpu.vector_load %arg22[%get3A_456, %get3A_457] {strides = array<i32>} : memref<160x128xi32, #tpu.memory_space<vmem>>, vector<16xi32>,
      %shift_left3A_459 = arith.constant 16 : i32
      %shift_left3A_460 = vector.broadcast %shift_left3A_459 : i32 to vector<16xi32>
      %shift_left3A_461 = arith.shli %get3A_458, %shift_left3A_460 : vector<16xi32>
      %bitcast3A_462 = vector.bitcast %shift_left3A_461 : vector<16xi32> to vector<16xf32>
      %add3A_463 = arith.addf %add3A_451, %bitcast3A_462 : vector<16xf32>
      %mul3A_464 = arith.constant 5 : i32
      %mul3A_465 = arith.muli %scan3A_178, %mul3A_464 : i32
      %add3A_466 = arith.constant 3 : i32
      %add3A_467 = arith.addi %mul3A_465, %add3A_466 : i32
      %get3A_468 = arith.index_cast %add3A_467 : i32 to index
      %get3A_469 = arith.constant 96 : index
      %get3A_470 = tpu.vector_load %arg21[%get3A_468, %get3A_469] {strides = array<i32>} : memref<160x128xi32, #tpu.memory_space<vmem>>, vector<16xi32>,
      %and3A_471 = arith.andi %get3A_470, %broadcast_in_dim3A_65 : vector<16xi32>
      %bitcast3A_472 = vector.bitcast %and3A_471 : vector<16xi32> to vector<16xf32>
      %add3A_473 = arith.addf %add3A_463, %bitcast3A_472 : vector<16xf32>
      %mul3A_474 = arith.constant 5 : i32
      %mul3A_475 = arith.muli %scan3A_178, %mul3A_474 : i32
      %add3A_476 = arith.constant 3 : i32
      %add3A_477 = arith.addi %mul3A_475, %add3A_476 : i32
      %get3A_478 = arith.index_cast %add3A_477 : i32 to index
      %get3A_479 = arith.constant 96 : index
      %get3A_480 = tpu.vector_load %arg22[%get3A_478, %get3A_479] {strides = array<i32>} : memref<160x128xi32, #tpu.memory_space<vmem>>, vector<16xi32>,
      %shift_left3A_481 = arith.constant 16 : i32
      %shift_left3A_482 = vector.broadcast %shift_left3A_481 : i32 to vector<16xi32>
      %shift_left3A_483 = arith.shli %get3A_480, %shift_left3A_482 : vector<16xi32>
      %bitcast3A_484 = vector.bitcast %shift_left3A_483 : vector<16xi32> to vector<16xf32>
      %add3A_485 = arith.addf %add3A_473, %bitcast3A_484 : vector<16xf32>
      %mul3A_486 = arith.constant 5 : i32
      %mul3A_487 = arith.muli %scan3A_178, %mul3A_486 : i32
      %add3A_488 = arith.constant 4 : i32
      %add3A_489 = arith.addi %mul3A_487, %add3A_488 : i32
      %get3A_490 = arith.index_cast %add3A_489 : i32 to index
      %get3A_491 = arith.constant 96 : index
      %get3A_492 = tpu.vector_load %arg21[%get3A_490, %get3A_491] {strides = array<i32>} : memref<160x128xi32, #tpu.memory_space<vmem>>, vector<16xi32>,
      %and3A_493 = arith.andi %get3A_492, %broadcast_in_dim3A_65 : vector<16xi32>
      %bitcast3A_494 = vector.bitcast %and3A_493 : vector<16xi32> to vector<16xf32>
      %add3A_495 = arith.addf %add3A_485, %bitcast3A_494 : vector<16xf32>
      %mul3A_496 = arith.constant 5 : i32
      %mul3A_497 = arith.muli %scan3A_178, %mul3A_496 : i32
      %add3A_498 = arith.constant 4 : i32
      %add3A_499 = arith.addi %mul3A_497, %add3A_498 : i32
      %get3A_500 = arith.index_cast %add3A_499 : i32 to index
      %get3A_501 = arith.constant 96 : index
      %get3A_502 = tpu.vector_load %arg22[%get3A_500, %get3A_501] {strides = array<i32>} : memref<160x128xi32, #tpu.memory_space<vmem>>, vector<16xi32>,
      %shift_left3A_503 = arith.constant 16 : i32
      %shift_left3A_504 = vector.broadcast %shift_left3A_503 : i32 to vector<16xi32>
      %shift_left3A_505 = arith.shli %get3A_502, %shift_left3A_504 : vector<16xi32>
      %bitcast3A_506 = vector.bitcast %shift_left3A_505 : vector<16xi32> to vector<16xf32>
      %add3A_507 = arith.addf %add3A_495, %bitcast3A_506 : vector<16xf32>
      %add3A_508 = arith.constant 32 : i32
      %add3A_509 = arith.addi %add3A_508, %scan3A_178 : i32
      %get3A_510 = arith.index_cast %add3A_509 : i32 to index
      %get3A_511 = arith.constant 32 : index
      %get3A_512 = tpu.vector_load %arg20[%get3A_510, %get3A_511] {strides = array<i32>} : memref<128x64xf32, #tpu.memory_space<vmem>>, vector<16xf32>,
      %mul3A_513 = arith.mulf %get3A_512, %add3A_507 : vector<16xf32>
      %add3A_514 = arith.addf %scan3A_181, %mul3A_513 : vector<16xf32>
      %mul3A_515 = arith.constant 5 : i32
      %mul3A_516 = arith.muli %scan3A_178, %mul3A_515 : i32
      %get3A_517 = arith.index_cast %mul3A_516 : i32 to index
      %get3A_518 = arith.constant 112 : index
      %get3A_519 = tpu.vector_load %arg21[%get3A_517, %get3A_518] {strides = array<i32>} : memref<160x128xi32, #tpu.memory_space<vmem>>, vector<16xi32>,
      %and3A_520 = arith.andi %get3A_519, %broadcast_in_dim3A_65 : vector<16xi32>
      %bitcast3A_521 = vector.bitcast %and3A_520 : vector<16xi32> to vector<16xf32>
      %mul3A_522 = arith.constant 5 : i32
      %mul3A_523 = arith.muli %scan3A_178, %mul3A_522 : i32
      %get3A_524 = arith.index_cast %mul3A_523 : i32 to index
      %get3A_525 = arith.constant 112 : index
      %get3A_526 = tpu.vector_load %arg22[%get3A_524, %get3A_525] {strides = array<i32>} : memref<160x128xi32, #tpu.memory_space<vmem>>, vector<16xi32>,
      %shift_left3A_527 = arith.constant 16 : i32
      %shift_left3A_528 = vector.broadcast %shift_left3A_527 : i32 to vector<16xi32>
      %shift_left3A_529 = arith.shli %get3A_526, %shift_left3A_528 : vector<16xi32>
      %bitcast3A_530 = vector.bitcast %shift_left3A_529 : vector<16xi32> to vector<16xf32>
      %add3A_531 = arith.addf %bitcast3A_521, %bitcast3A_530 : vector<16xf32>
      %mul3A_532 = arith.constant 5 : i32
      %mul3A_533 = arith.muli %scan3A_178, %mul3A_532 : i32
      %add3A_534 = arith.constant 1 : i32
      %add3A_535 = arith.addi %mul3A_533, %add3A_534 : i32
      %get3A_536 = arith.index_cast %add3A_535 : i32 to index
      %get3A_537 = arith.constant 112 : index
      %get3A_538 = tpu.vector_load %arg21[%get3A_536, %get3A_537] {strides = array<i32>} : memref<160x128xi32, #tpu.memory_space<vmem>>, vector<16xi32>,
      %and3A_539 = arith.andi %get3A_538, %broadcast_in_dim3A_65 : vector<16xi32>
      %bitcast3A_540 = vector.bitcast %and3A_539 : vector<16xi32> to vector<16xf32>
      %add3A_541 = arith.addf %add3A_531, %bitcast3A_540 : vector<16xf32>
      %mul3A_542 = arith.constant 5 : i32
      %mul3A_543 = arith.muli %scan3A_178, %mul3A_542 : i32
      %add3A_544 = arith.constant 1 : i32
      %add3A_545 = arith.addi %mul3A_543, %add3A_544 : i32
      %get3A_546 = arith.index_cast %add3A_545 : i32 to index
      %get3A_547 = arith.constant 112 : index
      %get3A_548 = tpu.vector_load %arg22[%get3A_546, %get3A_547] {strides = array<i32>} : memref<160x128xi32, #tpu.memory_space<vmem>>, vector<16xi32>,
      %shift_left3A_549 = arith.constant 16 : i32
      %shift_left3A_550 = vector.broadcast %shift_left3A_549 : i32 to vector<16xi32>
      %shift_left3A_551 = arith.shli %get3A_548, %shift_left3A_550 : vector<16xi32>
      %bitcast3A_552 = vector.bitcast %shift_left3A_551 : vector<16xi32> to vector<16xf32>
      %add3A_553 = arith.addf %add3A_541, %bitcast3A_552 : vector<16xf32>
      %mul3A_554 = arith.constant 5 : i32
      %mul3A_555 = arith.muli %scan3A_178, %mul3A_554 : i32
      %add3A_556 = arith.constant 2 : i32
      %add3A_557 = arith.addi %mul3A_555, %add3A_556 : i32
      %get3A_558 = arith.index_cast %add3A_557 : i32 to index
      %get3A_559 = arith.constant 112 : index
      %get3A_560 = tpu.vector_load %arg21[%get3A_558, %get3A_559] {strides = array<i32>} : memref<160x128xi32, #tpu.memory_space<vmem>>, vector<16xi32>,
      %and3A_561 = arith.andi %get3A_560, %broadcast_in_dim3A_65 : vector<16xi32>
      %bitcast3A_562 = vector.bitcast %and3A_561 : vector<16xi32> to vector<16xf32>
      %add3A_563 = arith.addf %add3A_553, %bitcast3A_562 : vector<16xf32>
      %mul3A_564 = arith.constant 5 : i32
      %mul3A_565 = arith.muli %scan3A_178, %mul3A_564 : i32
      %add3A_566 = arith.constant 2 : i32
      %add3A_567 = arith.addi %mul3A_565, %add3A_566 : i32
      %get3A_568 = arith.index_cast %add3A_567 : i32 to index
      %get3A_569 = arith.constant 112 : index
      %get3A_570 = tpu.vector_load %arg22[%get3A_568, %get3A_569] {strides = array<i32>} : memref<160x128xi32, #tpu.memory_space<vmem>>, vector<16xi32>,
      %shift_left3A_571 = arith.constant 16 : i32
      %shift_left3A_572 = vector.broadcast %shift_left3A_571 : i32 to vector<16xi32>
      %shift_left3A_573 = arith.shli %get3A_570, %shift_left3A_572 : vector<16xi32>
      %bitcast3A_574 = vector.bitcast %shift_left3A_573 : vector<16xi32> to vector<16xf32>
      %add3A_575 = arith.addf %add3A_563, %bitcast3A_574 : vector<16xf32>
      %mul3A_576 = arith.constant 5 : i32
      %mul3A_577 = arith.muli %scan3A_178, %mul3A_576 : i32
      %add3A_578 = arith.constant 3 : i32
      %add3A_579 = arith.addi %mul3A_577, %add3A_578 : i32
      %get3A_580 = arith.index_cast %add3A_579 : i32 to index
      %get3A_581 = arith.constant 112 : index
      %get3A_582 = tpu.vector_load %arg21[%get3A_580, %get3A_581] {strides = array<i32>} : memref<160x128xi32, #tpu.memory_space<vmem>>, vector<16xi32>,
      %and3A_583 = arith.andi %get3A_582, %broadcast_in_dim3A_65 : vector<16xi32>
      %bitcast3A_584 = vector.bitcast %and3A_583 : vector<16xi32> to vector<16xf32>
      %add3A_585 = arith.addf %add3A_575, %bitcast3A_584 : vector<16xf32>
      %mul3A_586 = arith.constant 5 : i32
      %mul3A_587 = arith.muli %scan3A_178, %mul3A_586 : i32
      %add3A_588 = arith.constant 3 : i32
      %add3A_589 = arith.addi %mul3A_587, %add3A_588 : i32
      %get3A_590 = arith.index_cast %add3A_589 : i32 to index
      %get3A_591 = arith.constant 112 : index
      %get3A_592 = tpu.vector_load %arg22[%get3A_590, %get3A_591] {strides = array<i32>} : memref<160x128xi32, #tpu.memory_space<vmem>>, vector<16xi32>,
      %shift_left3A_593 = arith.constant 16 : i32
      %shift_left3A_594 = vector.broadcast %shift_left3A_593 : i32 to vector<16xi32>
      %shift_left3A_595 = arith.shli %get3A_592, %shift_left3A_594 : vector<16xi32>
      %bitcast3A_596 = vector.bitcast %shift_left3A_595 : vector<16xi32> to vector<16xf32>
      %add3A_597 = arith.addf %add3A_585, %bitcast3A_596 : vector<16xf32>
      %mul3A_598 = arith.constant 5 : i32
      %mul3A_599 = arith.muli %scan3A_178, %mul3A_598 : i32
      %add3A_600 = arith.constant 4 : i32
      %add3A_601 = arith.addi %mul3A_599, %add3A_600 : i32
      %get3A_602 = arith.index_cast %add3A_601 : i32 to index
      %get3A_603 = arith.constant 112 : index
      %get3A_604 = tpu.vector_load %arg21[%get3A_602, %get3A_603] {strides = array<i32>} : memref<160x128xi32, #tpu.memory_space<vmem>>, vector<16xi32>,
      %and3A_605 = arith.andi %get3A_604, %broadcast_in_dim3A_65 : vector<16xi32>
      %bitcast3A_606 = vector.bitcast %and3A_605 : vector<16xi32> to vector<16xf32>
      %add3A_607 = arith.addf %add3A_597, %bitcast3A_606 : vector<16xf32>
      %mul3A_608 = arith.constant 5 : i32
      %mul3A_609 = arith.muli %scan3A_178, %mul3A_608 : i32
      %add3A_610 = arith.constant 4 : i32
      %add3A_611 = arith.addi %mul3A_609, %add3A_610 : i32
      %get3A_612 = arith.index_cast %add3A_611 : i32 to index
      %get3A_613 = arith.constant 112 : index
      %get3A_614 = tpu.vector_load %arg22[%get3A_612, %get3A_613] {strides = array<i32>} : memref<160x128xi32, #tpu.memory_space<vmem>>, vector<16xi32>,
      %shift_left3A_615 = arith.constant 16 : i32
      %shift_left3A_616 = vector.broadcast %shift_left3A_615 : i32 to vector<16xi32>
      %shift_left3A_617 = arith.shli %get3A_614, %shift_left3A_616 : vector<16xi32>
      %bitcast3A_618 = vector.bitcast %shift_left3A_617 : vector<16xi32> to vector<16xf32>
      %add3A_619 = arith.addf %add3A_607, %bitcast3A_618 : vector<16xf32>
      %add3A_620 = arith.constant 32 : i32
      %add3A_621 = arith.addi %add3A_620, %scan3A_178 : i32
      %get3A_622 = arith.index_cast %add3A_621 : i32 to index
      %get3A_623 = arith.constant 48 : index
      %get3A_624 = tpu.vector_load %arg20[%get3A_622, %get3A_623] {strides = array<i32>} : memref<128x64xf32, #tpu.memory_space<vmem>>, vector<16xf32>,
      %mul3A_625 = arith.mulf %get3A_624, %add3A_619 : vector<16xf32>
      %add3A_626 = arith.addf %scan3A_182, %mul3A_625 : vector<16xf32>
      scf.yield %add3A_290, %add3A_402, %add3A_514, %add3A_626 : vector<16xf32>, vector<16xf32>, vector<16xf32>, vector<16xf32>
    }
    %scan3A_112 = arith.constant 32 : i32
    %dma_start3A_113 = arith.constant 320 : i32
    %dma_start3A_114 = tpu.memref_slice %arg14[%dma_start3A_113] : memref<640xi32, #tpu.memory_space<vmem>> -> memref<160xi32, #tpu.memory_space<vmem>>
    %dma_start3A_115 = arith.constant 0 : i32
    %dma_start3A_116 = arith.constant 0 : i32
    %dma_start3A_117 = tpu.memref_slice %arg8[%dma_start3A_115, %dma_start3A_116] : memref<100000x128xi32, #tpu.memory_space<hbm>> -> memref<100000x128xi32, #tpu.memory_space<hbm>>
    tpu.enqueue_indirect_dma source(%dma_start3A_117 : memref<100000x128xi32, #tpu.memory_space<hbm>>) target(%arg21 : memref<160x128xi32, #tpu.memory_space<vmem>>) offsets(%dma_start3A_114 : memref<160xi32, #tpu.memory_space<vmem>>) semaphore(%arg25 : memref<!tpu.dma_semaphore, #tpu.memory_space<semaphore_mem>>)
    %dma_start3A_118 = arith.constant 320 : i32
    %dma_start3A_119 = tpu.memref_slice %arg15[%dma_start3A_118] : memref<640xi32, #tpu.memory_space<vmem>> -> memref<160xi32, #tpu.memory_space<vmem>>
    %dma_start3A_120 = arith.constant 0 : i32
    %dma_start3A_121 = arith.constant 0 : i32
    %dma_start3A_122 = tpu.memref_slice %arg8[%dma_start3A_120, %dma_start3A_121] : memref<100000x128xi32, #tpu.memory_space<hbm>> -> memref<100000x128xi32, #tpu.memory_space<hbm>>
    tpu.enqueue_indirect_dma source(%dma_start3A_122 : memref<100000x128xi32, #tpu.memory_space<hbm>>) target(%arg22 : memref<160x128xi32, #tpu.memory_space<vmem>>) offsets(%dma_start3A_119 : memref<160xi32, #tpu.memory_space<vmem>>) semaphore(%arg25 : memref<!tpu.dma_semaphore, #tpu.memory_space<semaphore_mem>>)
    %dma_wait3A_123 = arith.constant 320 : i32
    %dma_wait3A_124 = tpu.memref_slice %arg14[%dma_wait3A_123] : memref<640xi32, #tpu.memory_space<vmem>> -> memref<160xi32, #tpu.memory_space<vmem>>
    %dma_wait3A_125 = arith.constant 0 : i32
    %dma_wait3A_126 = arith.constant 0 : i32
    %dma_wait3A_127 = tpu.memref_slice %arg8[%dma_wait3A_125, %dma_wait3A_126] : memref<100000x128xi32, #tpu.memory_space<hbm>> -> memref<100000x128xi32, #tpu.memory_space<hbm>>
    tpu.wait_indirect_dma semaphore(%arg25 : memref<!tpu.dma_semaphore, #tpu.memory_space<semaphore_mem>>) src(%dma_wait3A_127 : memref<100000x128xi32, #tpu.memory_space<hbm>>) dst(%arg21 : memref<160x128xi32, #tpu.memory_space<vmem>>)
    %dma_wait3A_128 = arith.constant 320 : i32
    %dma_wait3A_129 = tpu.memref_slice %arg15[%dma_wait3A_128] : memref<640xi32, #tpu.memory_space<vmem>> -> memref<160xi32, #tpu.memory_space<vmem>>
    %dma_wait3A_130 = arith.constant 0 : i32
    %dma_wait3A_131 = arith.constant 0 : i32
    %dma_wait3A_132 = tpu.memref_slice %arg8[%dma_wait3A_130, %dma_wait3A_131] : memref<100000x128xi32, #tpu.memory_space<hbm>> -> memref<100000x128xi32, #tpu.memory_space<hbm>>
    tpu.wait_indirect_dma semaphore(%arg25 : memref<!tpu.dma_semaphore, #tpu.memory_space<semaphore_mem>>) src(%dma_wait3A_132 : memref<100000x128xi32, #tpu.memory_space<hbm>>) dst(%arg22 : memref<160x128xi32, #tpu.memory_space<vmem>>)
    %scan3A_133 = arith.constant 0 : i32
    %scan3A_134 = arith.constant 32 : i32
    %scan3A_135 = arith.addi %scan3A_133, %scan3A_134 : i32
    %scan3A_136 = arith.constant 1 : i32
    %scan3A_137:4 = scf.for %scan3A_178 = %scan3A_133 to %scan3A_135 step %scan3A_136 iter_args(%scan3A_179 = %scan3A_111#0, %scan3A_180 = %scan3A_111#1, %scan3A_181 = %scan3A_111#2, %scan3A_182 = %scan3A_111#3) -> (vector<16xf32>, vector<16xf32>, vector<16xf32>, vector<16xf32>)  : i32 {
      %mul3A_183 = arith.constant 5 : i32
      %mul3A_184 = arith.muli %scan3A_178, %mul3A_183 : i32
      %get3A = arith.index_cast %mul3A_184 : i32 to index
      %get3A_185 = arith.constant 64 : index
      %get3A_186 = tpu.vector_load %arg21[%get3A, %get3A_185] {strides = array<i32>} : memref<160x128xi32, #tpu.memory_space<vmem>>, vector<16xi32>,
      %and3A = arith.andi %get3A_186, %broadcast_in_dim3A_65 : vector<16xi32>
      %bitcast3A = vector.bitcast %and3A : vector<16xi32> to vector<16xf32>
      %mul3A_187 = arith.constant 5 : i32
      %mul3A_188 = arith.muli %scan3A_178, %mul3A_187 : i32
      %get3A_189 = arith.index_cast %mul3A_188 : i32 to index
      %get3A_190 = arith.constant 64 : index
      %get3A_191 = tpu.vector_load %arg22[%get3A_189, %get3A_190] {strides = array<i32>} : memref<160x128xi32, #tpu.memory_space<vmem>>, vector<16xi32>,
      %shift_left3A = arith.constant 16 : i32
      %shift_left3A_192 = vector.broadcast %shift_left3A : i32 to vector<16xi32>
      %shift_left3A_193 = arith.shli %get3A_191, %shift_left3A_192 : vector<16xi32>
      %bitcast3A_194 = vector.bitcast %shift_left3A_193 : vector<16xi32> to vector<16xf32>
      %add3A_195 = arith.addf %bitcast3A, %bitcast3A_194 : vector<16xf32>
      %mul3A_196 = arith.constant 5 : i32
      %mul3A_197 = arith.muli %scan3A_178, %mul3A_196 : i32
      %add3A_198 = arith.constant 1 : i32
      %add3A_199 = arith.addi %mul3A_197, %add3A_198 : i32
      %get3A_200 = arith.index_cast %add3A_199 : i32 to index
      %get3A_201 = arith.constant 64 : index
      %get3A_202 = tpu.vector_load %arg21[%get3A_200, %get3A_201] {strides = array<i32>} : memref<160x128xi32, #tpu.memory_space<vmem>>, vector<16xi32>,
      %and3A_203 = arith.andi %get3A_202, %broadcast_in_dim3A_65 : vector<16xi32>
      %bitcast3A_204 = vector.bitcast %and3A_203 : vector<16xi32> to vector<16xf32>
      %add3A_205 = arith.addf %add3A_195, %bitcast3A_204 : vector<16xf32>
      %mul3A_206 = arith.constant 5 : i32
      %mul3A_207 = arith.muli %scan3A_178, %mul3A_206 : i32
      %add3A_208 = arith.constant 1 : i32
      %add3A_209 = arith.addi %mul3A_207, %add3A_208 : i32
      %get3A_210 = arith.index_cast %add3A_209 : i32 to index
      %get3A_211 = arith.constant 64 : index
      %get3A_212 = tpu.vector_load %arg22[%get3A_210, %get3A_211] {strides = array<i32>} : memref<160x128xi32, #tpu.memory_space<vmem>>, vector<16xi32>,
      %shift_left3A_213 = arith.constant 16 : i32
      %shift_left3A_214 = vector.broadcast %shift_left3A_213 : i32 to vector<16xi32>
      %shift_left3A_215 = arith.shli %get3A_212, %shift_left3A_214 : vector<16xi32>
      %bitcast3A_216 = vector.bitcast %shift_left3A_215 : vector<16xi32> to vector<16xf32>
      %add3A_217 = arith.addf %add3A_205, %bitcast3A_216 : vector<16xf32>
      %mul3A_218 = arith.constant 5 : i32
      %mul3A_219 = arith.muli %scan3A_178, %mul3A_218 : i32
      %add3A_220 = arith.constant 2 : i32
      %add3A_221 = arith.addi %mul3A_219, %add3A_220 : i32
      %get3A_222 = arith.index_cast %add3A_221 : i32 to index
      %get3A_223 = arith.constant 64 : index
      %get3A_224 = tpu.vector_load %arg21[%get3A_222, %get3A_223] {strides = array<i32>} : memref<160x128xi32, #tpu.memory_space<vmem>>, vector<16xi32>,
      %and3A_225 = arith.andi %get3A_224, %broadcast_in_dim3A_65 : vector<16xi32>
      %bitcast3A_226 = vector.bitcast %and3A_225 : vector<16xi32> to vector<16xf32>
      %add3A_227 = arith.addf %add3A_217, %bitcast3A_226 : vector<16xf32>
      %mul3A_228 = arith.constant 5 : i32
      %mul3A_229 = arith.muli %scan3A_178, %mul3A_228 : i32
      %add3A_230 = arith.constant 2 : i32
      %add3A_231 = arith.addi %mul3A_229, %add3A_230 : i32
      %get3A_232 = arith.index_cast %add3A_231 : i32 to index
      %get3A_233 = arith.constant 64 : index
      %get3A_234 = tpu.vector_load %arg22[%get3A_232, %get3A_233] {strides = array<i32>} : memref<160x128xi32, #tpu.memory_space<vmem>>, vector<16xi32>,
      %shift_left3A_235 = arith.constant 16 : i32
      %shift_left3A_236 = vector.broadcast %shift_left3A_235 : i32 to vector<16xi32>
      %shift_left3A_237 = arith.shli %get3A_234, %shift_left3A_236 : vector<16xi32>
      %bitcast3A_238 = vector.bitcast %shift_left3A_237 : vector<16xi32> to vector<16xf32>
      %add3A_239 = arith.addf %add3A_227, %bitcast3A_238 : vector<16xf32>
      %mul3A_240 = arith.constant 5 : i32
      %mul3A_241 = arith.muli %scan3A_178, %mul3A_240 : i32
      %add3A_242 = arith.constant 3 : i32
      %add3A_243 = arith.addi %mul3A_241, %add3A_242 : i32
      %get3A_244 = arith.index_cast %add3A_243 : i32 to index
      %get3A_245 = arith.constant 64 : index
      %get3A_246 = tpu.vector_load %arg21[%get3A_244, %get3A_245] {strides = array<i32>} : memref<160x128xi32, #tpu.memory_space<vmem>>, vector<16xi32>,
      %and3A_247 = arith.andi %get3A_246, %broadcast_in_dim3A_65 : vector<16xi32>
      %bitcast3A_248 = vector.bitcast %and3A_247 : vector<16xi32> to vector<16xf32>
      %add3A_249 = arith.addf %add3A_239, %bitcast3A_248 : vector<16xf32>
      %mul3A_250 = arith.constant 5 : i32
      %mul3A_251 = arith.muli %scan3A_178, %mul3A_250 : i32
      %add3A_252 = arith.constant 3 : i32
      %add3A_253 = arith.addi %mul3A_251, %add3A_252 : i32
      %get3A_254 = arith.index_cast %add3A_253 : i32 to index
      %get3A_255 = arith.constant 64 : index
      %get3A_256 = tpu.vector_load %arg22[%get3A_254, %get3A_255] {strides = array<i32>} : memref<160x128xi32, #tpu.memory_space<vmem>>, vector<16xi32>,
      %shift_left3A_257 = arith.constant 16 : i32
      %shift_left3A_258 = vector.broadcast %shift_left3A_257 : i32 to vector<16xi32>
      %shift_left3A_259 = arith.shli %get3A_256, %shift_left3A_258 : vector<16xi32>
      %bitcast3A_260 = vector.bitcast %shift_left3A_259 : vector<16xi32> to vector<16xf32>
      %add3A_261 = arith.addf %add3A_249, %bitcast3A_260 : vector<16xf32>
      %mul3A_262 = arith.constant 5 : i32
      %mul3A_263 = arith.muli %scan3A_178, %mul3A_262 : i32
      %add3A_264 = arith.constant 4 : i32
      %add3A_265 = arith.addi %mul3A_263, %add3A_264 : i32
      %get3A_266 = arith.index_cast %add3A_265 : i32 to index
      %get3A_267 = arith.constant 64 : index
      %get3A_268 = tpu.vector_load %arg21[%get3A_266, %get3A_267] {strides = array<i32>} : memref<160x128xi32, #tpu.memory_space<vmem>>, vector<16xi32>,
      %and3A_269 = arith.andi %get3A_268, %broadcast_in_dim3A_65 : vector<16xi32>
      %bitcast3A_270 = vector.bitcast %and3A_269 : vector<16xi32> to vector<16xf32>
      %add3A_271 = arith.addf %add3A_261, %bitcast3A_270 : vector<16xf32>
      %mul3A_272 = arith.constant 5 : i32
      %mul3A_273 = arith.muli %scan3A_178, %mul3A_272 : i32
      %add3A_274 = arith.constant 4 : i32
      %add3A_275 = arith.addi %mul3A_273, %add3A_274 : i32
      %get3A_276 = arith.index_cast %add3A_275 : i32 to index
      %get3A_277 = arith.constant 64 : index
      %get3A_278 = tpu.vector_load %arg22[%get3A_276, %get3A_277] {strides = array<i32>} : memref<160x128xi32, #tpu.memory_space<vmem>>, vector<16xi32>,
      %shift_left3A_279 = arith.constant 16 : i32
      %shift_left3A_280 = vector.broadcast %shift_left3A_279 : i32 to vector<16xi32>
      %shift_left3A_281 = arith.shli %get3A_278, %shift_left3A_280 : vector<16xi32>
      %bitcast3A_282 = vector.bitcast %shift_left3A_281 : vector<16xi32> to vector<16xf32>
      %add3A_283 = arith.addf %add3A_271, %bitcast3A_282 : vector<16xf32>
      %add3A_284 = arith.constant 64 : i32
      %add3A_285 = arith.addi %add3A_284, %scan3A_178 : i32
      %get3A_286 = arith.index_cast %add3A_285 : i32 to index
      %get3A_287 = arith.constant 0 : index
      %get3A_288 = tpu.vector_load %arg20[%get3A_286, %get3A_287] {strides = array<i32>} : memref<128x64xf32, #tpu.memory_space<vmem>>, vector<16xf32>,
      %mul3A_289 = arith.mulf %get3A_288, %add3A_283 : vector<16xf32>
      %add3A_290 = arith.addf %scan3A_179, %mul3A_289 : vector<16xf32>
      %mul3A_291 = arith.constant 5 : i32
      %mul3A_292 = arith.muli %scan3A_178, %mul3A_291 : i32
      %get3A_293 = arith.index_cast %mul3A_292 : i32 to index
      %get3A_294 = arith.constant 80 : index
      %get3A_295 = tpu.vector_load %arg21[%get3A_293, %get3A_294] {strides = array<i32>} : memref<160x128xi32, #tpu.memory_space<vmem>>, vector<16xi32>,
      %and3A_296 = arith.andi %get3A_295, %broadcast_in_dim3A_65 : vector<16xi32>
      %bitcast3A_297 = vector.bitcast %and3A_296 : vector<16xi32> to vector<16xf32>
      %mul3A_298 = arith.constant 5 : i32
      %mul3A_299 = arith.muli %scan3A_178, %mul3A_298 : i32
      %get3A_300 = arith.index_cast %mul3A_299 : i32 to index
      %get3A_301 = arith.constant 80 : index
      %get3A_302 = tpu.vector_load %arg22[%get3A_300, %get3A_301] {strides = array<i32>} : memref<160x128xi32, #tpu.memory_space<vmem>>, vector<16xi32>,
      %shift_left3A_303 = arith.constant 16 : i32
      %shift_left3A_304 = vector.broadcast %shift_left3A_303 : i32 to vector<16xi32>
      %shift_left3A_305 = arith.shli %get3A_302, %shift_left3A_304 : vector<16xi32>
      %bitcast3A_306 = vector.bitcast %shift_left3A_305 : vector<16xi32> to vector<16xf32>
      %add3A_307 = arith.addf %bitcast3A_297, %bitcast3A_306 : vector<16xf32>
      %mul3A_308 = arith.constant 5 : i32
      %mul3A_309 = arith.muli %scan3A_178, %mul3A_308 : i32
      %add3A_310 = arith.constant 1 : i32
      %add3A_311 = arith.addi %mul3A_309, %add3A_310 : i32
      %get3A_312 = arith.index_cast %add3A_311 : i32 to index
      %get3A_313 = arith.constant 80 : index
      %get3A_314 = tpu.vector_load %arg21[%get3A_312, %get3A_313] {strides = array<i32>} : memref<160x128xi32, #tpu.memory_space<vmem>>, vector<16xi32>,
      %and3A_315 = arith.andi %get3A_314, %broadcast_in_dim3A_65 : vector<16xi32>
      %bitcast3A_316 = vector.bitcast %and3A_315 : vector<16xi32> to vector<16xf32>
      %add3A_317 = arith.addf %add3A_307, %bitcast3A_316 : vector<16xf32>
      %mul3A_318 = arith.constant 5 : i32
      %mul3A_319 = arith.muli %scan3A_178, %mul3A_318 : i32
      %add3A_320 = arith.constant 1 : i32
      %add3A_321 = arith.addi %mul3A_319, %add3A_320 : i32
      %get3A_322 = arith.index_cast %add3A_321 : i32 to index
      %get3A_323 = arith.constant 80 : index
      %get3A_324 = tpu.vector_load %arg22[%get3A_322, %get3A_323] {strides = array<i32>} : memref<160x128xi32, #tpu.memory_space<vmem>>, vector<16xi32>,
      %shift_left3A_325 = arith.constant 16 : i32
      %shift_left3A_326 = vector.broadcast %shift_left3A_325 : i32 to vector<16xi32>
      %shift_left3A_327 = arith.shli %get3A_324, %shift_left3A_326 : vector<16xi32>
      %bitcast3A_328 = vector.bitcast %shift_left3A_327 : vector<16xi32> to vector<16xf32>
      %add3A_329 = arith.addf %add3A_317, %bitcast3A_328 : vector<16xf32>
      %mul3A_330 = arith.constant 5 : i32
      %mul3A_331 = arith.muli %scan3A_178, %mul3A_330 : i32
      %add3A_332 = arith.constant 2 : i32
      %add3A_333 = arith.addi %mul3A_331, %add3A_332 : i32
      %get3A_334 = arith.index_cast %add3A_333 : i32 to index
      %get3A_335 = arith.constant 80 : index
      %get3A_336 = tpu.vector_load %arg21[%get3A_334, %get3A_335] {strides = array<i32>} : memref<160x128xi32, #tpu.memory_space<vmem>>, vector<16xi32>,
      %and3A_337 = arith.andi %get3A_336, %broadcast_in_dim3A_65 : vector<16xi32>
      %bitcast3A_338 = vector.bitcast %and3A_337 : vector<16xi32> to vector<16xf32>
      %add3A_339 = arith.addf %add3A_329, %bitcast3A_338 : vector<16xf32>
      %mul3A_340 = arith.constant 5 : i32
      %mul3A_341 = arith.muli %scan3A_178, %mul3A_340 : i32
      %add3A_342 = arith.constant 2 : i32
      %add3A_343 = arith.addi %mul3A_341, %add3A_342 : i32
      %get3A_344 = arith.index_cast %add3A_343 : i32 to index
      %get3A_345 = arith.constant 80 : index
      %get3A_346 = tpu.vector_load %arg22[%get3A_344, %get3A_345] {strides = array<i32>} : memref<160x128xi32, #tpu.memory_space<vmem>>, vector<16xi32>,
      %shift_left3A_347 = arith.constant 16 : i32
      %shift_left3A_348 = vector.broadcast %shift_left3A_347 : i32 to vector<16xi32>
      %shift_left3A_349 = arith.shli %get3A_346, %shift_left3A_348 : vector<16xi32>
      %bitcast3A_350 = vector.bitcast %shift_left3A_349 : vector<16xi32> to vector<16xf32>
      %add3A_351 = arith.addf %add3A_339, %bitcast3A_350 : vector<16xf32>
      %mul3A_352 = arith.constant 5 : i32
      %mul3A_353 = arith.muli %scan3A_178, %mul3A_352 : i32
      %add3A_354 = arith.constant 3 : i32
      %add3A_355 = arith.addi %mul3A_353, %add3A_354 : i32
      %get3A_356 = arith.index_cast %add3A_355 : i32 to index
      %get3A_357 = arith.constant 80 : index
      %get3A_358 = tpu.vector_load %arg21[%get3A_356, %get3A_357] {strides = array<i32>} : memref<160x128xi32, #tpu.memory_space<vmem>>, vector<16xi32>,
      %and3A_359 = arith.andi %get3A_358, %broadcast_in_dim3A_65 : vector<16xi32>
      %bitcast3A_360 = vector.bitcast %and3A_359 : vector<16xi32> to vector<16xf32>
      %add3A_361 = arith.addf %add3A_351, %bitcast3A_360 : vector<16xf32>
      %mul3A_362 = arith.constant 5 : i32
      %mul3A_363 = arith.muli %scan3A_178, %mul3A_362 : i32
      %add3A_364 = arith.constant 3 : i32
      %add3A_365 = arith.addi %mul3A_363, %add3A_364 : i32
      %get3A_366 = arith.index_cast %add3A_365 : i32 to index
      %get3A_367 = arith.constant 80 : index
      %get3A_368 = tpu.vector_load %arg22[%get3A_366, %get3A_367] {strides = array<i32>} : memref<160x128xi32, #tpu.memory_space<vmem>>, vector<16xi32>,
      %shift_left3A_369 = arith.constant 16 : i32
      %shift_left3A_370 = vector.broadcast %shift_left3A_369 : i32 to vector<16xi32>
      %shift_left3A_371 = arith.shli %get3A_368, %shift_left3A_370 : vector<16xi32>
      %bitcast3A_372 = vector.bitcast %shift_left3A_371 : vector<16xi32> to vector<16xf32>
      %add3A_373 = arith.addf %add3A_361, %bitcast3A_372 : vector<16xf32>
      %mul3A_374 = arith.constant 5 : i32
      %mul3A_375 = arith.muli %scan3A_178, %mul3A_374 : i32
      %add3A_376 = arith.constant 4 : i32
      %add3A_377 = arith.addi %mul3A_375, %add3A_376 : i32
      %get3A_378 = arith.index_cast %add3A_377 : i32 to index
      %get3A_379 = arith.constant 80 : index
      %get3A_380 = tpu.vector_load %arg21[%get3A_378, %get3A_379] {strides = array<i32>} : memref<160x128xi32, #tpu.memory_space<vmem>>, vector<16xi32>,
      %and3A_381 = arith.andi %get3A_380, %broadcast_in_dim3A_65 : vector<16xi32>
      %bitcast3A_382 = vector.bitcast %and3A_381 : vector<16xi32> to vector<16xf32>
      %add3A_383 = arith.addf %add3A_373, %bitcast3A_382 : vector<16xf32>
      %mul3A_384 = arith.constant 5 : i32
      %mul3A_385 = arith.muli %scan3A_178, %mul3A_384 : i32
      %add3A_386 = arith.constant 4 : i32
      %add3A_387 = arith.addi %mul3A_385, %add3A_386 : i32
      %get3A_388 = arith.index_cast %add3A_387 : i32 to index
      %get3A_389 = arith.constant 80 : index
      %get3A_390 = tpu.vector_load %arg22[%get3A_388, %get3A_389] {strides = array<i32>} : memref<160x128xi32, #tpu.memory_space<vmem>>, vector<16xi32>,
      %shift_left3A_391 = arith.constant 16 : i32
      %shift_left3A_392 = vector.broadcast %shift_left3A_391 : i32 to vector<16xi32>
      %shift_left3A_393 = arith.shli %get3A_390, %shift_left3A_392 : vector<16xi32>
      %bitcast3A_394 = vector.bitcast %shift_left3A_393 : vector<16xi32> to vector<16xf32>
      %add3A_395 = arith.addf %add3A_383, %bitcast3A_394 : vector<16xf32>
      %add3A_396 = arith.constant 64 : i32
      %add3A_397 = arith.addi %add3A_396, %scan3A_178 : i32
      %get3A_398 = arith.index_cast %add3A_397 : i32 to index
      %get3A_399 = arith.constant 16 : index
      %get3A_400 = tpu.vector_load %arg20[%get3A_398, %get3A_399] {strides = array<i32>} : memref<128x64xf32, #tpu.memory_space<vmem>>, vector<16xf32>,
      %mul3A_401 = arith.mulf %get3A_400, %add3A_395 : vector<16xf32>
      %add3A_402 = arith.addf %scan3A_180, %mul3A_401 : vector<16xf32>
      %mul3A_403 = arith.constant 5 : i32
      %mul3A_404 = arith.muli %scan3A_178, %mul3A_403 : i32
      %get3A_405 = arith.index_cast %mul3A_404 : i32 to index
      %get3A_406 = arith.constant 96 : index
      %get3A_407 = tpu.vector_load %arg21[%get3A_405, %get3A_406] {strides = array<i32>} : memref<160x128xi32, #tpu.memory_space<vmem>>, vector<16xi32>,
      %and3A_408 = arith.andi %get3A_407, %broadcast_in_dim3A_65 : vector<16xi32>
      %bitcast3A_409 = vector.bitcast %and3A_408 : vector<16xi32> to vector<16xf32>
      %mul3A_410 = arith.constant 5 : i32
      %mul3A_411 = arith.muli %scan3A_178, %mul3A_410 : i32
      %get3A_412 = arith.index_cast %mul3A_411 : i32 to index
      %get3A_413 = arith.constant 96 : index
      %get3A_414 = tpu.vector_load %arg22[%get3A_412, %get3A_413] {strides = array<i32>} : memref<160x128xi32, #tpu.memory_space<vmem>>, vector<16xi32>,
      %shift_left3A_415 = arith.constant 16 : i32
      %shift_left3A_416 = vector.broadcast %shift_left3A_415 : i32 to vector<16xi32>
      %shift_left3A_417 = arith.shli %get3A_414, %shift_left3A_416 : vector<16xi32>
      %bitcast3A_418 = vector.bitcast %shift_left3A_417 : vector<16xi32> to vector<16xf32>
      %add3A_419 = arith.addf %bitcast3A_409, %bitcast3A_418 : vector<16xf32>
      %mul3A_420 = arith.constant 5 : i32
      %mul3A_421 = arith.muli %scan3A_178, %mul3A_420 : i32
      %add3A_422 = arith.constant 1 : i32
      %add3A_423 = arith.addi %mul3A_421, %add3A_422 : i32
      %get3A_424 = arith.index_cast %add3A_423 : i32 to index
      %get3A_425 = arith.constant 96 : index
      %get3A_426 = tpu.vector_load %arg21[%get3A_424, %get3A_425] {strides = array<i32>} : memref<160x128xi32, #tpu.memory_space<vmem>>, vector<16xi32>,
      %and3A_427 = arith.andi %get3A_426, %broadcast_in_dim3A_65 : vector<16xi32>
      %bitcast3A_428 = vector.bitcast %and3A_427 : vector<16xi32> to vector<16xf32>
      %add3A_429 = arith.addf %add3A_419, %bitcast3A_428 : vector<16xf32>
      %mul3A_430 = arith.constant 5 : i32
      %mul3A_431 = arith.muli %scan3A_178, %mul3A_430 : i32
      %add3A_432 = arith.constant 1 : i32
      %add3A_433 = arith.addi %mul3A_431, %add3A_432 : i32
      %get3A_434 = arith.index_cast %add3A_433 : i32 to index
      %get3A_435 = arith.constant 96 : index
      %get3A_436 = tpu.vector_load %arg22[%get3A_434, %get3A_435] {strides = array<i32>} : memref<160x128xi32, #tpu.memory_space<vmem>>, vector<16xi32>,
      %shift_left3A_437 = arith.constant 16 : i32
      %shift_left3A_438 = vector.broadcast %shift_left3A_437 : i32 to vector<16xi32>
      %shift_left3A_439 = arith.shli %get3A_436, %shift_left3A_438 : vector<16xi32>
      %bitcast3A_440 = vector.bitcast %shift_left3A_439 : vector<16xi32> to vector<16xf32>
      %add3A_441 = arith.addf %add3A_429, %bitcast3A_440 : vector<16xf32>
      %mul3A_442 = arith.constant 5 : i32
      %mul3A_443 = arith.muli %scan3A_178, %mul3A_442 : i32
      %add3A_444 = arith.constant 2 : i32
      %add3A_445 = arith.addi %mul3A_443, %add3A_444 : i32
      %get3A_446 = arith.index_cast %add3A_445 : i32 to index
      %get3A_447 = arith.constant 96 : index
      %get3A_448 = tpu.vector_load %arg21[%get3A_446, %get3A_447] {strides = array<i32>} : memref<160x128xi32, #tpu.memory_space<vmem>>, vector<16xi32>,
      %and3A_449 = arith.andi %get3A_448, %broadcast_in_dim3A_65 : vector<16xi32>
      %bitcast3A_450 = vector.bitcast %and3A_449 : vector<16xi32> to vector<16xf32>
      %add3A_451 = arith.addf %add3A_441, %bitcast3A_450 : vector<16xf32>
      %mul3A_452 = arith.constant 5 : i32
      %mul3A_453 = arith.muli %scan3A_178, %mul3A_452 : i32
      %add3A_454 = arith.constant 2 : i32
      %add3A_455 = arith.addi %mul3A_453, %add3A_454 : i32
      %get3A_456 = arith.index_cast %add3A_455 : i32 to index
      %get3A_457 = arith.constant 96 : index
      %get3A_458 = tpu.vector_load %arg22[%get3A_456, %get3A_457] {strides = array<i32>} : memref<160x128xi32, #tpu.memory_space<vmem>>, vector<16xi32>,
      %shift_left3A_459 = arith.constant 16 : i32
      %shift_left3A_460 = vector.broadcast %shift_left3A_459 : i32 to vector<16xi32>
      %shift_left3A_461 = arith.shli %get3A_458, %shift_left3A_460 : vector<16xi32>
      %bitcast3A_462 = vector.bitcast %shift_left3A_461 : vector<16xi32> to vector<16xf32>
      %add3A_463 = arith.addf %add3A_451, %bitcast3A_462 : vector<16xf32>
      %mul3A_464 = arith.constant 5 : i32
      %mul3A_465 = arith.muli %scan3A_178, %mul3A_464 : i32
      %add3A_466 = arith.constant 3 : i32
      %add3A_467 = arith.addi %mul3A_465, %add3A_466 : i32
      %get3A_468 = arith.index_cast %add3A_467 : i32 to index
      %get3A_469 = arith.constant 96 : index
      %get3A_470 = tpu.vector_load %arg21[%get3A_468, %get3A_469] {strides = array<i32>} : memref<160x128xi32, #tpu.memory_space<vmem>>, vector<16xi32>,
      %and3A_471 = arith.andi %get3A_470, %broadcast_in_dim3A_65 : vector<16xi32>
      %bitcast3A_472 = vector.bitcast %and3A_471 : vector<16xi32> to vector<16xf32>
      %add3A_473 = arith.addf %add3A_463, %bitcast3A_472 : vector<16xf32>
      %mul3A_474 = arith.constant 5 : i32
      %mul3A_475 = arith.muli %scan3A_178, %mul3A_474 : i32
      %add3A_476 = arith.constant 3 : i32
      %add3A_477 = arith.addi %mul3A_475, %add3A_476 : i32
      %get3A_478 = arith.index_cast %add3A_477 : i32 to index
      %get3A_479 = arith.constant 96 : index
      %get3A_480 = tpu.vector_load %arg22[%get3A_478, %get3A_479] {strides = array<i32>} : memref<160x128xi32, #tpu.memory_space<vmem>>, vector<16xi32>,
      %shift_left3A_481 = arith.constant 16 : i32
      %shift_left3A_482 = vector.broadcast %shift_left3A_481 : i32 to vector<16xi32>
      %shift_left3A_483 = arith.shli %get3A_480, %shift_left3A_482 : vector<16xi32>
      %bitcast3A_484 = vector.bitcast %shift_left3A_483 : vector<16xi32> to vector<16xf32>
      %add3A_485 = arith.addf %add3A_473, %bitcast3A_484 : vector<16xf32>
      %mul3A_486 = arith.constant 5 : i32
      %mul3A_487 = arith.muli %scan3A_178, %mul3A_486 : i32
      %add3A_488 = arith.constant 4 : i32
      %add3A_489 = arith.addi %mul3A_487, %add3A_488 : i32
      %get3A_490 = arith.index_cast %add3A_489 : i32 to index
      %get3A_491 = arith.constant 96 : index
      %get3A_492 = tpu.vector_load %arg21[%get3A_490, %get3A_491] {strides = array<i32>} : memref<160x128xi32, #tpu.memory_space<vmem>>, vector<16xi32>,
      %and3A_493 = arith.andi %get3A_492, %broadcast_in_dim3A_65 : vector<16xi32>
      %bitcast3A_494 = vector.bitcast %and3A_493 : vector<16xi32> to vector<16xf32>
      %add3A_495 = arith.addf %add3A_485, %bitcast3A_494 : vector<16xf32>
      %mul3A_496 = arith.constant 5 : i32
      %mul3A_497 = arith.muli %scan3A_178, %mul3A_496 : i32
      %add3A_498 = arith.constant 4 : i32
      %add3A_499 = arith.addi %mul3A_497, %add3A_498 : i32
      %get3A_500 = arith.index_cast %add3A_499 : i32 to index
      %get3A_501 = arith.constant 96 : index
      %get3A_502 = tpu.vector_load %arg22[%get3A_500, %get3A_501] {strides = array<i32>} : memref<160x128xi32, #tpu.memory_space<vmem>>, vector<16xi32>,
      %shift_left3A_503 = arith.constant 16 : i32
      %shift_left3A_504 = vector.broadcast %shift_left3A_503 : i32 to vector<16xi32>
      %shift_left3A_505 = arith.shli %get3A_502, %shift_left3A_504 : vector<16xi32>
      %bitcast3A_506 = vector.bitcast %shift_left3A_505 : vector<16xi32> to vector<16xf32>
      %add3A_507 = arith.addf %add3A_495, %bitcast3A_506 : vector<16xf32>
      %add3A_508 = arith.constant 64 : i32
      %add3A_509 = arith.addi %add3A_508, %scan3A_178 : i32
      %get3A_510 = arith.index_cast %add3A_509 : i32 to index
      %get3A_511 = arith.constant 32 : index
      %get3A_512 = tpu.vector_load %arg20[%get3A_510, %get3A_511] {strides = array<i32>} : memref<128x64xf32, #tpu.memory_space<vmem>>, vector<16xf32>,
      %mul3A_513 = arith.mulf %get3A_512, %add3A_507 : vector<16xf32>
      %add3A_514 = arith.addf %scan3A_181, %mul3A_513 : vector<16xf32>
      %mul3A_515 = arith.constant 5 : i32
      %mul3A_516 = arith.muli %scan3A_178, %mul3A_515 : i32
      %get3A_517 = arith.index_cast %mul3A_516 : i32 to index
      %get3A_518 = arith.constant 112 : index
      %get3A_519 = tpu.vector_load %arg21[%get3A_517, %get3A_518] {strides = array<i32>} : memref<160x128xi32, #tpu.memory_space<vmem>>, vector<16xi32>,
      %and3A_520 = arith.andi %get3A_519, %broadcast_in_dim3A_65 : vector<16xi32>
      %bitcast3A_521 = vector.bitcast %and3A_520 : vector<16xi32> to vector<16xf32>
      %mul3A_522 = arith.constant 5 : i32
      %mul3A_523 = arith.muli %scan3A_178, %mul3A_522 : i32
      %get3A_524 = arith.index_cast %mul3A_523 : i32 to index
      %get3A_525 = arith.constant 112 : index
      %get3A_526 = tpu.vector_load %arg22[%get3A_524, %get3A_525] {strides = array<i32>} : memref<160x128xi32, #tpu.memory_space<vmem>>, vector<16xi32>,
      %shift_left3A_527 = arith.constant 16 : i32
      %shift_left3A_528 = vector.broadcast %shift_left3A_527 : i32 to vector<16xi32>
      %shift_left3A_529 = arith.shli %get3A_526, %shift_left3A_528 : vector<16xi32>
      %bitcast3A_530 = vector.bitcast %shift_left3A_529 : vector<16xi32> to vector<16xf32>
      %add3A_531 = arith.addf %bitcast3A_521, %bitcast3A_530 : vector<16xf32>
      %mul3A_532 = arith.constant 5 : i32
      %mul3A_533 = arith.muli %scan3A_178, %mul3A_532 : i32
      %add3A_534 = arith.constant 1 : i32
      %add3A_535 = arith.addi %mul3A_533, %add3A_534 : i32
      %get3A_536 = arith.index_cast %add3A_535 : i32 to index
      %get3A_537 = arith.constant 112 : index
      %get3A_538 = tpu.vector_load %arg21[%get3A_536, %get3A_537] {strides = array<i32>} : memref<160x128xi32, #tpu.memory_space<vmem>>, vector<16xi32>,
      %and3A_539 = arith.andi %get3A_538, %broadcast_in_dim3A_65 : vector<16xi32>
      %bitcast3A_540 = vector.bitcast %and3A_539 : vector<16xi32> to vector<16xf32>
      %add3A_541 = arith.addf %add3A_531, %bitcast3A_540 : vector<16xf32>
      %mul3A_542 = arith.constant 5 : i32
      %mul3A_543 = arith.muli %scan3A_178, %mul3A_542 : i32
      %add3A_544 = arith.constant 1 : i32
      %add3A_545 = arith.addi %mul3A_543, %add3A_544 : i32
      %get3A_546 = arith.index_cast %add3A_545 : i32 to index
      %get3A_547 = arith.constant 112 : index
      %get3A_548 = tpu.vector_load %arg22[%get3A_546, %get3A_547] {strides = array<i32>} : memref<160x128xi32, #tpu.memory_space<vmem>>, vector<16xi32>,
      %shift_left3A_549 = arith.constant 16 : i32
      %shift_left3A_550 = vector.broadcast %shift_left3A_549 : i32 to vector<16xi32>
      %shift_left3A_551 = arith.shli %get3A_548, %shift_left3A_550 : vector<16xi32>
      %bitcast3A_552 = vector.bitcast %shift_left3A_551 : vector<16xi32> to vector<16xf32>
      %add3A_553 = arith.addf %add3A_541, %bitcast3A_552 : vector<16xf32>
      %mul3A_554 = arith.constant 5 : i32
      %mul3A_555 = arith.muli %scan3A_178, %mul3A_554 : i32
      %add3A_556 = arith.constant 2 : i32
      %add3A_557 = arith.addi %mul3A_555, %add3A_556 : i32
      %get3A_558 = arith.index_cast %add3A_557 : i32 to index
      %get3A_559 = arith.constant 112 : index
      %get3A_560 = tpu.vector_load %arg21[%get3A_558, %get3A_559] {strides = array<i32>} : memref<160x128xi32, #tpu.memory_space<vmem>>, vector<16xi32>,
      %and3A_561 = arith.andi %get3A_560, %broadcast_in_dim3A_65 : vector<16xi32>
      %bitcast3A_562 = vector.bitcast %and3A_561 : vector<16xi32> to vector<16xf32>
      %add3A_563 = arith.addf %add3A_553, %bitcast3A_562 : vector<16xf32>
      %mul3A_564 = arith.constant 5 : i32
      %mul3A_565 = arith.muli %scan3A_178, %mul3A_564 : i32
      %add3A_566 = arith.constant 2 : i32
      %add3A_567 = arith.addi %mul3A_565, %add3A_566 : i32
      %get3A_568 = arith.index_cast %add3A_567 : i32 to index
      %get3A_569 = arith.constant 112 : index
      %get3A_570 = tpu.vector_load %arg22[%get3A_568, %get3A_569] {strides = array<i32>} : memref<160x128xi32, #tpu.memory_space<vmem>>, vector<16xi32>,
      %shift_left3A_571 = arith.constant 16 : i32
      %shift_left3A_572 = vector.broadcast %shift_left3A_571 : i32 to vector<16xi32>
      %shift_left3A_573 = arith.shli %get3A_570, %shift_left3A_572 : vector<16xi32>
      %bitcast3A_574 = vector.bitcast %shift_left3A_573 : vector<16xi32> to vector<16xf32>
      %add3A_575 = arith.addf %add3A_563, %bitcast3A_574 : vector<16xf32>
      %mul3A_576 = arith.constant 5 : i32
      %mul3A_577 = arith.muli %scan3A_178, %mul3A_576 : i32
      %add3A_578 = arith.constant 3 : i32
      %add3A_579 = arith.addi %mul3A_577, %add3A_578 : i32
      %get3A_580 = arith.index_cast %add3A_579 : i32 to index
      %get3A_581 = arith.constant 112 : index
      %get3A_582 = tpu.vector_load %arg21[%get3A_580, %get3A_581] {strides = array<i32>} : memref<160x128xi32, #tpu.memory_space<vmem>>, vector<16xi32>,
      %and3A_583 = arith.andi %get3A_582, %broadcast_in_dim3A_65 : vector<16xi32>
      %bitcast3A_584 = vector.bitcast %and3A_583 : vector<16xi32> to vector<16xf32>
      %add3A_585 = arith.addf %add3A_575, %bitcast3A_584 : vector<16xf32>
      %mul3A_586 = arith.constant 5 : i32
      %mul3A_587 = arith.muli %scan3A_178, %mul3A_586 : i32
      %add3A_588 = arith.constant 3 : i32
      %add3A_589 = arith.addi %mul3A_587, %add3A_588 : i32
      %get3A_590 = arith.index_cast %add3A_589 : i32 to index
      %get3A_591 = arith.constant 112 : index
      %get3A_592 = tpu.vector_load %arg22[%get3A_590, %get3A_591] {strides = array<i32>} : memref<160x128xi32, #tpu.memory_space<vmem>>, vector<16xi32>,
      %shift_left3A_593 = arith.constant 16 : i32
      %shift_left3A_594 = vector.broadcast %shift_left3A_593 : i32 to vector<16xi32>
      %shift_left3A_595 = arith.shli %get3A_592, %shift_left3A_594 : vector<16xi32>
      %bitcast3A_596 = vector.bitcast %shift_left3A_595 : vector<16xi32> to vector<16xf32>
      %add3A_597 = arith.addf %add3A_585, %bitcast3A_596 : vector<16xf32>
      %mul3A_598 = arith.constant 5 : i32
      %mul3A_599 = arith.muli %scan3A_178, %mul3A_598 : i32
      %add3A_600 = arith.constant 4 : i32
      %add3A_601 = arith.addi %mul3A_599, %add3A_600 : i32
      %get3A_602 = arith.index_cast %add3A_601 : i32 to index
      %get3A_603 = arith.constant 112 : index
      %get3A_604 = tpu.vector_load %arg21[%get3A_602, %get3A_603] {strides = array<i32>} : memref<160x128xi32, #tpu.memory_space<vmem>>, vector<16xi32>,
      %and3A_605 = arith.andi %get3A_604, %broadcast_in_dim3A_65 : vector<16xi32>
      %bitcast3A_606 = vector.bitcast %and3A_605 : vector<16xi32> to vector<16xf32>
      %add3A_607 = arith.addf %add3A_597, %bitcast3A_606 : vector<16xf32>
      %mul3A_608 = arith.constant 5 : i32
      %mul3A_609 = arith.muli %scan3A_178, %mul3A_608 : i32
      %add3A_610 = arith.constant 4 : i32
      %add3A_611 = arith.addi %mul3A_609, %add3A_610 : i32
      %get3A_612 = arith.index_cast %add3A_611 : i32 to index
      %get3A_613 = arith.constant 112 : index
      %get3A_614 = tpu.vector_load %arg22[%get3A_612, %get3A_613] {strides = array<i32>} : memref<160x128xi32, #tpu.memory_space<vmem>>, vector<16xi32>,
      %shift_left3A_615 = arith.constant 16 : i32
      %shift_left3A_616 = vector.broadcast %shift_left3A_615 : i32 to vector<16xi32>
      %shift_left3A_617 = arith.shli %get3A_614, %shift_left3A_616 : vector<16xi32>
      %bitcast3A_618 = vector.bitcast %shift_left3A_617 : vector<16xi32> to vector<16xf32>
      %add3A_619 = arith.addf %add3A_607, %bitcast3A_618 : vector<16xf32>
      %add3A_620 = arith.constant 64 : i32
      %add3A_621 = arith.addi %add3A_620, %scan3A_178 : i32
      %get3A_622 = arith.index_cast %add3A_621 : i32 to index
      %get3A_623 = arith.constant 48 : index
      %get3A_624 = tpu.vector_load %arg20[%get3A_622, %get3A_623] {strides = array<i32>} : memref<128x64xf32, #tpu.memory_space<vmem>>, vector<16xf32>,
      %mul3A_625 = arith.mulf %get3A_624, %add3A_619 : vector<16xf32>
      %add3A_626 = arith.addf %scan3A_182, %mul3A_625 : vector<16xf32>
      scf.yield %add3A_290, %add3A_402, %add3A_514, %add3A_626 : vector<16xf32>, vector<16xf32>, vector<16xf32>, vector<16xf32>
    }
    %scan3A_138 = arith.constant 32 : i32
    %dma_start3A_139 = arith.constant 480 : i32
    %dma_start3A_140 = tpu.memref_slice %arg14[%dma_start3A_139] : memref<640xi32, #tpu.memory_space<vmem>> -> memref<160xi32, #tpu.memory_space<vmem>>
    %dma_start3A_141 = arith.constant 0 : i32
    %dma_start3A_142 = arith.constant 0 : i32
    %dma_start3A_143 = tpu.memref_slice %arg8[%dma_start3A_141, %dma_start3A_142] : memref<100000x128xi32, #tpu.memory_space<hbm>> -> memref<100000x128xi32, #tpu.memory_space<hbm>>
    tpu.enqueue_indirect_dma source(%dma_start3A_143 : memref<100000x128xi32, #tpu.memory_space<hbm>>) target(%arg21 : memref<160x128xi32, #tpu.memory_space<vmem>>) offsets(%dma_start3A_140 : memref<160xi32, #tpu.memory_space<vmem>>) semaphore(%arg25 : memref<!tpu.dma_semaphore, #tpu.memory_space<semaphore_mem>>)
    %dma_start3A_144 = arith.constant 480 : i32
    %dma_start3A_145 = tpu.memref_slice %arg15[%dma_start3A_144] : memref<640xi32, #tpu.memory_space<vmem>> -> memref<160xi32, #tpu.memory_space<vmem>>
    %dma_start3A_146 = arith.constant 0 : i32
    %dma_start3A_147 = arith.constant 0 : i32
    %dma_start3A_148 = tpu.memref_slice %arg8[%dma_start3A_146, %dma_start3A_147] : memref<100000x128xi32, #tpu.memory_space<hbm>> -> memref<100000x128xi32, #tpu.memory_space<hbm>>
    tpu.enqueue_indirect_dma source(%dma_start3A_148 : memref<100000x128xi32, #tpu.memory_space<hbm>>) target(%arg22 : memref<160x128xi32, #tpu.memory_space<vmem>>) offsets(%dma_start3A_145 : memref<160xi32, #tpu.memory_space<vmem>>) semaphore(%arg25 : memref<!tpu.dma_semaphore, #tpu.memory_space<semaphore_mem>>)
    %dma_wait3A_149 = arith.constant 480 : i32
    %dma_wait3A_150 = tpu.memref_slice %arg14[%dma_wait3A_149] : memref<640xi32, #tpu.memory_space<vmem>> -> memref<160xi32, #tpu.memory_space<vmem>>
    %dma_wait3A_151 = arith.constant 0 : i32
    %dma_wait3A_152 = arith.constant 0 : i32
    %dma_wait3A_153 = tpu.memref_slice %arg8[%dma_wait3A_151, %dma_wait3A_152] : memref<100000x128xi32, #tpu.memory_space<hbm>> -> memref<100000x128xi32, #tpu.memory_space<hbm>>
    tpu.wait_indirect_dma semaphore(%arg25 : memref<!tpu.dma_semaphore, #tpu.memory_space<semaphore_mem>>) src(%dma_wait3A_153 : memref<100000x128xi32, #tpu.memory_space<hbm>>) dst(%arg21 : memref<160x128xi32, #tpu.memory_space<vmem>>)
    %dma_wait3A_154 = arith.constant 480 : i32
    %dma_wait3A_155 = tpu.memref_slice %arg15[%dma_wait3A_154] : memref<640xi32, #tpu.memory_space<vmem>> -> memref<160xi32, #tpu.memory_space<vmem>>
    %dma_wait3A_156 = arith.constant 0 : i32
    %dma_wait3A_157 = arith.constant 0 : i32
    %dma_wait3A_158 = tpu.memref_slice %arg8[%dma_wait3A_156, %dma_wait3A_157] : memref<100000x128xi32, #tpu.memory_space<hbm>> -> memref<100000x128xi32, #tpu.memory_space<hbm>>
    tpu.wait_indirect_dma semaphore(%arg25 : memref<!tpu.dma_semaphore, #tpu.memory_space<semaphore_mem>>) src(%dma_wait3A_158 : memref<100000x128xi32, #tpu.memory_space<hbm>>) dst(%arg22 : memref<160x128xi32, #tpu.memory_space<vmem>>)
    %scan3A_159 = arith.constant 0 : i32
    %scan3A_160 = arith.constant 32 : i32
    %scan3A_161 = arith.addi %scan3A_159, %scan3A_160 : i32
    %scan3A_162 = arith.constant 1 : i32
    %scan3A_163:4 = scf.for %scan3A_178 = %scan3A_159 to %scan3A_161 step %scan3A_162 iter_args(%scan3A_179 = %scan3A_137#0, %scan3A_180 = %scan3A_137#1, %scan3A_181 = %scan3A_137#2, %scan3A_182 = %scan3A_137#3) -> (vector<16xf32>, vector<16xf32>, vector<16xf32>, vector<16xf32>)  : i32 {
      %mul3A_183 = arith.constant 5 : i32
      %mul3A_184 = arith.muli %scan3A_178, %mul3A_183 : i32
      %get3A = arith.index_cast %mul3A_184 : i32 to index
      %get3A_185 = arith.constant 64 : index
      %get3A_186 = tpu.vector_load %arg21[%get3A, %get3A_185] {strides = array<i32>} : memref<160x128xi32, #tpu.memory_space<vmem>>, vector<16xi32>,
      %and3A = arith.andi %get3A_186, %broadcast_in_dim3A_65 : vector<16xi32>
      %bitcast3A = vector.bitcast %and3A : vector<16xi32> to vector<16xf32>
      %mul3A_187 = arith.constant 5 : i32
      %mul3A_188 = arith.muli %scan3A_178, %mul3A_187 : i32
      %get3A_189 = arith.index_cast %mul3A_188 : i32 to index
      %get3A_190 = arith.constant 64 : index
      %get3A_191 = tpu.vector_load %arg22[%get3A_189, %get3A_190] {strides = array<i32>} : memref<160x128xi32, #tpu.memory_space<vmem>>, vector<16xi32>,
      %shift_left3A = arith.constant 16 : i32
      %shift_left3A_192 = vector.broadcast %shift_left3A : i32 to vector<16xi32>
      %shift_left3A_193 = arith.shli %get3A_191, %shift_left3A_192 : vector<16xi32>
      %bitcast3A_194 = vector.bitcast %shift_left3A_193 : vector<16xi32> to vector<16xf32>
      %add3A_195 = arith.addf %bitcast3A, %bitcast3A_194 : vector<16xf32>
      %mul3A_196 = arith.constant 5 : i32
      %mul3A_197 = arith.muli %scan3A_178, %mul3A_196 : i32
      %add3A_198 = arith.constant 1 : i32
      %add3A_199 = arith.addi %mul3A_197, %add3A_198 : i32
      %get3A_200 = arith.index_cast %add3A_199 : i32 to index
      %get3A_201 = arith.constant 64 : index
      %get3A_202 = tpu.vector_load %arg21[%get3A_200, %get3A_201] {strides = array<i32>} : memref<160x128xi32, #tpu.memory_space<vmem>>, vector<16xi32>,
      %and3A_203 = arith.andi %get3A_202, %broadcast_in_dim3A_65 : vector<16xi32>
      %bitcast3A_204 = vector.bitcast %and3A_203 : vector<16xi32> to vector<16xf32>
      %add3A_205 = arith.addf %add3A_195, %bitcast3A_204 : vector<16xf32>
      %mul3A_206 = arith.constant 5 : i32
      %mul3A_207 = arith.muli %scan3A_178, %mul3A_206 : i32
      %add3A_208 = arith.constant 1 : i32
      %add3A_209 = arith.addi %mul3A_207, %add3A_208 : i32
      %get3A_210 = arith.index_cast %add3A_209 : i32 to index
      %get3A_211 = arith.constant 64 : index
      %get3A_212 = tpu.vector_load %arg22[%get3A_210, %get3A_211] {strides = array<i32>} : memref<160x128xi32, #tpu.memory_space<vmem>>, vector<16xi32>,
      %shift_left3A_213 = arith.constant 16 : i32
      %shift_left3A_214 = vector.broadcast %shift_left3A_213 : i32 to vector<16xi32>
      %shift_left3A_215 = arith.shli %get3A_212, %shift_left3A_214 : vector<16xi32>
      %bitcast3A_216 = vector.bitcast %shift_left3A_215 : vector<16xi32> to vector<16xf32>
      %add3A_217 = arith.addf %add3A_205, %bitcast3A_216 : vector<16xf32>
      %mul3A_218 = arith.constant 5 : i32
      %mul3A_219 = arith.muli %scan3A_178, %mul3A_218 : i32
      %add3A_220 = arith.constant 2 : i32
      %add3A_221 = arith.addi %mul3A_219, %add3A_220 : i32
      %get3A_222 = arith.index_cast %add3A_221 : i32 to index
      %get3A_223 = arith.constant 64 : index
      %get3A_224 = tpu.vector_load %arg21[%get3A_222, %get3A_223] {strides = array<i32>} : memref<160x128xi32, #tpu.memory_space<vmem>>, vector<16xi32>,
      %and3A_225 = arith.andi %get3A_224, %broadcast_in_dim3A_65 : vector<16xi32>
      %bitcast3A_226 = vector.bitcast %and3A_225 : vector<16xi32> to vector<16xf32>
      %add3A_227 = arith.addf %add3A_217, %bitcast3A_226 : vector<16xf32>
      %mul3A_228 = arith.constant 5 : i32
      %mul3A_229 = arith.muli %scan3A_178, %mul3A_228 : i32
      %add3A_230 = arith.constant 2 : i32
      %add3A_231 = arith.addi %mul3A_229, %add3A_230 : i32
      %get3A_232 = arith.index_cast %add3A_231 : i32 to index
      %get3A_233 = arith.constant 64 : index
      %get3A_234 = tpu.vector_load %arg22[%get3A_232, %get3A_233] {strides = array<i32>} : memref<160x128xi32, #tpu.memory_space<vmem>>, vector<16xi32>,
      %shift_left3A_235 = arith.constant 16 : i32
      %shift_left3A_236 = vector.broadcast %shift_left3A_235 : i32 to vector<16xi32>
      %shift_left3A_237 = arith.shli %get3A_234, %shift_left3A_236 : vector<16xi32>
      %bitcast3A_238 = vector.bitcast %shift_left3A_237 : vector<16xi32> to vector<16xf32>
      %add3A_239 = arith.addf %add3A_227, %bitcast3A_238 : vector<16xf32>
      %mul3A_240 = arith.constant 5 : i32
      %mul3A_241 = arith.muli %scan3A_178, %mul3A_240 : i32
      %add3A_242 = arith.constant 3 : i32
      %add3A_243 = arith.addi %mul3A_241, %add3A_242 : i32
      %get3A_244 = arith.index_cast %add3A_243 : i32 to index
      %get3A_245 = arith.constant 64 : index
      %get3A_246 = tpu.vector_load %arg21[%get3A_244, %get3A_245] {strides = array<i32>} : memref<160x128xi32, #tpu.memory_space<vmem>>, vector<16xi32>,
      %and3A_247 = arith.andi %get3A_246, %broadcast_in_dim3A_65 : vector<16xi32>
      %bitcast3A_248 = vector.bitcast %and3A_247 : vector<16xi32> to vector<16xf32>
      %add3A_249 = arith.addf %add3A_239, %bitcast3A_248 : vector<16xf32>
      %mul3A_250 = arith.constant 5 : i32
      %mul3A_251 = arith.muli %scan3A_178, %mul3A_250 : i32
      %add3A_252 = arith.constant 3 : i32
      %add3A_253 = arith.addi %mul3A_251, %add3A_252 : i32
      %get3A_254 = arith.index_cast %add3A_253 : i32 to index
      %get3A_255 = arith.constant 64 : index
      %get3A_256 = tpu.vector_load %arg22[%get3A_254, %get3A_255] {strides = array<i32>} : memref<160x128xi32, #tpu.memory_space<vmem>>, vector<16xi32>,
      %shift_left3A_257 = arith.constant 16 : i32
      %shift_left3A_258 = vector.broadcast %shift_left3A_257 : i32 to vector<16xi32>
      %shift_left3A_259 = arith.shli %get3A_256, %shift_left3A_258 : vector<16xi32>
      %bitcast3A_260 = vector.bitcast %shift_left3A_259 : vector<16xi32> to vector<16xf32>
      %add3A_261 = arith.addf %add3A_249, %bitcast3A_260 : vector<16xf32>
      %mul3A_262 = arith.constant 5 : i32
      %mul3A_263 = arith.muli %scan3A_178, %mul3A_262 : i32
      %add3A_264 = arith.constant 4 : i32
      %add3A_265 = arith.addi %mul3A_263, %add3A_264 : i32
      %get3A_266 = arith.index_cast %add3A_265 : i32 to index
      %get3A_267 = arith.constant 64 : index
      %get3A_268 = tpu.vector_load %arg21[%get3A_266, %get3A_267] {strides = array<i32>} : memref<160x128xi32, #tpu.memory_space<vmem>>, vector<16xi32>,
      %and3A_269 = arith.andi %get3A_268, %broadcast_in_dim3A_65 : vector<16xi32>
      %bitcast3A_270 = vector.bitcast %and3A_269 : vector<16xi32> to vector<16xf32>
      %add3A_271 = arith.addf %add3A_261, %bitcast3A_270 : vector<16xf32>
      %mul3A_272 = arith.constant 5 : i32
      %mul3A_273 = arith.muli %scan3A_178, %mul3A_272 : i32
      %add3A_274 = arith.constant 4 : i32
      %add3A_275 = arith.addi %mul3A_273, %add3A_274 : i32
      %get3A_276 = arith.index_cast %add3A_275 : i32 to index
      %get3A_277 = arith.constant 64 : index
      %get3A_278 = tpu.vector_load %arg22[%get3A_276, %get3A_277] {strides = array<i32>} : memref<160x128xi32, #tpu.memory_space<vmem>>, vector<16xi32>,
      %shift_left3A_279 = arith.constant 16 : i32
      %shift_left3A_280 = vector.broadcast %shift_left3A_279 : i32 to vector<16xi32>
      %shift_left3A_281 = arith.shli %get3A_278, %shift_left3A_280 : vector<16xi32>
      %bitcast3A_282 = vector.bitcast %shift_left3A_281 : vector<16xi32> to vector<16xf32>
      %add3A_283 = arith.addf %add3A_271, %bitcast3A_282 : vector<16xf32>
      %add3A_284 = arith.constant 96 : i32
      %add3A_285 = arith.addi %add3A_284, %scan3A_178 : i32
      %get3A_286 = arith.index_cast %add3A_285 : i32 to index
      %get3A_287 = arith.constant 0 : index
      %get3A_288 = tpu.vector_load %arg20[%get3A_286, %get3A_287] {strides = array<i32>} : memref<128x64xf32, #tpu.memory_space<vmem>>, vector<16xf32>,
      %mul3A_289 = arith.mulf %get3A_288, %add3A_283 : vector<16xf32>
      %add3A_290 = arith.addf %scan3A_179, %mul3A_289 : vector<16xf32>
      %mul3A_291 = arith.constant 5 : i32
      %mul3A_292 = arith.muli %scan3A_178, %mul3A_291 : i32
      %get3A_293 = arith.index_cast %mul3A_292 : i32 to index
      %get3A_294 = arith.constant 80 : index
      %get3A_295 = tpu.vector_load %arg21[%get3A_293, %get3A_294] {strides = array<i32>} : memref<160x128xi32, #tpu.memory_space<vmem>>, vector<16xi32>,
      %and3A_296 = arith.andi %get3A_295, %broadcast_in_dim3A_65 : vector<16xi32>
      %bitcast3A_297 = vector.bitcast %and3A_296 : vector<16xi32> to vector<16xf32>
      %mul3A_298 = arith.constant 5 : i32
      %mul3A_299 = arith.muli %scan3A_178, %mul3A_298 : i32
      %get3A_300 = arith.index_cast %mul3A_299 : i32 to index
      %get3A_301 = arith.constant 80 : index
      %get3A_302 = tpu.vector_load %arg22[%get3A_300, %get3A_301] {strides = array<i32>} : memref<160x128xi32, #tpu.memory_space<vmem>>, vector<16xi32>,
      %shift_left3A_303 = arith.constant 16 : i32
      %shift_left3A_304 = vector.broadcast %shift_left3A_303 : i32 to vector<16xi32>
      %shift_left3A_305 = arith.shli %get3A_302, %shift_left3A_304 : vector<16xi32>
      %bitcast3A_306 = vector.bitcast %shift_left3A_305 : vector<16xi32> to vector<16xf32>
      %add3A_307 = arith.addf %bitcast3A_297, %bitcast3A_306 : vector<16xf32>
      %mul3A_308 = arith.constant 5 : i32
      %mul3A_309 = arith.muli %scan3A_178, %mul3A_308 : i32
      %add3A_310 = arith.constant 1 : i32
      %add3A_311 = arith.addi %mul3A_309, %add3A_310 : i32
      %get3A_312 = arith.index_cast %add3A_311 : i32 to index
      %get3A_313 = arith.constant 80 : index
      %get3A_314 = tpu.vector_load %arg21[%get3A_312, %get3A_313] {strides = array<i32>} : memref<160x128xi32, #tpu.memory_space<vmem>>, vector<16xi32>,
      %and3A_315 = arith.andi %get3A_314, %broadcast_in_dim3A_65 : vector<16xi32>
      %bitcast3A_316 = vector.bitcast %and3A_315 : vector<16xi32> to vector<16xf32>
      %add3A_317 = arith.addf %add3A_307, %bitcast3A_316 : vector<16xf32>
      %mul3A_318 = arith.constant 5 : i32
      %mul3A_319 = arith.muli %scan3A_178, %mul3A_318 : i32
      %add3A_320 = arith.constant 1 : i32
      %add3A_321 = arith.addi %mul3A_319, %add3A_320 : i32
      %get3A_322 = arith.index_cast %add3A_321 : i32 to index
      %get3A_323 = arith.constant 80 : index
      %get3A_324 = tpu.vector_load %arg22[%get3A_322, %get3A_323] {strides = array<i32>} : memref<160x128xi32, #tpu.memory_space<vmem>>, vector<16xi32>,
      %shift_left3A_325 = arith.constant 16 : i32
      %shift_left3A_326 = vector.broadcast %shift_left3A_325 : i32 to vector<16xi32>
      %shift_left3A_327 = arith.shli %get3A_324, %shift_left3A_326 : vector<16xi32>
      %bitcast3A_328 = vector.bitcast %shift_left3A_327 : vector<16xi32> to vector<16xf32>
      %add3A_329 = arith.addf %add3A_317, %bitcast3A_328 : vector<16xf32>
      %mul3A_330 = arith.constant 5 : i32
      %mul3A_331 = arith.muli %scan3A_178, %mul3A_330 : i32
      %add3A_332 = arith.constant 2 : i32
      %add3A_333 = arith.addi %mul3A_331, %add3A_332 : i32
      %get3A_334 = arith.index_cast %add3A_333 : i32 to index
      %get3A_335 = arith.constant 80 : index
      %get3A_336 = tpu.vector_load %arg21[%get3A_334, %get3A_335] {strides = array<i32>} : memref<160x128xi32, #tpu.memory_space<vmem>>, vector<16xi32>,
      %and3A_337 = arith.andi %get3A_336, %broadcast_in_dim3A_65 : vector<16xi32>
      %bitcast3A_338 = vector.bitcast %and3A_337 : vector<16xi32> to vector<16xf32>
      %add3A_339 = arith.addf %add3A_329, %bitcast3A_338 : vector<16xf32>
      %mul3A_340 = arith.constant 5 : i32
      %mul3A_341 = arith.muli %scan3A_178, %mul3A_340 : i32
      %add3A_342 = arith.constant 2 : i32
      %add3A_343 = arith.addi %mul3A_341, %add3A_342 : i32
      %get3A_344 = arith.index_cast %add3A_343 : i32 to index
      %get3A_345 = arith.constant 80 : index
      %get3A_346 = tpu.vector_load %arg22[%get3A_344, %get3A_345] {strides = array<i32>} : memref<160x128xi32, #tpu.memory_space<vmem>>, vector<16xi32>,
      %shift_left3A_347 = arith.constant 16 : i32
      %shift_left3A_348 = vector.broadcast %shift_left3A_347 : i32 to vector<16xi32>
      %shift_left3A_349 = arith.shli %get3A_346, %shift_left3A_348 : vector<16xi32>
      %bitcast3A_350 = vector.bitcast %shift_left3A_349 : vector<16xi32> to vector<16xf32>
      %add3A_351 = arith.addf %add3A_339, %bitcast3A_350 : vector<16xf32>
      %mul3A_352 = arith.constant 5 : i32
      %mul3A_353 = arith.muli %scan3A_178, %mul3A_352 : i32
      %add3A_354 = arith.constant 3 : i32
      %add3A_355 = arith.addi %mul3A_353, %add3A_354 : i32
      %get3A_356 = arith.index_cast %add3A_355 : i32 to index
      %get3A_357 = arith.constant 80 : index
      %get3A_358 = tpu.vector_load %arg21[%get3A_356, %get3A_357] {strides = array<i32>} : memref<160x128xi32, #tpu.memory_space<vmem>>, vector<16xi32>,
      %and3A_359 = arith.andi %get3A_358, %broadcast_in_dim3A_65 : vector<16xi32>
      %bitcast3A_360 = vector.bitcast %and3A_359 : vector<16xi32> to vector<16xf32>
      %add3A_361 = arith.addf %add3A_351, %bitcast3A_360 : vector<16xf32>
      %mul3A_362 = arith.constant 5 : i32
      %mul3A_363 = arith.muli %scan3A_178, %mul3A_362 : i32
      %add3A_364 = arith.constant 3 : i32
      %add3A_365 = arith.addi %mul3A_363, %add3A_364 : i32
      %get3A_366 = arith.index_cast %add3A_365 : i32 to index
      %get3A_367 = arith.constant 80 : index
      %get3A_368 = tpu.vector_load %arg22[%get3A_366, %get3A_367] {strides = array<i32>} : memref<160x128xi32, #tpu.memory_space<vmem>>, vector<16xi32>,
      %shift_left3A_369 = arith.constant 16 : i32
      %shift_left3A_370 = vector.broadcast %shift_left3A_369 : i32 to vector<16xi32>
      %shift_left3A_371 = arith.shli %get3A_368, %shift_left3A_370 : vector<16xi32>
      %bitcast3A_372 = vector.bitcast %shift_left3A_371 : vector<16xi32> to vector<16xf32>
      %add3A_373 = arith.addf %add3A_361, %bitcast3A_372 : vector<16xf32>
      %mul3A_374 = arith.constant 5 : i32
      %mul3A_375 = arith.muli %scan3A_178, %mul3A_374 : i32
      %add3A_376 = arith.constant 4 : i32
      %add3A_377 = arith.addi %mul3A_375, %add3A_376 : i32
      %get3A_378 = arith.index_cast %add3A_377 : i32 to index
      %get3A_379 = arith.constant 80 : index
      %get3A_380 = tpu.vector_load %arg21[%get3A_378, %get3A_379] {strides = array<i32>} : memref<160x128xi32, #tpu.memory_space<vmem>>, vector<16xi32>,
      %and3A_381 = arith.andi %get3A_380, %broadcast_in_dim3A_65 : vector<16xi32>
      %bitcast3A_382 = vector.bitcast %and3A_381 : vector<16xi32> to vector<16xf32>
      %add3A_383 = arith.addf %add3A_373, %bitcast3A_382 : vector<16xf32>
      %mul3A_384 = arith.constant 5 : i32
      %mul3A_385 = arith.muli %scan3A_178, %mul3A_384 : i32
      %add3A_386 = arith.constant 4 : i32
      %add3A_387 = arith.addi %mul3A_385, %add3A_386 : i32
      %get3A_388 = arith.index_cast %add3A_387 : i32 to index
      %get3A_389 = arith.constant 80 : index
      %get3A_390 = tpu.vector_load %arg22[%get3A_388, %get3A_389] {strides = array<i32>} : memref<160x128xi32, #tpu.memory_space<vmem>>, vector<16xi32>,
      %shift_left3A_391 = arith.constant 16 : i32
      %shift_left3A_392 = vector.broadcast %shift_left3A_391 : i32 to vector<16xi32>
      %shift_left3A_393 = arith.shli %get3A_390, %shift_left3A_392 : vector<16xi32>
      %bitcast3A_394 = vector.bitcast %shift_left3A_393 : vector<16xi32> to vector<16xf32>
      %add3A_395 = arith.addf %add3A_383, %bitcast3A_394 : vector<16xf32>
      %add3A_396 = arith.constant 96 : i32
      %add3A_397 = arith.addi %add3A_396, %scan3A_178 : i32
      %get3A_398 = arith.index_cast %add3A_397 : i32 to index
      %get3A_399 = arith.constant 16 : index
      %get3A_400 = tpu.vector_load %arg20[%get3A_398, %get3A_399] {strides = array<i32>} : memref<128x64xf32, #tpu.memory_space<vmem>>, vector<16xf32>,
      %mul3A_401 = arith.mulf %get3A_400, %add3A_395 : vector<16xf32>
      %add3A_402 = arith.addf %scan3A_180, %mul3A_401 : vector<16xf32>
      %mul3A_403 = arith.constant 5 : i32
      %mul3A_404 = arith.muli %scan3A_178, %mul3A_403 : i32
      %get3A_405 = arith.index_cast %mul3A_404 : i32 to index
      %get3A_406 = arith.constant 96 : index
      %get3A_407 = tpu.vector_load %arg21[%get3A_405, %get3A_406] {strides = array<i32>} : memref<160x128xi32, #tpu.memory_space<vmem>>, vector<16xi32>,
      %and3A_408 = arith.andi %get3A_407, %broadcast_in_dim3A_65 : vector<16xi32>
      %bitcast3A_409 = vector.bitcast %and3A_408 : vector<16xi32> to vector<16xf32>
      %mul3A_410 = arith.constant 5 : i32
      %mul3A_411 = arith.muli %scan3A_178, %mul3A_410 : i32
      %get3A_412 = arith.index_cast %mul3A_411 : i32 to index
      %get3A_413 = arith.constant 96 : index
      %get3A_414 = tpu.vector_load %arg22[%get3A_412, %get3A_413] {strides = array<i32>} : memref<160x128xi32, #tpu.memory_space<vmem>>, vector<16xi32>,
      %shift_left3A_415 = arith.constant 16 : i32
      %shift_left3A_416 = vector.broadcast %shift_left3A_415 : i32 to vector<16xi32>
      %shift_left3A_417 = arith.shli %get3A_414, %shift_left3A_416 : vector<16xi32>
      %bitcast3A_418 = vector.bitcast %shift_left3A_417 : vector<16xi32> to vector<16xf32>
      %add3A_419 = arith.addf %bitcast3A_409, %bitcast3A_418 : vector<16xf32>
      %mul3A_420 = arith.constant 5 : i32
      %mul3A_421 = arith.muli %scan3A_178, %mul3A_420 : i32
      %add3A_422 = arith.constant 1 : i32
      %add3A_423 = arith.addi %mul3A_421, %add3A_422 : i32
      %get3A_424 = arith.index_cast %add3A_423 : i32 to index
      %get3A_425 = arith.constant 96 : index
      %get3A_426 = tpu.vector_load %arg21[%get3A_424, %get3A_425] {strides = array<i32>} : memref<160x128xi32, #tpu.memory_space<vmem>>, vector<16xi32>,
      %and3A_427 = arith.andi %get3A_426, %broadcast_in_dim3A_65 : vector<16xi32>
      %bitcast3A_428 = vector.bitcast %and3A_427 : vector<16xi32> to vector<16xf32>
      %add3A_429 = arith.addf %add3A_419, %bitcast3A_428 : vector<16xf32>
      %mul3A_430 = arith.constant 5 : i32
      %mul3A_431 = arith.muli %scan3A_178, %mul3A_430 : i32
      %add3A_432 = arith.constant 1 : i32
      %add3A_433 = arith.addi %mul3A_431, %add3A_432 : i32
      %get3A_434 = arith.index_cast %add3A_433 : i32 to index
      %get3A_435 = arith.constant 96 : index
      %get3A_436 = tpu.vector_load %arg22[%get3A_434, %get3A_435] {strides = array<i32>} : memref<160x128xi32, #tpu.memory_space<vmem>>, vector<16xi32>,
      %shift_left3A_437 = arith.constant 16 : i32
      %shift_left3A_438 = vector.broadcast %shift_left3A_437 : i32 to vector<16xi32>
      %shift_left3A_439 = arith.shli %get3A_436, %shift_left3A_438 : vector<16xi32>
      %bitcast3A_440 = vector.bitcast %shift_left3A_439 : vector<16xi32> to vector<16xf32>
      %add3A_441 = arith.addf %add3A_429, %bitcast3A_440 : vector<16xf32>
      %mul3A_442 = arith.constant 5 : i32
      %mul3A_443 = arith.muli %scan3A_178, %mul3A_442 : i32
      %add3A_444 = arith.constant 2 : i32
      %add3A_445 = arith.addi %mul3A_443, %add3A_444 : i32
      %get3A_446 = arith.index_cast %add3A_445 : i32 to index
      %get3A_447 = arith.constant 96 : index
      %get3A_448 = tpu.vector_load %arg21[%get3A_446, %get3A_447] {strides = array<i32>} : memref<160x128xi32, #tpu.memory_space<vmem>>, vector<16xi32>,
      %and3A_449 = arith.andi %get3A_448, %broadcast_in_dim3A_65 : vector<16xi32>
      %bitcast3A_450 = vector.bitcast %and3A_449 : vector<16xi32> to vector<16xf32>
      %add3A_451 = arith.addf %add3A_441, %bitcast3A_450 : vector<16xf32>
      %mul3A_452 = arith.constant 5 : i32
      %mul3A_453 = arith.muli %scan3A_178, %mul3A_452 : i32
      %add3A_454 = arith.constant 2 : i32
      %add3A_455 = arith.addi %mul3A_453, %add3A_454 : i32
      %get3A_456 = arith.index_cast %add3A_455 : i32 to index
      %get3A_457 = arith.constant 96 : index
      %get3A_458 = tpu.vector_load %arg22[%get3A_456, %get3A_457] {strides = array<i32>} : memref<160x128xi32, #tpu.memory_space<vmem>>, vector<16xi32>,
      %shift_left3A_459 = arith.constant 16 : i32
      %shift_left3A_460 = vector.broadcast %shift_left3A_459 : i32 to vector<16xi32>
      %shift_left3A_461 = arith.shli %get3A_458, %shift_left3A_460 : vector<16xi32>
      %bitcast3A_462 = vector.bitcast %shift_left3A_461 : vector<16xi32> to vector<16xf32>
      %add3A_463 = arith.addf %add3A_451, %bitcast3A_462 : vector<16xf32>
      %mul3A_464 = arith.constant 5 : i32
      %mul3A_465 = arith.muli %scan3A_178, %mul3A_464 : i32
      %add3A_466 = arith.constant 3 : i32
      %add3A_467 = arith.addi %mul3A_465, %add3A_466 : i32
      %get3A_468 = arith.index_cast %add3A_467 : i32 to index
      %get3A_469 = arith.constant 96 : index
      %get3A_470 = tpu.vector_load %arg21[%get3A_468, %get3A_469] {strides = array<i32>} : memref<160x128xi32, #tpu.memory_space<vmem>>, vector<16xi32>,
      %and3A_471 = arith.andi %get3A_470, %broadcast_in_dim3A_65 : vector<16xi32>
      %bitcast3A_472 = vector.bitcast %and3A_471 : vector<16xi32> to vector<16xf32>
      %add3A_473 = arith.addf %add3A_463, %bitcast3A_472 : vector<16xf32>
      %mul3A_474 = arith.constant 5 : i32
      %mul3A_475 = arith.muli %scan3A_178, %mul3A_474 : i32
      %add3A_476 = arith.constant 3 : i32
      %add3A_477 = arith.addi %mul3A_475, %add3A_476 : i32
      %get3A_478 = arith.index_cast %add3A_477 : i32 to index
      %get3A_479 = arith.constant 96 : index
      %get3A_480 = tpu.vector_load %arg22[%get3A_478, %get3A_479] {strides = array<i32>} : memref<160x128xi32, #tpu.memory_space<vmem>>, vector<16xi32>,
      %shift_left3A_481 = arith.constant 16 : i32
      %shift_left3A_482 = vector.broadcast %shift_left3A_481 : i32 to vector<16xi32>
      %shift_left3A_483 = arith.shli %get3A_480, %shift_left3A_482 : vector<16xi32>
      %bitcast3A_484 = vector.bitcast %shift_left3A_483 : vector<16xi32> to vector<16xf32>
      %add3A_485 = arith.addf %add3A_473, %bitcast3A_484 : vector<16xf32>
      %mul3A_486 = arith.constant 5 : i32
      %mul3A_487 = arith.muli %scan3A_178, %mul3A_486 : i32
      %add3A_488 = arith.constant 4 : i32
      %add3A_489 = arith.addi %mul3A_487, %add3A_488 : i32
      %get3A_490 = arith.index_cast %add3A_489 : i32 to index
      %get3A_491 = arith.constant 96 : index
      %get3A_492 = tpu.vector_load %arg21[%get3A_490, %get3A_491] {strides = array<i32>} : memref<160x128xi32, #tpu.memory_space<vmem>>, vector<16xi32>,
      %and3A_493 = arith.andi %get3A_492, %broadcast_in_dim3A_65 : vector<16xi32>
      %bitcast3A_494 = vector.bitcast %and3A_493 : vector<16xi32> to vector<16xf32>
      %add3A_495 = arith.addf %add3A_485, %bitcast3A_494 : vector<16xf32>
      %mul3A_496 = arith.constant 5 : i32
      %mul3A_497 = arith.muli %scan3A_178, %mul3A_496 : i32
      %add3A_498 = arith.constant 4 : i32
      %add3A_499 = arith.addi %mul3A_497, %add3A_498 : i32
      %get3A_500 = arith.index_cast %add3A_499 : i32 to index
      %get3A_501 = arith.constant 96 : index
      %get3A_502 = tpu.vector_load %arg22[%get3A_500, %get3A_501] {strides = array<i32>} : memref<160x128xi32, #tpu.memory_space<vmem>>, vector<16xi32>,
      %shift_left3A_503 = arith.constant 16 : i32
      %shift_left3A_504 = vector.broadcast %shift_left3A_503 : i32 to vector<16xi32>
      %shift_left3A_505 = arith.shli %get3A_502, %shift_left3A_504 : vector<16xi32>
      %bitcast3A_506 = vector.bitcast %shift_left3A_505 : vector<16xi32> to vector<16xf32>
      %add3A_507 = arith.addf %add3A_495, %bitcast3A_506 : vector<16xf32>
      %add3A_508 = arith.constant 96 : i32
      %add3A_509 = arith.addi %add3A_508, %scan3A_178 : i32
      %get3A_510 = arith.index_cast %add3A_509 : i32 to index
      %get3A_511 = arith.constant 32 : index
      %get3A_512 = tpu.vector_load %arg20[%get3A_510, %get3A_511] {strides = array<i32>} : memref<128x64xf32, #tpu.memory_space<vmem>>, vector<16xf32>,
      %mul3A_513 = arith.mulf %get3A_512, %add3A_507 : vector<16xf32>
      %add3A_514 = arith.addf %scan3A_181, %mul3A_513 : vector<16xf32>
      %mul3A_515 = arith.constant 5 : i32
      %mul3A_516 = arith.muli %scan3A_178, %mul3A_515 : i32
      %get3A_517 = arith.index_cast %mul3A_516 : i32 to index
      %get3A_518 = arith.constant 112 : index
      %get3A_519 = tpu.vector_load %arg21[%get3A_517, %get3A_518] {strides = array<i32>} : memref<160x128xi32, #tpu.memory_space<vmem>>, vector<16xi32>,
      %and3A_520 = arith.andi %get3A_519, %broadcast_in_dim3A_65 : vector<16xi32>
      %bitcast3A_521 = vector.bitcast %and3A_520 : vector<16xi32> to vector<16xf32>
      %mul3A_522 = arith.constant 5 : i32
      %mul3A_523 = arith.muli %scan3A_178, %mul3A_522 : i32
      %get3A_524 = arith.index_cast %mul3A_523 : i32 to index
      %get3A_525 = arith.constant 112 : index
      %get3A_526 = tpu.vector_load %arg22[%get3A_524, %get3A_525] {strides = array<i32>} : memref<160x128xi32, #tpu.memory_space<vmem>>, vector<16xi32>,
      %shift_left3A_527 = arith.constant 16 : i32
      %shift_left3A_528 = vector.broadcast %shift_left3A_527 : i32 to vector<16xi32>
      %shift_left3A_529 = arith.shli %get3A_526, %shift_left3A_528 : vector<16xi32>
      %bitcast3A_530 = vector.bitcast %shift_left3A_529 : vector<16xi32> to vector<16xf32>
      %add3A_531 = arith.addf %bitcast3A_521, %bitcast3A_530 : vector<16xf32>
      %mul3A_532 = arith.constant 5 : i32
      %mul3A_533 = arith.muli %scan3A_178, %mul3A_532 : i32
      %add3A_534 = arith.constant 1 : i32
      %add3A_535 = arith.addi %mul3A_533, %add3A_534 : i32
      %get3A_536 = arith.index_cast %add3A_535 : i32 to index
      %get3A_537 = arith.constant 112 : index
      %get3A_538 = tpu.vector_load %arg21[%get3A_536, %get3A_537] {strides = array<i32>} : memref<160x128xi32, #tpu.memory_space<vmem>>, vector<16xi32>,
      %and3A_539 = arith.andi %get3A_538, %broadcast_in_dim3A_65 : vector<16xi32>
      %bitcast3A_540 = vector.bitcast %and3A_539 : vector<16xi32> to vector<16xf32>
      %add3A_541 = arith.addf %add3A_531, %bitcast3A_540 : vector<16xf32>
      %mul3A_542 = arith.constant 5 : i32
      %mul3A_543 = arith.muli %scan3A_178, %mul3A_542 : i32
      %add3A_544 = arith.constant 1 : i32
      %add3A_545 = arith.addi %mul3A_543, %add3A_544 : i32
      %get3A_546 = arith.index_cast %add3A_545 : i32 to index
      %get3A_547 = arith.constant 112 : index
      %get3A_548 = tpu.vector_load %arg22[%get3A_546, %get3A_547] {strides = array<i32>} : memref<160x128xi32, #tpu.memory_space<vmem>>, vector<16xi32>,
      %shift_left3A_549 = arith.constant 16 : i32
      %shift_left3A_550 = vector.broadcast %shift_left3A_549 : i32 to vector<16xi32>
      %shift_left3A_551 = arith.shli %get3A_548, %shift_left3A_550 : vector<16xi32>
      %bitcast3A_552 = vector.bitcast %shift_left3A_551 : vector<16xi32> to vector<16xf32>
      %add3A_553 = arith.addf %add3A_541, %bitcast3A_552 : vector<16xf32>
      %mul3A_554 = arith.constant 5 : i32
      %mul3A_555 = arith.muli %scan3A_178, %mul3A_554 : i32
      %add3A_556 = arith.constant 2 : i32
      %add3A_557 = arith.addi %mul3A_555, %add3A_556 : i32
      %get3A_558 = arith.index_cast %add3A_557 : i32 to index
      %get3A_559 = arith.constant 112 : index
      %get3A_560 = tpu.vector_load %arg21[%get3A_558, %get3A_559] {strides = array<i32>} : memref<160x128xi32, #tpu.memory_space<vmem>>, vector<16xi32>,
      %and3A_561 = arith.andi %get3A_560, %broadcast_in_dim3A_65 : vector<16xi32>
      %bitcast3A_562 = vector.bitcast %and3A_561 : vector<16xi32> to vector<16xf32>
      %add3A_563 = arith.addf %add3A_553, %bitcast3A_562 : vector<16xf32>
      %mul3A_564 = arith.constant 5 : i32
      %mul3A_565 = arith.muli %scan3A_178, %mul3A_564 : i32
      %add3A_566 = arith.constant 2 : i32
      %add3A_567 = arith.addi %mul3A_565, %add3A_566 : i32
      %get3A_568 = arith.index_cast %add3A_567 : i32 to index
      %get3A_569 = arith.constant 112 : index
      %get3A_570 = tpu.vector_load %arg22[%get3A_568, %get3A_569] {strides = array<i32>} : memref<160x128xi32, #tpu.memory_space<vmem>>, vector<16xi32>,
      %shift_left3A_571 = arith.constant 16 : i32
      %shift_left3A_572 = vector.broadcast %shift_left3A_571 : i32 to vector<16xi32>
      %shift_left3A_573 = arith.shli %get3A_570, %shift_left3A_572 : vector<16xi32>
      %bitcast3A_574 = vector.bitcast %shift_left3A_573 : vector<16xi32> to vector<16xf32>
      %add3A_575 = arith.addf %add3A_563, %bitcast3A_574 : vector<16xf32>
      %mul3A_576 = arith.constant 5 : i32
      %mul3A_577 = arith.muli %scan3A_178, %mul3A_576 : i32
      %add3A_578 = arith.constant 3 : i32
      %add3A_579 = arith.addi %mul3A_577, %add3A_578 : i32
      %get3A_580 = arith.index_cast %add3A_579 : i32 to index
      %get3A_581 = arith.constant 112 : index
      %get3A_582 = tpu.vector_load %arg21[%get3A_580, %get3A_581] {strides = array<i32>} : memref<160x128xi32, #tpu.memory_space<vmem>>, vector<16xi32>,
      %and3A_583 = arith.andi %get3A_582, %broadcast_in_dim3A_65 : vector<16xi32>
      %bitcast3A_584 = vector.bitcast %and3A_583 : vector<16xi32> to vector<16xf32>
      %add3A_585 = arith.addf %add3A_575, %bitcast3A_584 : vector<16xf32>
      %mul3A_586 = arith.constant 5 : i32
      %mul3A_587 = arith.muli %scan3A_178, %mul3A_586 : i32
      %add3A_588 = arith.constant 3 : i32
      %add3A_589 = arith.addi %mul3A_587, %add3A_588 : i32
      %get3A_590 = arith.index_cast %add3A_589 : i32 to index
      %get3A_591 = arith.constant 112 : index
      %get3A_592 = tpu.vector_load %arg22[%get3A_590, %get3A_591] {strides = array<i32>} : memref<160x128xi32, #tpu.memory_space<vmem>>, vector<16xi32>,
      %shift_left3A_593 = arith.constant 16 : i32
      %shift_left3A_594 = vector.broadcast %shift_left3A_593 : i32 to vector<16xi32>
      %shift_left3A_595 = arith.shli %get3A_592, %shift_left3A_594 : vector<16xi32>
      %bitcast3A_596 = vector.bitcast %shift_left3A_595 : vector<16xi32> to vector<16xf32>
      %add3A_597 = arith.addf %add3A_585, %bitcast3A_596 : vector<16xf32>
      %mul3A_598 = arith.constant 5 : i32
      %mul3A_599 = arith.muli %scan3A_178, %mul3A_598 : i32
      %add3A_600 = arith.constant 4 : i32
      %add3A_601 = arith.addi %mul3A_599, %add3A_600 : i32
      %get3A_602 = arith.index_cast %add3A_601 : i32 to index
      %get3A_603 = arith.constant 112 : index
      %get3A_604 = tpu.vector_load %arg21[%get3A_602, %get3A_603] {strides = array<i32>} : memref<160x128xi32, #tpu.memory_space<vmem>>, vector<16xi32>,
      %and3A_605 = arith.andi %get3A_604, %broadcast_in_dim3A_65 : vector<16xi32>
      %bitcast3A_606 = vector.bitcast %and3A_605 : vector<16xi32> to vector<16xf32>
      %add3A_607 = arith.addf %add3A_597, %bitcast3A_606 : vector<16xf32>
      %mul3A_608 = arith.constant 5 : i32
      %mul3A_609 = arith.muli %scan3A_178, %mul3A_608 : i32
      %add3A_610 = arith.constant 4 : i32
      %add3A_611 = arith.addi %mul3A_609, %add3A_610 : i32
      %get3A_612 = arith.index_cast %add3A_611 : i32 to index
      %get3A_613 = arith.constant 112 : index
      %get3A_614 = tpu.vector_load %arg22[%get3A_612, %get3A_613] {strides = array<i32>} : memref<160x128xi32, #tpu.memory_space<vmem>>, vector<16xi32>,
      %shift_left3A_615 = arith.constant 16 : i32
      %shift_left3A_616 = vector.broadcast %shift_left3A_615 : i32 to vector<16xi32>
      %shift_left3A_617 = arith.shli %get3A_614, %shift_left3A_616 : vector<16xi32>
      %bitcast3A_618 = vector.bitcast %shift_left3A_617 : vector<16xi32> to vector<16xf32>
      %add3A_619 = arith.addf %add3A_607, %bitcast3A_618 : vector<16xf32>
      %add3A_620 = arith.constant 96 : i32
      %add3A_621 = arith.addi %add3A_620, %scan3A_178 : i32
      %get3A_622 = arith.index_cast %add3A_621 : i32 to index
      %get3A_623 = arith.constant 48 : index
      %get3A_624 = tpu.vector_load %arg20[%get3A_622, %get3A_623] {strides = array<i32>} : memref<128x64xf32, #tpu.memory_space<vmem>>, vector<16xf32>,
      %mul3A_625 = arith.mulf %get3A_624, %add3A_619 : vector<16xf32>
      %add3A_626 = arith.addf %scan3A_182, %mul3A_625 : vector<16xf32>
      scf.yield %add3A_290, %add3A_402, %add3A_514, %add3A_626 : vector<16xf32>, vector<16xf32>, vector<16xf32>, vector<16xf32>
    }
    %scan3A_164 = arith.constant 32 : i32
    %add3A_165 = arith.addf %scan3A_69#0, %scan3A_69#1 : vector<16xf32>
    %add3A_166 = arith.addf %scan3A_163#0, %scan3A_163#1 : vector<16xf32>
    %add3A_167 = arith.addf %add3A_165, %scan3A_69#2 : vector<16xf32>
    %add3A_168 = arith.addf %add3A_166, %scan3A_163#2 : vector<16xf32>
    %add3A_169 = arith.addf %add3A_167, %scan3A_69#3 : vector<16xf32>
    %add3A_170 = arith.addf %add3A_168, %scan3A_163#3 : vector<16xf32>
    %swap3A = arith.constant 0 : i32
    %swap3A_171 = arith.index_cast %swap3A : i32 to index
    %swap3A_172 = arith.constant 0 : index
    %swap3A_173 = tpu.vector_load %arg23[%swap3A_171, %swap3A_172] {strides = array<i32>} : memref<2x16xf32, #tpu.memory_space<vmem>>, vector<16xf32>,
    tpu.vector_store %arg23[%swap3A_171, %swap3A_172], %add3A_169 {strides = array<i32>} : memref<2x16xf32, #tpu.memory_space<vmem>>, vector<16xf32>,
    %swap3A_174 = arith.constant 1 : i32
    %swap3A_175 = arith.index_cast %swap3A_174 : i32 to index
    %swap3A_176 = arith.constant 0 : index
    %swap3A_177 = tpu.vector_load %arg23[%swap3A_175, %swap3A_176] {strides = array<i32>} : memref<2x16xf32, #tpu.memory_space<vmem>>, vector<16xf32>,
    tpu.vector_store %arg23[%swap3A_175, %swap3A_176], %add3A_170 {strides = array<i32>} : memref<2x16xf32, #tpu.memory_space<vmem>>, vector<16xf32>,
    "tpu.region"() ({
      %run_scoped3A = tpu.sem_alloc : memref<!tpu.dma_semaphore, #tpu.memory_space<semaphore_mem>>
      %dma_start3A_178 = arith.constant 0 : i32
      %dma_start3A_179 = arith.constant 0 : i32
      %dma_start3A_180 = tpu.memref_slice %arg9[%add3A, %dma_start3A_178, %dma_start3A_179] : memref<32x2x16xf32, #tpu.memory_space<hbm>> -> memref<1x2x16xf32, #tpu.memory_space<hbm>>
      %dma_start3A_181 = tpu.memref_squeeze %dma_start3A_180 : memref<1x2x16xf32, #tpu.memory_space<hbm>> -> memref<2x16xf32, #tpu.memory_space<hbm>>
      %dma_start3A_182 = arith.constant 0 : i32
      %dma_start3A_183 = arith.constant 0 : i32
      %dma_start3A_184 = tpu.memref_slice %arg9[%add3A, %dma_start3A_182, %dma_start3A_183] : memref<32x2x16xf32, #tpu.memory_space<hbm>> -> memref<1x2x16xf32, #tpu.memory_space<hbm>>
      %dma_start3A_185 = tpu.memref_squeeze %dma_start3A_184 : memref<1x2x16xf32, #tpu.memory_space<hbm>> -> memref<2x16xf32, #tpu.memory_space<hbm>>
      tpu.enqueue_dma source(%arg23 : memref<2x16xf32, #tpu.memory_space<vmem>>) target(%dma_start3A_185 : memref<2x16xf32, #tpu.memory_space<hbm>>) target_semaphore(%run_scoped3A : memref<!tpu.dma_semaphore, #tpu.memory_space<semaphore_mem>>)
      %dma_wait3A_186 = arith.constant 0 : i32
      %dma_wait3A_187 = arith.constant 0 : i32
      %dma_wait3A_188 = tpu.memref_slice %arg9[%add3A, %dma_wait3A_186, %dma_wait3A_187] : memref<32x2x16xf32, #tpu.memory_space<hbm>> -> memref<1x2x16xf32, #tpu.memory_space<hbm>>
      %dma_wait3A_189 = tpu.memref_squeeze %dma_wait3A_188 : memref<1x2x16xf32, #tpu.memory_space<hbm>> -> memref<2x16xf32, #tpu.memory_space<hbm>>
      %dma_wait3A_190 = arith.constant 0 : i32
      %dma_wait3A_191 = arith.constant 0 : i32
      %dma_wait3A_192 = tpu.memref_slice %arg9[%add3A, %dma_wait3A_190, %dma_wait3A_191] : memref<32x2x16xf32, #tpu.memory_space<hbm>> -> memref<1x2x16xf32, #tpu.memory_space<hbm>>
      %dma_wait3A_193 = tpu.memref_squeeze %dma_wait3A_192 : memref<1x2x16xf32, #tpu.memory_space<hbm>> -> memref<2x16xf32, #tpu.memory_space<hbm>>
      tpu.wait_dma2 semaphore(%run_scoped3A : memref<!tpu.dma_semaphore, #tpu.memory_space<semaphore_mem>>) src(%arg23 : memref<2x16xf32, #tpu.memory_space<vmem>>) dst(%dma_wait3A_193 : memref<2x16xf32, #tpu.memory_space<hbm>>)
      tpu.yield
    }) : () -> ()
    return
  }
}

</mosaic_0001>

<sc_bundles>
// kernel: kernel.3.cloned.1.call-start
scs
__scs_entry_jumppad:
0x0: {  	(pc) =	sbr.rel $0x88, $3  }
0x1: {  	(tag) =	ssettag $0x0;
	lr =	simm.s32 $0x1  }
0x2: {  	[smem:$0x3F9A] =	sst lr;
	_ =	strace $0xD0000000  }
0x3: {  	_ = 	snop  }
0x4: {  	_ = 	snop  }
0x5: {  	_ = 	snop  }
0x6: {  	_ = 	snop  }
0x7: {  	_ = 	snop  }
__scs_overlays_trampoline_lowered:
0x8: {  	[smem:$0x3FA9] =	sst s0  }
0x9: {  	[smem:$0x3FAA] =	sst s1  }
0xa: {  	[smem:$0x3FAB] =	sst s2  }
0xb: {  	[smem:$0x3FAC] =	sst s3  }
0xc: {  	[smem:$0x3FAD] =	sst s4  }
0xd: {  	[smem:$0x3FAE] =	sst s5  }
0xe: {  	[smem:$0x3FAF] =	sst s6  }
0xf: {  	[smem:$0x3FB0] =	sst s7  }
0x10: {  	[smem:$0x3FB1] =	sst s8  }
0x11: {  	[smem:$0x3FB2] =	sst s9;
	s0 =	simm.s32 @!p0 $0x0  }
0x12: {  	s1 =	sld [smem:$0x3F98];
	s0 =	simm.s32 @p0 $0x1  }
0x13: {  	[smem:$0x3FB3] =	sst s0;
	s0 =	simm.s32 @!p1 $0x0  }
0x14: {  	s2 =	sld [smem:$0x3F97];
	s0 =	simm.s32 @p1 $0x1  }
0x15: {  	[smem:$0x3FB4] =	sst s0;
	s0 =	simm.s32 @!p2 $0x0  }
0x16: {  	s3 =	sld [smem:$0x3FDB];
	s0 =	simm.s32 @p2 $0x1  }
0x17: {  	s4 =	simm.s32 $0x1BF5;
	[smem:$0x3FB6] =	sst s0  }
0x18: {  	s0 =	sld [smem:$0x3F99];
	_ =	swait.ge [sflag:s4], $0x0  }
0x19: {  	s7 =	sld [smem:$0x3F9A]  }
0x1a: {  	s8 =	sadd.s32 $0xFFFFE003, lr  }
0x1b: {  	s9 =	sadd.s32 $0xFFFFFEF7, lr;
	s5 =	simm.s32 $0xFFFFFFFF;
	p2 =	slt.u32 s8, $0xFFFFF086  }
0x1c: {  	p1 =	slt.u32 s9, $0xF7A;
	s5 =	simm.s32 @!p2 $0x0  }
0x1d: {  	s5 =	simm.s32 @p1 $0x1;
	p0 =	seq.s32 s7, s2  }
0x1e: {  	s7 =	smul.u32 @!p0 $0xF7A, s2;
	p2 =	seq.s32 @!p0 s5, $0x0  }
0x1f: {  	s9 =	smul.u32 $0xF7A, s1;
	s8 =	simm.s32 @!p0 $0x1BF5;
	p2 =	por !p2, p0  }
0x20: {  	[sflag:s8] =	ssyncset.s32 @!p0 $0xFFFFF086;
	s6 =	sadd.s32 @!p0 s3, s7;
	s7 =	simm.s32 @!p0 $0x108  }
0x21: {  	s3 =	sadd.s32 s3, s9;
	s6 =	sadd.s32 @!p0 $0x88, s6;
	s7 =	simm.s32 @p2 $0x1082  }
0x22: {  	[simem:s7], [sflag:s8] =	dma.local @!p0 [hbm:s6], $0xF7A  }
0x23: {  	s9 =	sor.u32 $0xD0000000, s2;
	s6 =	simm.s32 $0x108;
	_ =	swait.ge @!p0 [sflag:s8], $0x0  }
0x24: {  	s3 =	sadd.s32 $0x88, s3;
	s6 =	simm.s32 @!p1 $0x1082;
	[sflag:s4] =	ssyncset.s32 $0xFFFFF086  }
0x25: {  	[simem:s6], [sflag:s4] =	dma.local [hbm:s3], $0xF7A  }
0x26: {  	[smem:$0x3F9A] =	sst s1;
	(tag) =	ssettag s2;
	_ =	strace s9  }
0x27: {  	s1 =	sld [smem:$0x3FAA]  }
0x28: {  	s2 =	sld [smem:$0x3FAB]  }
0x29: {  	s4 =	sld [smem:$0x3FAD]  }
0x2a: {  	p0 =	seq.s32 s5, $0x0;
	s5 =	sld [smem:$0x3FAE]  }
0x2b: {  	s6 =	sld [smem:$0x3FAF]  }
0x2c: {  	s7 =	sld [smem:$0x3FB0]  }
0x2d: {  	s3 =	simm.s32 $0x108;
	s8 =	sld [smem:$0x3FB1]  }
0x2e: {  	s3 =	simm.s32 @!p0 $0x1082;
	s9 =	sld [smem:$0x3FB2]  }
0x2f: {  	lr =	sadd.s32 s0, s3;
	s0 =	sld [smem:$0x3FA9]  }
0x30: {  	s3 =	sld [smem:$0x3FAC]  }
0x31: {  	[smem:$0x3FB5] =	sst s10  }
0x32: {  	s10 =	sld [smem:$0x3FB3];
	_ =	sdelay $0x3  }
0x33: {  	p0 =	seq.s32 s10, $0x1;
	s10 =	sld [smem:$0x3FB5];
	_ =	sdelay $0x3  }
0x34: {  	[smem:$0x3FB5] =	sst s10  }
0x35: {  	s10 =	sld [smem:$0x3FB4];
	_ =	sdelay $0x3  }
0x36: {  	p1 =	seq.s32 s10, $0x1;
	s10 =	sld [smem:$0x3FB5];
	_ =	sdelay $0x3  }
0x37: {  	[smem:$0x3FB5] =	sst s10  }
0x38: {  	s10 =	sld [smem:$0x3FB6]  }
0x39: {  	_ = 	snop;
	(pc) =	sbr.ind lr, $3  }
0x3a: {  	_ = 	snop  }
0x3b: {  	_ = 	snop  }
0x3c: {  	p2 =	seq.s32 s10, $0x1;
	s10 =	sld [smem:$0x3FB5]  }
0x3d: {  	_ =	shalt  }
0x3e: {  	_ =	shalt  }
0x3f: {  	_ =	shalt  }
0x40: {  	_ =	shalt  }
0x41: {  	_ =	shalt  }
0x42: {  	_ =	shalt  }
0x43: {  	_ =	shalt  }
0x44: {  	_ =	shalt  }
0x45: {  	_ =	shalt  }
0x46: {  	_ =	shalt  }
0x47: {  	_ =	shalt  }
0x48: {  	_ =	shalt  }
0x49: {  	_ =	shalt  }
0x4a: {  	_ =	shalt  }
0x4b: {  	_ =	shalt  }
0x4c: {  	_ =	shalt  }
0x4d: {  	_ =	shalt  }
0x4e: {  	_ =	shalt  }
0x4f: {  	_ =	shalt  }
0x50: {  	_ =	shalt  }
0x51: {  	_ =	shalt  }
0x52: {  	_ =	shalt  }
0x53: {  	_ =	shalt  }
0x54: {  	_ =	shalt  }
0x55: {  	_ =	shalt  }
0x56: {  	_ =	shalt  }
0x57: {  	_ =	shalt  }
0x58: {  	_ =	shalt  }
0x59: {  	_ =	shalt  }
0x5a: {  	_ =	shalt  }
0x5b: {  	_ =	shalt  }
0x5c: {  	_ =	shalt  }
0x5d: {  	_ =	shalt  }
0x5e: {  	_ =	shalt  }
0x5f: {  	_ =	shalt  }
0x60: {  	_ =	shalt  }
0x61: {  	_ =	shalt  }
0x62: {  	_ =	shalt  }
0x63: {  	_ =	shalt  }
0x64: {  	_ =	shalt  }
0x65: {  	_ =	shalt  }
0x66: {  	_ =	shalt  }
0x67: {  	_ =	shalt  }
0x68: {  	_ =	shalt  }
0x69: {  	_ =	shalt  }
0x6a: {  	_ =	shalt  }
0x6b: {  	_ =	shalt  }
0x6c: {  	_ =	shalt  }
0x6d: {  	_ =	shalt  }
0x6e: {  	_ =	shalt  }
0x6f: {  	_ =	shalt  }
0x70: {  	_ =	shalt  }
0x71: {  	_ =	shalt  }
0x72: {  	_ =	shalt  }
0x73: {  	_ =	shalt  }
0x74: {  	_ =	shalt  }
0x75: {  	_ =	shalt  }
0x76: {  	_ =	shalt  }
0x77: {  	_ =	shalt  }
0x78: {  	_ =	shalt  }
0x79: {  	_ =	shalt  }
0x7a: {  	_ =	shalt  }
0x7b: {  	_ =	shalt  }
0x7c: {  	_ =	shalt  }
0x7d: {  	_ =	shalt  }
0x7e: {  	_ =	shalt  }
0x7f: {  	_ =	shalt  }
0x80: {  	_ =	shalt  }
0x81: {  	_ =	shalt  }
0x82: {  	_ =	shalt  }
0x83: {  	_ =	shalt  }
0x84: {  	_ =	shalt  }
0x85: {  	_ =	shalt  }
0x86: {  	_ =	shalt  }
0x87: {  	_ =	shalt  }
.Lfunc_end0:
.L_simem_size_0:
called_computation.1_lowered:
.L_overlay_start_0:
0x88: {  	s2 =	sld [smem:$0x3FD9]  }
0x89: {  	s3 =	sld [smem:$0x3FFE];
	_ =	sdelay $0x1  }
0x8a: {  	s1 =	srdreg.scid  }
0x8b: {  	s0 =	sand.u32 $0x1, s1  }
0x8c: {  	s16 =	sshll.u32 s0, $0xA;
	s2 =	sadd.s32 s3, s2  }
0x8d: {  	s2 =	sadd.s32 s2, s16  }
0x8e: {  	[smem:$0x3FC1] =	sst s2  }
0x8f: {  	_ = 	snop  }
0x90: {  	(tm) =	ssettm $0x1  }
0x91: {  	s17 =	sld [smem:$0x3FFB];
	_ =	sdelay $0x3  }
0x92: {  	_ =	strace s17  }
0x93: {  	s2 =	sld [smem:$0x3FFC];
	_ =	sdelay $0x3  }
0x94: {  	_ =	strace s2  }
0x95: {  	s2 =	sld [smem:$0x3FFD];
	_ =	sdelay $0x3  }
0x96: {  	_ =	strace s2  }
0x97: {  	_ =	strace $0x8FFFFFFF  }
0x98: {  	s18 =	sld [smem:$0x3FDB];
	_ =	sdelay $0x1  }
0x99: {  	s19 =	simm.s32 $_scs_section_size  }
0x9a: {  	s4 =	simm.s32 $_size__tile_overlayer_lowered;
	s5 =	simm.s32 $_tile_overlayer_lowered  }
0x9b: {  	s22 =	simm.s32 $0x1BFF;
	s21 =	sshll.u32 s5, $0x1;
	s2 =	sadd.s32 s19, s18  }
0x9c: {  	s6 =	simm.s32 $0x0;
	s20 =	sshll.u32 s4, $0x1;
	s4 =	sadd.s32 s21, s2  }
0x9d: {  	[timem:s6], [sflag:s22] =	dma.local [hbm:s4], s20  }
0x9e: {  	_ =	swait.ge [sflag:s22], s20  }
0x9f: {  	s3 =	ssub.s32 $0x0, s20;
	[sflag:s22] =	ssyncset.done $0x0  }
0xa0: {  	[sflag:s22] =	ssyncadd.s32 s3;
	_ =	sdelay $0x1  }
0xa1: {  	s23 =	simm.s32 $0x1B8B  }
0xa2: {  	_ =	swait.ge [sflag:s23], $0x1  }
0xa3: {  	[sflag:s23] =	ssyncset.done $0x0  }
0xa4: {  	s25 =	simm.s32 $0x1B8E;
	s24 =	sld [smem:$0x3FFE];
	[sflag:s23] =	ssyncadd.s32 $0xFFFFFFFF  }
0xa5: {  	s26 =	simm.s32 $execute0_lowered;
	[smem:$0x3FD2] =	sst s25  }
0xa6: {  	s4 =	sshll.u32 s26, $0x1;
	_ =	strace $0x80000049;
	[dreg:$0x1] =	wrdreg $0xFFFFFFFF  }
0xa7: {  	s28 =	simm.s32 $_size_execute0_lowered;
	s2 =	sadd.s32 s2, s4;
	[dreg:$0x0] =	wrdreg $0x0  }
0xa8: {  	s4 =	sshll.u32 s28, $0x1;
	[dreg:$0x2] =	wrdreg s2  }
0xa9: {  	[dreg:$0x3] =	wrdreg s4  }
0xaa: {  	[dreg:$0x4] =	wrdreg $0xC0  }
0xab: {  	_ =	task [dreg:s6], $0x5FFFF  }
0xac: {  	[dreg:$0x1] =	wrdreg $0xFFFFFFFF  }
0xad: {  	[dreg:$0x0] =	wrdreg $0x60  }
0xae: {  	[dreg:$0x2] =	wrdreg s24  }
0xaf: {  	[dreg:$0x3] =	wrdreg $0x9  }
0xb0: {  	_ =	task.clear_ibuf [dreg:s6], $0x4FFFF;
	_ =	strace $0x90000049  }
0xb1: {  	s29 =	simm.s32 $0x9;
	_ =	strace $0x8000004B  }
0xb2: {  	_ =	swait.ge [sflag:s29], $0x1  }
0xb3: {  	[sflag:s29] =	ssyncadd.s32 $0xFFFFFFFF  }
0xb4: {  	_ =	strace $0x9000004B  }
0xb5: {  	_ =	sfence  }
0xb6: {  	s30 =	sld [smem:$0x0];
	_ =	sdelay $0x2  }
0xb7: {  	s31 =	sshll.u32 s1, $0xD;
	s1 =	sshrl.u32 s1, $0x2  }
0xb8: {  	s3 =	sand.u32 $0x4000, s31;
	s1 =	sadd.s32 s1, s30  }
0xb9: {  	s0 =	sor.u32 s3, s0;
	s1 =	sshll.u32 s1, $0x11  }
0xba: {  	s0 =	sor.u32 s1, s0  }
0xbb: {  	s0 =	sadd.s32 $0x8F2B, s0  }
0xbc: {  	[sflag:s0] =	ssyncadd.remote.s32 $0x1  }
0xbd: {  	_ =	sfence.sel $0xFFFF  }
0xbe: {  	[dreg:$0x0] =	wrdreg $0xFFFFFFFF;
	(pc) =	sbr.abs _section_cstart, $3  }
0xbf: {  	[dreg:$0x1] =	wrdreg $0xFFFFFFFF  }
0xc0: {  	_ =	task.clear_ibuf [dreg:s6], $0x2FFFF;
	_ =	strace $0x9FFFFFFF  }
0xc1: {  	(tm) =	ssettm $0x7FFFFFFF  }
tec
execute0_lowered:
.L_overlay_start_1:
0x0: {  	(tag) =	ssettag $0x1  }
0x1: {  	s0 =	srdreg.scid  }
0x2: {  	s2 =	stileid.u32;
	s1 =	rddreg [dreg:$0x0]  }
0x3: {  	s12 =	simm.s32 $0x80;
	s13 =	simm.s32 $0x100;
	s14 =	simm.s32 $0x180  }
0x4: {  	s15 =	simm.s32 $0x200;
	s16 =	simm.s32 $0x480;
	s17 =	simm.s32 $0x1  }
0x5: {  	s22 =	simm.s32 $0xA0;
	s23 =	simm.s32 $0x14700;
	s24 =	simm.s32 $0x19700  }
0x6: {  	s25 =	simm.s32 $0x2;
	s28 =	simm.s32 $0x520;
	s29 =	simm.s32 $0x340  }
0x7: {  	s30 =	simm.s32 $0x5C0;
	s31 =	simm.s32 $0x3E0;
	s18 =	simm.s32 $0x3  }
0x8: {  	s0 =	sand.u32 $0x1, s0;
	s3 =	sshll.u32 s2, $0x1;
	s2 =	simm.s32 $0x0  }
0x9: {  	s19 =	simm.s32 $0x0;
	s4 =	sor.u32 s0, s3;
	[smem:$0x7FF] =	sst s2  }
0xa: {  	s0 =	ssub.s32 $0x2, s0;
	s3 =	smul.u32 $0x50, s4;
	_ =	strace $0x8000004A  }
0xb: {  	s5 =	sshll.u32 s4, $0x4;
	s4 =	sshll.u32 s4, $0x5;
	s26 =	sshrl.u32 s0, $0x1  }
0xc: {  	s7 =	sadd.s32 s5, s1;
	s0 =	ssub.s32 s0, s26;
	s9 =	sadd.s32 s3, s1  }
0xd: {  	s3 =	sadd.s32 $0x24B600, s1;
	s1 =	sadd.s32 s4, s1;
	s4 =	sadd.s32 $0x2400, s7  }
0xe: {  	s5 =	sadd.s32 $0x2200, s7;
	s6 =	sadd.s32 $0x2800, s7;
	s7 =	sadd.s32 $0x2600, s7  }
0xf: {  	s11 =	smax.u32 s0, $0x1;
	s0 =	simm.s32 $0x1E700;
	s8 =	sadd.s32 $0xE00, s9  }
0x10: {  	s9 =	sadd.s32 $0x1800, s9;
	s10 =	sadd.s32 $0x2A00, s1;
	s1 =	simm.s32 $0x660  }
.LBB2_1:
0x11: {  	[tilespmem:s2], [sflag:$0x1] =	stream.linear.gather [hbm4b:s4+s2], $0x80, $0x38;
	[tilespmem:$0x1E800] =	vst v63  }
0x12: {  	_ = 	snop  }
0x13: {  	[tilespmem:s12], [sflag:$0x1] =	stream.linear.gather [hbm4b:s5+s2], $0x80, $0x38;
	[tilespmem:$0x1E800] =	vst v63  }
0x14: {  	_ = 	snop  }
0x15: {  	[tilespmem:s13], [sflag:$0x1] =	stream.linear.gather [hbm4b:s6+s2], $0x80, $0x38;
	[tilespmem:$0x1E800] =	vst v63  }
0x16: {  	_ = 	snop  }
0x17: {  	[tilespmem:s14], [sflag:$0x1] =	stream.linear.gather [hbm4b:s7+s2], $0x80, $0x38;
	[tilespmem:$0x1E800] =	vst v63  }
0x18: {  	_ = 	snop  }
0x19: {  	[tilespmem:s15], [sflag:$0x1] =	stream.linear.gather [hbm4b:s8+s2], $0x280, $0x38;
	[tilespmem:$0x1E800] =	vst v63  }
0x1a: {  	_ = 	snop  }
0x1b: {  	[tilespmem:s16], [sflag:$0x1] =	stream.linear.gather [hbm4b:s9+s2], $0x280, $0x38;
	[tilespmem:$0x1E800] =	vst v63  }
0x1c: {  	_ =	swait.ge [sflag:s17], $0x80  }
0x1d: {  	[sflag:s17] =	ssyncset.done $0x0  }
0x1e: {  	[sflag:s17] =	ssyncadd.s32 $0xFFFFFF80  }
0x1f: {  	_ =	swait.ge [sflag:s17], $0x80  }
0x20: {  	[sflag:s17] =	ssyncset.done $0x0  }
0x21: {  	[sflag:s17] =	ssyncadd.s32 $0xFFFFFF80  }
0x22: {  	_ =	swait.ge [sflag:s17], $0x80  }
0x23: {  	[sflag:s17] =	ssyncset.done $0x0  }
0x24: {  	[sflag:s17] =	ssyncadd.s32 $0xFFFFFF80  }
0x25: {  	_ =	swait.ge [sflag:s17], $0x80  }
0x26: {  	[sflag:s17] =	ssyncset.done $0x0  }
0x27: {  	[sflag:s17] =	ssyncadd.s32 $0xFFFFFF80  }
0x28: {  	_ =	swait.ge [sflag:s17], $0x280  }
0x29: {  	[sflag:s17] =	ssyncset.done $0x0  }
0x2a: {  	[sflag:s17] =	ssyncadd.s32 $0xFFFFFD80  }
0x2b: {  	_ =	swait.ge [sflag:s17], $0x280  }
0x2c: {  	[sflag:s17] =	ssyncset.done $0x0  }
0x2d: {  	s20 =	simm.s32 $0x700;
	[sflag:s17] =	ssyncadd.s32 $0xFFFFFD80  }
0x2e: {  	[tilespmem:s20], [sflag:$0x1] =	stream.indirect.gather [hbm4b:s3+s12], $0x80, s2, s12, $0xb8;
	[tilespmem:$0x1E800] =	vst v63  }
0x2f: {  	s26 =	simm.s32 $0x4700  }
0x30: {  	[tilespmem:s26], [sflag:$0x1] =	stream.indirect.gather [hbm4b:s3+s12], $0x80, s12, s12, $0xb8;
	[tilespmem:$0x1E800] =	vst v63  }
0x31: {  	s21 =	simm.s32 $0x8700  }
0x32: {  	[tilespmem:s21], [sflag:$0x1] =	stream.indirect.gather [hbm4b:s3+s12], $0x80, s13, s12, $0xb8;
	[tilespmem:$0x1E800] =	vst v63  }
0x33: {  	s26 =	simm.s32 $0xC700  }
0x34: {  	[tilespmem:s26], [sflag:$0x1] =	stream.indirect.gather [hbm4b:s3+s12], $0x80, s14, s12, $0xb8;
	[tilespmem:$0x1E800] =	vst v63  }
0x35: {  	_ = 	snop  }
0x36: {  	[tilespmem:s23], [sflag:$0x2] =	stream.indirect.gather [hbm4b:s3+s22], $0x80, s15, s22, $0xb8;
	[tilespmem:$0x1E800] =	vst v63  }
0x37: {  	_ = 	snop  }
0x38: {  	[tilespmem:s24], [sflag:$0x2] =	stream.indirect.gather [hbm4b:s3+s22], $0x80, s16, s22, $0xb8;
	[tilespmem:$0x1E800] =	vst v63  }
0x39: {  	_ =	swait.ge [sflag:s17], $0x4000  }
0x3a: {  	[sflag:s17] =	ssyncset.done $0x0  }
0x3b: {  	[sflag:s17] =	ssyncadd.s32 $0xFFFFC000  }
0x3c: {  	_ =	swait.ge [sflag:s17], $0x4000  }
0x3d: {  	[sflag:s17] =	ssyncset.done $0x0  }
0x3e: {  	[sflag:s17] =	ssyncadd.s32 $0xFFFFC000  }
0x3f: {  	_ =	swait.ge [sflag:s17], $0x4000  }
0x40: {  	[sflag:s17] =	ssyncset.done $0x0  }
0x41: {  	[sflag:s17] =	ssyncadd.s32 $0xFFFFC000  }
0x42: {  	_ =	swait.ge [sflag:s17], $0x4000  }
0x43: {  	[sflag:s17] =	ssyncset.done $0x0  }
0x44: {  	s20 =	simm.s32 $0x0;
	[sflag:s17] =	ssyncadd.s32 $0xFFFFC000  }
0x45: {  	v0 =	vld [tilespmem:s20+$0x730]  }
0x46: {  	v1 =	vld [tilespmem:s20+$0x4730]  }
0x47: {  	v2 =	vld [tilespmem:s20+$0x8770]  }
0x48: {  	v3 =	vld [tilespmem:s20+$0xC770]  }
0x49: {  	v4 =	vld [tilespmem:s20+$0x700]  }
0x4a: {  	v5 =	vld [tilespmem:s20+$0x4700]  }
0x4b: {  	v6 =	vld [tilespmem:s20+$0x8740]  }
0x4c: {  	v7 =	vld [tilespmem:s20+$0xC740]  }
0x4d: {  	v8 =	vld [tilespmem:s20+$0x710]  }
0x4e: {  	v9 =	vld [tilespmem:s20+$0x4710]  }
0x4f: {  	v10 =	vld [tilespmem:s20+$0xC750]  }
0x50: {  	v11 =	vld [tilespmem:s20+$0x720];
	v0 =	vand.u32 $0xFFFF0000, v0;
	v1 =	vshll.u32 v1, $0x10  }
0x51: {  	v4 =	vand.u32 $0xFFFF0000, v4;
	v5 =	vshll.u32 v5, $0x10;
	v0 =	vadd.f32 v1, v0;
	v1 =	vld [tilespmem:s20+$0x8750]  }
0x52: {  	v12 =	vld [tilespmem:s20+$0x4720];
	v2 =	vand.u32 $0xFFFF0000, v2;
	v3 =	vshll.u32 v3, $0x10;
	v5 =	vadd.f32 v5, v4  }
0x53: {  	v2 =	vadd.f32 v3, v2;
	v3 =	vand.u32 $0xFFFF0000, v6;
	v4 =	vshll.u32 v7, $0x10  }
0x54: {  	v7 =	vand.u32 $0xFFFF0000, v8;
	v8 =	vshll.u32 v9, $0x10;
	v3 =	vadd.f32 v4, v3;
	v4 =	vld [tilespmem:s20+$0x8760];
	[tilespmem:s20+$0x10730] =	vst v0  }
0x55: {  	s21 =	simm.s32 $0x80;
	v11 =	vand.u32 $0xFFFF0000, v11;
	v6 =	vld [tilespmem:s20+$0xC760];
	v7 =	vadd.f32 v8, v7;
	v8 =	vshll.u32 v10, $0x10;
	[tilespmem:s20+$0x10700] =	vst v5  }
0x56: {  	v0 =	vmul.f32 v2, v0;
	v3 =	vmul.f32 v3, v5;
	v9 =	vld [tilespmem:s21+$0x730];
	v5 =	vand.u32 $0xFFFF0000, v1  }
0x57: {  	v12 =	vshll.u32 v12, $0x10;
	v2 =	vimm.f32 $0.0e+00;
	v10 =	vld [tilespmem:s21+$0x4730];
	[tilespmem:s20+$0x10710] =	vst v7;
	v8 =	vadd.f32 v8, v5  }
0x58: {  	s26 =	simm.s32 $0x400;
	v0 =	vadd.f32 v0, v2;
	v1 =	vadd.f32 v3, v2;
	v3 =	vimm.f32 $0.0e+00;
	v5 =	vld [tilespmem:s21+$0x8770]  }
.LBB2_2:
0x59: {  	p0 =	sne.s32 s26, $0xFE00;
	v13 =	vld [tilespmem:s21+$0xC770];
	v7 =	vmul.f32 v8, v7;
	v8 =	vadd.f32 v12, v11;
	v4 =	vand.u32 $0xFFFF0000, v4  }
0x5a: {  	v11 =	vld [tilespmem:s21+$0x700];
	v6 =	vshll.u32 v6, $0x10  }
0x5b: {  	v12 =	vld [tilespmem:s21+$0x4700];
	v2 =	vadd.f32 v7, v2;
	v4 =	vadd.f32 v6, v4;
	[tilespmem:s20+$0x10720] =	vst v8;
	s20 =	smov.u32 s21  }
0x5c: {  	v6 =	vld [tilespmem:s20+$0x8740]  }
0x5d: {  	v9 =	vand.u32 $0xFFFF0000, v9;
	v7 =	vld [tilespmem:s20+$0xC740];
	v4 =	vmul.f32 v4, v8  }
0x5e: {  	v10 =	vshll.u32 v10, $0x10;
	v5 =	vand.u32 $0xFFFF0000, v5;
	v8 =	vld [tilespmem:s20+$0x710];
	v13 =	vshll.u32 v13, $0x10  }
0x5f: {  	v9 =	vadd.f32 v10, v9;
	v11 =	vand.u32 $0xFFFF0000, v11;
	v14 =	vld [tilespmem:s20+$0x4710];
	v5 =	vadd.f32 v13, v5  }
0x60: {  	v3 =	vadd.f32 v4, v3;
	v10 =	vshll.u32 v12, $0x10;
	v12 =	vld [tilespmem:s20+$0x8750]  }
0x61: {  	v10 =	vadd.f32 v10, v11;
	v4 =	vand.u32 $0xFFFF0000, v6;
	v11 =	vld [tilespmem:s20+$0xC750];
	[tilespmem:s20+$0x10730] =	vst v9;
	v5 =	vmul.f32 v5, v9  }
0x62: {  	v6 =	vshll.u32 v7, $0x10;
	v13 =	vld [tilespmem:s20+$0x720]  }
0x63: {  	v6 =	vadd.f32 v6, v4;
	[tilespmem:s20+$0x10700] =	vst v10;
	v7 =	vand.u32 $0xFFFF0000, v8;
	v15 =	vld [tilespmem:s20+$0x4720];
	v0 =	vadd.f32 v5, v0  }
.Ltmp0:
0x64: {  	v5 =	vshll.u32 v14, $0x10;
	v4 =	vld [tilespmem:s20+$0x8760];
	(pc) =	sbr.rel @p0 .LBB2_2-.Ltmp0, $4  }
0x65: {  	s21 =	sshra.s32 s26, $0x2;
	v8 =	vmul.f32 v6, v10;
	v7 =	vadd.f32 v5, v7;
	v5 =	vand.u32 $0xFFFF0000, v12;
	v6 =	vld [tilespmem:s20+$0xC760]  }
0x66: {  	v9 =	vld [tilespmem:s21+$0x730];
	v11 =	vshll.u32 v11, $0x10  }
0x67: {  	v10 =	vld [tilespmem:s21+$0x4730];
	v1 =	vadd.f32 v8, v1;
	v8 =	vadd.f32 v11, v5;
	[tilespmem:s20+$0x10710] =	vst v7;
	v11 =	vand.u32 $0xFFFF0000, v13  }
0x68: {  	s26 =	sadd.s32 $0x200, s26;
	v5 =	vld [tilespmem:s21+$0x8770];
	v12 =	vshll.u32 v15, $0x10  }
0x69: {  	v11 =	vadd.f32 v12, v11;
	v12 =	vld [tilespmem:s21+$0x700]  }
0x6a: {  	v14 =	vld [tilespmem:s21+$0x4700];
	_ =	sdelay $0x1  }
0x6b: {  	v13 =	vld [tilespmem:s21+$0xC770];
	[tilespmem:s20+$0x10720] =	vst v11  }
0x6c: {  	v17 =	vld [tilespmem:s21+$0x710]  }
0x6d: {  	v18 =	vld [tilespmem:s21+$0x4710]  }
0x6e: {  	v20 =	vld [tilespmem:s21+$0x4720];
	v12 =	vand.u32 $0xFFFF0000, v12;
	v14 =	vshll.u32 v14, $0x10  }
0x6f: {  	v12 =	vadd.f32 v14, v12;
	v14 =	vld [tilespmem:s21+$0x720];
	_ =	sdelay $0x1  }
0x70: {  	v9 =	vand.u32 $0xFFFF0000, v9;
	v10 =	vshll.u32 v10, $0x10  }
0x71: {  	v9 =	vadd.f32 v10, v9  }
0x72: {  	v15 =	vld [tilespmem:s21+$0x8740];
	v17 =	vand.u32 $0xFFFF0000, v17;
	v18 =	vshll.u32 v18, $0x10  }
0x73: {  	v16 =	vld [tilespmem:s21+$0xC740];
	[tilespmem:s21+$0x10730] =	vst v9;
	v17 =	vadd.f32 v18, v17;
	v18 =	vshll.u32 v20, $0x10;
	v14 =	vand.u32 $0xFFFF0000, v14  }
0x74: {  	v19 =	vld [tilespmem:s21+$0xC750];
	[tilespmem:s21+$0x10700] =	vst v12;
	v14 =	vadd.f32 v18, v14  }
0x75: {  	v21 =	vld [tilespmem:s21+$0x8760];
	[tilespmem:s21+$0x10710] =	vst v17  }
0x76: {  	v58 =	vld [tilespmem:s21+$0xC760];
	[tilespmem:s21+$0x10720] =	vst v14  }
0x77: {  	v10 =	vld [tilespmem:s21+$0x8750];
	_ =	swait.ge [sflag:s25], $0x5000  }
0x78: {  	[sflag:s25] =	ssyncset.done $0x0  }
0x79: {  	[sflag:s25] =	ssyncadd.s32 $0xFFFFB000  }
0x7a: {  	_ =	swait.ge [sflag:s25], $0x5000  }
0x7b: {  	[sflag:s25] =	ssyncset.done $0x0  }
0x7c: {  	s26 =	simm.s32 $0x270;
	[sflag:s25] =	ssyncadd.s32 $0xFFFFB000  }
0x7d: {  	v18 =	vld [tilespmem:s26+$0x14500]  }
0x7e: {  	v22 =	vld [tilespmem:s26+$0x19500]  }
0x7f: {  	v23 =	vld [tilespmem:s26+$0x144D0]  }
0x80: {  	v24 =	vld [tilespmem:s26+$0x14580]  }
0x81: {  	v25 =	vld [tilespmem:s26+$0x194D0]  }
0x82: {  	v26 =	vld [tilespmem:s26+$0x19580]  }
0x83: {  	v27 =	vld [tilespmem:s26+$0x144E0]  }
0x84: {  	v4 =	vand.u32 $0xFFFF0000, v4;
	v7 =	vmul.f32 v8, v7;
	v6 =	vshll.u32 v6, $0x10;
	v28 =	vld [tilespmem:s26+$0x14600]  }
0x85: {  	v4 =	vadd.f32 v6, v4;
	v6 =	vld [tilespmem:s26+$0x194E0]  }
0x86: {  	v7 =	vadd.f32 v7, v2;
	v8 =	vld [tilespmem:s26+$0x19600]  }
0x87: {  	v4 =	vmul.f32 v4, v11;
	v2 =	vand.u32 $0xFFFF0000, v5;
	v5 =	vshll.u32 v13, $0x10;
	v11 =	vld [tilespmem:s26+$0x144F0]  }
0x88: {  	v2 =	vadd.f32 v5, v2;
	v13 =	vld [tilespmem:s26+$0x14680]  }
0x89: {  	v4 =	vadd.f32 v4, v3;
	v3 =	vand.u32 $0xFFFF0000, v15;
	v15 =	vshll.u32 v16, $0x10;
	v5 =	vld [tilespmem:s26+$0x194F0]  }
0x8a: {  	v3 =	vadd.f32 v15, v3;
	v59 =	vld [tilespmem:s26+$0x19680]  }
0x8b: {  	v2 =	vmul.f32 v2, v9;
	v60 =	vld [tilespmem:s26+$0x14700];
	v16 =	vand.u32 $0xFFFF0000, v18;
	v18 =	vshll.u32 v22, $0x10  }
0x8c: {  	v10 =	vand.u32 $0xFFFF0000, v10;
	v3 =	vmul.f32 v3, v12;
	v62 =	vld [tilespmem:s26+$0x19700];
	v15 =	vadd.f32 v18, v16  }
0x8d: {  	v0 =	vadd.f32 v2, v0;
	v63 =	vld [tilespmem:s26+$0x145F0];
	v18 =	vshll.u32 v19, $0x10;
	v19 =	vand.u32 $0xFFFF0000, v24  }
0x8e: {  	v20 =	vshll.u32 v58, $0x10;
	v2 =	vadd.f32 v3, v1;
	v16 =	vld [tilespmem:s26+$0x14550];
	v15 =	vadd.f32 v19, v15  }
0x8f: {  	v61 =	vshll.u32 v26, $0x10;
	v10 =	vadd.f32 v18, v10;
	v18 =	vld [tilespmem:s26+$0x14560];
	v19 =	vand.u32 $0xFFFF0000, v21  }
0x90: {  	v12 =	vand.u32 $0xFFFF0000, v28;
	v9 =	vadd.f32 v20, v19;
	v19 =	vld [tilespmem:s26+$0x14570];
	v15 =	vadd.f32 v61, v15  }
0x91: {  	s20 =	simm.s32 $0x10720;
	v6 =	vshll.u32 v6, $0x10;
	v11 =	vand.u32 $0xFFFF0000, v11;
	v10 =	vmul.f32 v10, v17;
	v17 =	vld [tilespmem:s26+$0x19550]  }
0x92: {  	v5 =	vshll.u32 v5, $0x10;
	v9 =	vmul.f32 v9, v14;
	v14 =	vld [tilespmem:s20+$0x10];
	v12 =	vadd.f32 v12, v15  }
0x93: {  	v5 =	vadd.f32 v5, v11;
	v3 =	vadd.f32 v10, v7;
	v7 =	vshll.u32 v8, $0x10;
	v8 =	vld [tilespmem:s26+$0x19560]  }
0x94: {  	v10 =	vshll.u32 v25, $0x10;
	v1 =	vadd.f32 v9, v4;
	v4 =	vadd.f32 v7, v12;
	v7 =	vld [tilespmem:s26+$0x19570]  }
0x95: {  	v16 =	vand.u32 $0xFFFF0000, v16;
	v9 =	vand.u32 $0xFFFF0000, v23;
	v12 =	vand.u32 $0xFFFF0000, v13;
	v13 =	vld [tilespmem:s26+$0x145D0]  }
0x96: {  	v9 =	vadd.f32 v10, v9;
	v10 =	vld [tilespmem:s26+$0x145E0];
	v4 =	vadd.f32 v12, v4;
	v12 =	vand.u32 $0xFFFF0000, v27  }
0x97: {  	v15 =	vshll.u32 v59, $0x10;
	v19 =	vand.u32 $0xFFFF0000, v19;
	v6 =	vadd.f32 v6, v12;
	v12 =	vld [tilespmem:s26+$0x195E0]  }
0x98: {  	v18 =	vand.u32 $0xFFFF0000, v18;
	v5 =	vadd.f32 v19, v5;
	v4 =	vadd.f32 v15, v4;
	v15 =	vld [tilespmem:s26+$0x195D0]  }
0x99: {  	v11 =	vand.u32 $0xFFFF0000, v60;
	v9 =	vadd.f32 v16, v9;
	v6 =	vadd.f32 v18, v6;
	v18 =	vld [tilespmem:s26+$0x14650]  }
0x9a: {  	v16 =	vshll.u32 v62, $0x10;
	v7 =	vshll.u32 v7, $0x10;
	v4 =	vadd.f32 v11, v4;
	v11 =	vld [tilespmem:s26+$0x195F0]  }
0x9b: {  	v8 =	vshll.u32 v8, $0x10;
	v5 =	vadd.f32 v7, v5;
	v7 =	vand.u32 $0xFFFF0000, v10;
	v10 =	vld [tilespmem:s26+$0x19660]  }
0x9c: {  	v6 =	vadd.f32 v8, v6;
	v8 =	vld [tilespmem:s26+$0x19650];
	v4 =	vadd.f32 v16, v4;
	v16 =	vshll.u32 v17, $0x10  }
0x9d: {  	v17 =	vld [tilespmem:s26+$0x14660];
	v9 =	vadd.f32 v16, v9  }
0x9e: {  	v13 =	vand.u32 $0xFFFF0000, v13;
	v16 =	vld [tilespmem:s26+$0x14670];
	v6 =	vadd.f32 v7, v6;
	v7 =	vand.u32 $0xFFFF0000, v63  }
0x9f: {  	v5 =	vadd.f32 v7, v5;
	v7 =	vshll.u32 v12, $0x10;
	v12 =	vld [tilespmem:s26+$0x146D0];
	v9 =	vadd.f32 v13, v9  }
0xa0: {  	v4 =	vmul.f32 v4, v14;
	v14 =	vshll.u32 v15, $0x10;
	v13 =	vld [tilespmem:s26+$0x19670]  }
0xa1: {  	v6 =	vadd.f32 v7, v6;
	v7 =	vshll.u32 v11, $0x10;
	v11 =	vld [tilespmem:s26+$0x146E0];
	v9 =	vadd.f32 v14, v9  }
0xa2: {  	v7 =	vadd.f32 v7, v5;
	v14 =	vand.u32 $0xFFFF0000, v18;
	v15 =	vand.u32 $0xFFFF0000, v17;
	v17 =	vld [tilespmem:s26+$0x146F0]  }
0xa3: {  	v6 =	vadd.f32 v15, v6;
	v15 =	vand.u32 $0xFFFF0000, v16;
	v16 =	vld [tilespmem:s26+$0x196E0];
	v9 =	vadd.f32 v14, v9  }
0xa4: {  	v5 =	vimm.f32 $0.0e+00;
	v8 =	vshll.u32 v8, $0x10;
	v14 =	vld [tilespmem:s26+$0x196D0]  }
0xa5: {  	v7 =	vadd.f32 v15, v7;
	v8 =	vadd.f32 v8, v9;
	v9 =	vshll.u32 v10, $0x10  }
0xa6: {  	v12 =	vand.u32 $0xFFFF0000, v12;
	v10 =	vld [tilespmem:s26+$0x196F0];
	v6 =	vadd.f32 v9, v6;
	v9 =	vshll.u32 v13, $0x10  }
0xa7: {  	v7 =	vadd.f32 v9, v7;
	v15 =	vadd.f32 v12, v8;
	v8 =	vld [tilespmem:s20+$0xFFFFFFE0];
	v9 =	vand.u32 $0xFFFF0000, v11  }
0xa8: {  	v4 =	vadd.f32 v4, v5;
	v12 =	vadd.f32 v9, v6;
	v9 =	vld [tilespmem:s20+$0xFFFFFFF0];
	v6 =	vand.u32 $0xFFFF0000, v17  }
0xa9: {  	s21 =	simm.s32 $0x4F0;
	v11 =	vld [tilespmem:s20+$0x0];
	v16 =	vshll.u32 v16, $0x10;
	v14 =	vshll.u32 v14, $0x10;
	v13 =	vadd.f32 v6, v7  }
0xaa: {  	s26 =	simm.s32 $0x1DC0;
	v14 =	vadd.f32 v14, v15;
	v15 =	vld [tilespmem:s21+$0x14500];
	v7 =	vimm.f32 $0.0e+00;
	v6 =	vimm.f32 $0.0e+00  }
.LBB2_4:
0xab: {  	p0 =	sne.s32 s26, $0x13FC0;
	v17 =	vld [tilespmem:s21+$0x19500];
	v12 =	vadd.f32 v16, v12;
	v10 =	vshll.u32 v10, $0x10  }
0xac: {  	v16 =	vld [tilespmem:s21+$0x144D0];
	v8 =	vmul.f32 v14, v8;
	v10 =	vadd.f32 v10, v13  }
0xad: {  	v13 =	vld [tilespmem:s21+$0x14580];
	v9 =	vmul.f32 v12, v9  }
0xae: {  	v12 =	vld [tilespmem:s21+$0x194D0];
	v5 =	vadd.f32 v8, v5;
	v8 =	vmul.f32 v10, v11  }
0xaf: {  	v10 =	vld [tilespmem:s21+$0x19580];
	v7 =	vadd.f32 v9, v7  }
0xb0: {  	v11 =	vand.u32 $0xFFFF0000, v15;
	v9 =	vld [tilespmem:s21+$0x144E0];
	v14 =	vshll.u32 v17, $0x10;
	v6 =	vadd.f32 v8, v6  }
0xb1: {  	v8 =	vand.u32 $0xFFFF0000, v16;
	v11 =	vadd.f32 v14, v11;
	v14 =	vld [tilespmem:s21+$0x14600]  }
0xb2: {  	v15 =	vld [tilespmem:s21+$0x194E0];
	v13 =	vand.u32 $0xFFFF0000, v13  }
0xb3: {  	v12 =	vshll.u32 v12, $0x10;
	v11 =	vadd.f32 v13, v11;
	v13 =	vld [tilespmem:s21+$0x19600]  }
0xb4: {  	v8 =	vadd.f32 v12, v8;
	v12 =	vld [tilespmem:s21+$0x144F0];
	v10 =	vshll.u32 v10, $0x10  }
0xb5: {  	v9 =	vand.u32 $0xFFFF0000, v9;
	v10 =	vadd.f32 v10, v11;
	v11 =	vld [tilespmem:s21+$0x14680]  }
0xb6: {  	v16 =	vld [tilespmem:s21+$0x194F0];
	v14 =	vand.u32 $0xFFFF0000, v14  }
0xb7: {  	v15 =	vshll.u32 v15, $0x10;
	v10 =	vadd.f32 v14, v10;
	v14 =	vld [tilespmem:s21+$0x19680]  }
0xb8: {  	v17 =	vld [tilespmem:s21+$0x14550];
	v9 =	vadd.f32 v15, v9;
	v13 =	vshll.u32 v13, $0x10  }
0xb9: {  	v12 =	vand.u32 $0xFFFF0000, v12;
	v10 =	vadd.f32 v13, v10;
	v13 =	vld [tilespmem:s21+$0x14700]  }
0xba: {  	v15 =	vld [tilespmem:s21+$0x14560];
	v11 =	vand.u32 $0xFFFF0000, v11  }
0xbb: {  	v16 =	vshll.u32 v16, $0x10;
	v10 =	vadd.f32 v11, v10;
	v11 =	vld [tilespmem:s21+$0x19700]  }
0xbc: {  	v12 =	vadd.f32 v16, v12;
	v16 =	vld [tilespmem:s21+$0x14570];
	v14 =	vshll.u32 v14, $0x10  }
0xbd: {  	s20 =	sadd.s32 $0x80, s20;
	v17 =	vand.u32 $0xFFFF0000, v17;
	v18 =	vld [tilespmem:s21+$0x19550];
	v10 =	vadd.f32 v14, v10  }
0xbe: {  	v8 =	vadd.f32 v17, v8;
	v13 =	vand.u32 $0xFFFF0000, v13;
	v14 =	vld [tilespmem:s20+$0x10]  }
0xbf: {  	v15 =	vand.u32 $0xFFFF0000, v15;
	v17 =	vld [tilespmem:s21+$0x19560];
	v10 =	vadd.f32 v13, v10  }
0xc0: {  	v9 =	vadd.f32 v15, v9;
	v13 =	vld [tilespmem:s21+$0x19570];
	v11 =	vshll.u32 v11, $0x10  }
0xc1: {  	v15 =	vld [tilespmem:s21+$0x145D0];
	v16 =	vand.u32 $0xFFFF0000, v16;
	v10 =	vadd.f32 v11, v10  }
0xc2: {  	v11 =	vshll.u32 v18, $0x10;
	v18 =	vld [tilespmem:s21+$0x145E0];
	v12 =	vadd.f32 v16, v12  }
0xc3: {  	v8 =	vadd.f32 v11, v8;
	v11 =	vld [tilespmem:s21+$0x145F0];
	v10 =	vmul.f32 v10, v14  }
0xc4: {  	v14 =	vld [tilespmem:s21+$0x195D0];
	v16 =	vshll.u32 v17, $0x10  }
0xc5: {  	v9 =	vadd.f32 v16, v9;
	v16 =	vld [tilespmem:s21+$0x195E0];
	v13 =	vshll.u32 v13, $0x10;
	v4 =	vadd.f32 v10, v4  }
0xc6: {  	v10 =	vand.u32 $0xFFFF0000, v15;
	v12 =	vadd.f32 v13, v12;
	v13 =	vld [tilespmem:s21+$0x195F0]  }
0xc7: {  	v8 =	vadd.f32 v10, v8;
	v10 =	vld [tilespmem:s21+$0x14650];
	v15 =	vand.u32 $0xFFFF0000, v18  }
0xc8: {  	v9 =	vadd.f32 v15, v9;
	v15 =	vld [tilespmem:s21+$0x14660];
	v11 =	vand.u32 $0xFFFF0000, v11  }
0xc9: {  	v14 =	vshll.u32 v14, $0x10;
	v11 =	vadd.f32 v11, v12;
	v12 =	vld [tilespmem:s21+$0x14670]  }
0xca: {  	v8 =	vadd.f32 v14, v8;
	v14 =	vld [tilespmem:s21+$0x19650];
	v16 =	vshll.u32 v16, $0x10  }
0xcb: {  	v9 =	vadd.f32 v16, v9;
	v16 =	vld [tilespmem:s21+$0x19660];
	v13 =	vshll.u32 v13, $0x10  }
0xcc: {  	v10 =	vand.u32 $0xFFFF0000, v10;
	v11 =	vadd.f32 v13, v11;
	v13 =	vld [tilespmem:s21+$0x19670]  }
0xcd: {  	v8 =	vadd.f32 v10, v8;
	v10 =	vld [tilespmem:s21+$0x146D0];
	v15 =	vand.u32 $0xFFFF0000, v15  }
0xce: {  	v9 =	vadd.f32 v15, v9;
	v15 =	vld [tilespmem:s21+$0x146E0];
	v12 =	vand.u32 $0xFFFF0000, v12  }
0xcf: {  	v14 =	vshll.u32 v14, $0x10;
	v11 =	vadd.f32 v12, v11;
	v17 =	vld [tilespmem:s21+$0x146F0]  }
0xd0: {  	v8 =	vadd.f32 v14, v8;
	v14 =	vld [tilespmem:s21+$0x196D0];
	v12 =	vshll.u32 v16, $0x10  }
0xd1: {  	v9 =	vadd.f32 v12, v9;
	v16 =	vld [tilespmem:s21+$0x196E0];
	v12 =	vshll.u32 v13, $0x10  }
.Ltmp1:
0xd2: {  	v13 =	vand.u32 $0xFFFF0000, v10;
	v11 =	vadd.f32 v12, v11;
	v10 =	vld [tilespmem:s21+$0x196F0];
	(pc) =	sbr.rel @p0 .LBB2_4-.Ltmp1, $4  }
0xd3: {  	v18 =	vadd.f32 v13, v8;
	v8 =	vld [tilespmem:s20+$0xFFFFFFE0];
	v12 =	vand.u32 $0xFFFF0000, v15  }
0xd4: {  	v12 =	vadd.f32 v12, v9;
	v9 =	vld [tilespmem:s20+$0xFFFFFFF0];
	v13 =	vand.u32 $0xFFFF0000, v17  }
0xd5: {  	s21 =	sshra.s32 s26, $0x2;
	v14 =	vshll.u32 v14, $0x10;
	v13 =	vadd.f32 v13, v11;
	v11 =	vld [tilespmem:s20+$0x0]  }
0xd6: {  	s26 =	sadd.s32 $0xA00, s26;
	v15 =	vld [tilespmem:s21+$0x14500];
	v14 =	vadd.f32 v14, v18;
	v16 =	vshll.u32 v16, $0x10  }
0xd7: {  	v17 =	vld [tilespmem:s21+$0x19500]  }
0xd8: {  	v18 =	vld [tilespmem:s21+$0x144D0]  }
0xd9: {  	v19 =	vld [tilespmem:s21+$0x14580]  }
0xda: {  	v20 =	vld [tilespmem:s21+$0x194D0]  }
0xdb: {  	v21 =	vld [tilespmem:s21+$0x19580]  }
0xdc: {  	v22 =	vld [tilespmem:s21+$0x144E0]  }
0xdd: {  	v23 =	vld [tilespmem:s21+$0x14600]  }
0xde: {  	v24 =	vld [tilespmem:s21+$0x194E0]  }
0xdf: {  	v25 =	vld [tilespmem:s21+$0x19600]  }
0xe0: {  	v26 =	vld [tilespmem:s21+$0x144F0]  }
0xe1: {  	v27 =	vld [tilespmem:s21+$0x14680]  }
0xe2: {  	v28 =	vld [tilespmem:s21+$0x194F0]  }
0xe3: {  	v29 =	vld [tilespmem:s21+$0x19680]  }
0xe4: {  	v30 =	vld [tilespmem:s21+$0x14550]  }
0xe5: {  	v31 =	vld [tilespmem:s21+$0x14700]  }
0xe6: {  	v32 =	vld [tilespmem:s21+$0x14560]  }
0xe7: {  	v33 =	vld [tilespmem:s21+$0x19700]  }
0xe8: {  	v34 =	vld [tilespmem:s21+$0x14570]  }
0xe9: {  	v35 =	vld [tilespmem:s21+$0x19550]  }
0xea: {  	v37 =	vld [tilespmem:s21+$0x19560]  }
0xeb: {  	v38 =	vld [tilespmem:s21+$0x19570]  }
0xec: {  	v39 =	vld [tilespmem:s21+$0x145D0]  }
0xed: {  	v40 =	vld [tilespmem:s21+$0x145E0]  }
0xee: {  	v41 =	vld [tilespmem:s21+$0x145F0]  }
0xef: {  	v42 =	vld [tilespmem:s21+$0x195D0]  }
0xf0: {  	v43 =	vld [tilespmem:s21+$0x195E0]  }
0xf1: {  	v44 =	vld [tilespmem:s21+$0x195F0]  }
0xf2: {  	v45 =	vld [tilespmem:s21+$0x14650]  }
0xf3: {  	v46 =	vld [tilespmem:s21+$0x14660]  }
0xf4: {  	v47 =	vld [tilespmem:s21+$0x14670]  }
0xf5: {  	v48 =	vld [tilespmem:s21+$0x19650]  }
0xf6: {  	v49 =	vld [tilespmem:s21+$0x19660]  }
0xf7: {  	v50 =	vld [tilespmem:s21+$0x19670]  }
0xf8: {  	v51 =	vld [tilespmem:s21+$0x146D0]  }
0xf9: {  	v52 =	vld [tilespmem:s21+$0x146F0]  }
0xfa: {  	v53 =	vld [tilespmem:s21+$0x196E0];
	v15 =	vand.u32 $0xFFFF0000, v15;
	v17 =	vshll.u32 v17, $0x10  }
0xfb: {  	s20 =	sadd.s32 $0x80, s20;
	v62 =	vld [tilespmem:s21+$0x196F0];
	v15 =	vadd.f32 v17, v15  }
0xfc: {  	v36 =	vld [tilespmem:s20+$0x10];
	v19 =	vand.u32 $0xFFFF0000, v19  }
0xfd: {  	v63 =	vld [tilespmem:s20+$0xFFFFFFE0];
	v15 =	vadd.f32 v19, v15  }
0xfe: {  	v8 =	vmul.f32 v14, v8;
	v14 =	vld [tilespmem:s20+$0x0];
	v21 =	vshll.u32 v21, $0x10  }
0xff: {  	v10 =	vshll.u32 v10, $0x10;
	v17 =	vld [tilespmem:s21+$0x146E0];
	v15 =	vadd.f32 v21, v15  }
0x100: {  	v12 =	vadd.f32 v16, v12;
	v10 =	vadd.f32 v10, v13;
	v16 =	vand.u32 $0xFFFF0000, v23;
	v19 =	vld [tilespmem:s21+$0x196D0];
	s21 =	simm.s32 $0x2A0  }
0x101: {  	v13 =	vadd.f32 v16, v15;
	v15 =	vld [tilespmem:s20+$0xFFFFFFF0];
	[tilespmem:s23], [sflag:$0x2] =	stream.indirect.gather [hbm4b:s3+s22], $0x80, s21, s22, $0xb8  }
0x102: {  	v9 =	vmul.f32 v12, v9;
	v10 =	vmul.f32 v10, v11;
	v12 =	vshll.u32 v25, $0x10  }
0x103: {  	v5 =	vadd.f32 v8, v5;
	v11 =	vadd.f32 v12, v13;
	[tilespmem:s24], [sflag:$0x2] =	stream.indirect.gather [hbm4b:s3+s22], $0x80, s28, s22, $0xb8;
	[tilespmem:$0x1E800] =	vst v63  }
0x104: {  	v7 =	vadd.f32 v9, v7;
	v8 =	vand.u32 $0xFFFF0000, v27;
	v9 =	vadd.f32 v10, v6;
	_ =	swait.ge [sflag:s25], $0x5000  }
0x105: {  	v10 =	vshll.u32 v20, $0x10;
	v6 =	vadd.f32 v8, v11;
	v8 =	vand.u32 $0xFFFF0000, v18;
	[sflag:s25] =	ssyncset.done $0x0  }
0x106: {  	v11 =	vshll.u32 v29, $0x10;
	v8 =	vadd.f32 v10, v8;
	[sflag:s25] =	ssyncadd.s32 $0xFFFFB000  }
0x107: {  	v10 =	vand.u32 $0xFFFF0000, v22;
	v6 =	vadd.f32 v11, v6;
	v11 =	vshll.u32 v24, $0x10;
	_ =	swait.ge [sflag:s25], $0x5000  }
0x108: {  	v12 =	vand.u32 $0xFFFF0000, v31;
	v13 =	vand.u32 $0xFFFF0000, v30;
	v10 =	vadd.f32 v11, v10;
	[sflag:s25] =	ssyncset.done $0x0  }
0x109: {  	s26 =	simm.s32 $0x270;
	v11 =	vand.u32 $0xFFFF0000, v26;
	v8 =	vadd.f32 v13, v8;
	v13 =	vand.u32 $0xFFFF0000, v32;
	[sflag:s25] =	ssyncadd.s32 $0xFFFFB000  }
0x10a: {  	v6 =	vadd.f32 v12, v6;
	v12 =	vshll.u32 v28, $0x10;
	v10 =	vadd.f32 v13, v10;
	v13 =	vld [tilespmem:s26+$0x19500]  }
0x10b: {  	s20 =	simm.s32 $0x11730;
	v18 =	vshll.u32 v37, $0x10;
	v11 =	vadd.f32 v12, v11;
	v12 =	vshll.u32 v33, $0x10;
	v37 =	vld [tilespmem:s26+$0x144D0]  }
0x10c: {  	v55 =	vld [tilespmem:s20+$0x0];
	v6 =	vadd.f32 v12, v6  }
0x10d: {  	v54 =	vshll.u32 v53, $0x10;
	v21 =	vshll.u32 v62, $0x10;
	v16 =	vand.u32 $0xFFFF0000, v34;
	v57 =	vld [tilespmem:s26+$0x145D0]  }
0x10e: {  	v60 =	vld [tilespmem:s26+$0x195D0];
	v11 =	vadd.f32 v16, v11;
	v16 =	vshll.u32 v35, $0x10;
	v6 =	vmul.f32 v6, v36  }
0x10f: {  	v17 =	vand.u32 $0xFFFF0000, v17;
	v62 =	vld [tilespmem:s26+$0x195F0];
	v10 =	vadd.f32 v18, v10;
	v8 =	vadd.f32 v16, v8  }
0x110: {  	v12 =	vld [tilespmem:s26+$0x14500];
	v18 =	vshll.u32 v38, $0x10;
	v38 =	vadd.f32 v6, v4;
	v4 =	vand.u32 $0xFFFF0000, v39  }
0x111: {  	v16 =	vld [tilespmem:s26+$0x14580];
	v6 =	vadd.f32 v18, v11;
	v4 =	vadd.f32 v4, v8;
	v8 =	vand.u32 $0xFFFF0000, v40  }
0x112: {  	v39 =	vld [tilespmem:s26+$0x194D0];
	v18 =	vshll.u32 v42, $0x10;
	v8 =	vadd.f32 v8, v10;
	v10 =	vand.u32 $0xFFFF0000, v41  }
0x113: {  	v11 =	vld [tilespmem:s26+$0x19580];
	v6 =	vadd.f32 v10, v6;
	v4 =	vadd.f32 v18, v4;
	v10 =	vshll.u32 v43, $0x10  }
0x114: {  	v42 =	vld [tilespmem:s26+$0x144E0];
	v43 =	vand.u32 $0xFFFF0000, v45;
	v8 =	vadd.f32 v10, v8;
	v10 =	vshll.u32 v44, $0x10  }
0x115: {  	v18 =	vld [tilespmem:s26+$0x14600];
	v6 =	vadd.f32 v10, v6;
	v4 =	vadd.f32 v43, v4;
	v10 =	vand.u32 $0xFFFF0000, v46  }
0x116: {  	v45 =	vld [tilespmem:s26+$0x19600];
	v46 =	vshll.u32 v48, $0x10;
	v8 =	vadd.f32 v10, v8;
	v10 =	vand.u32 $0xFFFF0000, v47  }
0x117: {  	v19 =	vshll.u32 v19, $0x10;
	v44 =	vld [tilespmem:s26+$0x194E0];
	v6 =	vadd.f32 v10, v6;
	v4 =	vadd.f32 v46, v4  }
0x118: {  	v48 =	vld [tilespmem:s26+$0x14680];
	v10 =	vshll.u32 v49, $0x10;
	v49 =	vshll.u32 v50, $0x10;
	v50 =	vand.u32 $0xFFFF0000, v51  }
0x119: {  	v47 =	vld [tilespmem:s26+$0x144F0];
	v8 =	vadd.f32 v10, v8;
	v10 =	vand.u32 $0xFFFF0000, v12;
	v12 =	vshll.u32 v13, $0x10  }
0x11a: {  	v16 =	vand.u32 $0xFFFF0000, v16;
	v13 =	vld [tilespmem:s26+$0x194F0];
	v10 =	vadd.f32 v12, v10;
	v4 =	vadd.f32 v50, v4  }
0x11b: {  	v11 =	vshll.u32 v11, $0x10;
	v51 =	vld [tilespmem:s26+$0x14550];
	v6 =	vadd.f32 v49, v6;
	v8 =	vadd.f32 v17, v8  }
0x11c: {  	v12 =	vld [tilespmem:s26+$0x19680];
	v10 =	vadd.f32 v16, v10;
	v4 =	vadd.f32 v19, v4;
	v19 =	vand.u32 $0xFFFF0000, v52  }
0x11d: {  	v56 =	vshll.u32 v39, $0x10;
	v18 =	vand.u32 $0xFFFF0000, v18;
	v17 =	vld [tilespmem:s26+$0x14560];
	v6 =	vadd.f32 v19, v6  }
0x11e: {  	v58 =	vshll.u32 v44, $0x10;
	v8 =	vadd.f32 v54, v8;
	v19 =	vld [tilespmem:s26+$0x14570];
	v10 =	vadd.f32 v11, v10  }
0x11f: {  	v16 =	vld [tilespmem:s26+$0x14700];
	v59 =	vand.u32 $0xFFFF0000, v47;
	v4 =	vmul.f32 v4, v63;
	v13 =	vshll.u32 v13, $0x10  }
0x120: {  	v11 =	vld [tilespmem:s26+$0x19700];
	v6 =	vadd.f32 v21, v6;
	v8 =	vmul.f32 v8, v15;
	v10 =	vadd.f32 v18, v10  }
0x121: {  	v63 =	vld [tilespmem:s26+$0x19660];
	v15 =	vshll.u32 v45, $0x10;
	v12 =	vshll.u32 v12, $0x10;
	v13 =	vadd.f32 v13, v59  }
0x122: {  	v18 =	vld [tilespmem:s26+$0x19550];
	v4 =	vadd.f32 v4, v5;
	v14 =	vmul.f32 v6, v14;
	v5 =	vadd.f32 v15, v10  }
0x123: {  	v6 =	vadd.f32 v8, v7;
	v7 =	vand.u32 $0xFFFF0000, v48;
	v8 =	vld [tilespmem:s26+$0x19570];
	v19 =	vand.u32 $0xFFFF0000, v19  }
0x124: {  	v10 =	vld [tilespmem:s26+$0x19560];
	v15 =	vand.u32 $0xFFFF0000, v37;
	v13 =	vadd.f32 v19, v13;
	v5 =	vadd.f32 v7, v5  }
0x125: {  	v19 =	vld [tilespmem:s26+$0x14670];
	v7 =	vadd.f32 v14, v9;
	v9 =	vadd.f32 v56, v15;
	v15 =	vand.u32 $0xFFFF0000, v42  }
0x126: {  	v61 =	vand.u32 $0xFFFF0000, v51;
	v14 =	vld [tilespmem:s26+$0x145E0];
	v15 =	vadd.f32 v58, v15;
	v5 =	vadd.f32 v12, v5  }
0x127: {  	v17 =	vand.u32 $0xFFFF0000, v17;
	v16 =	vand.u32 $0xFFFF0000, v16;
	v12 =	vld [tilespmem:s26+$0x145F0];
	v9 =	vadd.f32 v61, v9  }
0x128: {  	v8 =	vshll.u32 v8, $0x10;
	v15 =	vadd.f32 v17, v15;
	v17 =	vld [tilespmem:s26+$0x14660];
	v5 =	vadd.f32 v16, v5  }
0x129: {  	v11 =	vshll.u32 v11, $0x10;
	v18 =	vshll.u32 v18, $0x10;
	v8 =	vadd.f32 v8, v13;
	v16 =	vld [tilespmem:s26+$0x195E0]  }
0x12a: {  	v10 =	vshll.u32 v10, $0x10;
	v9 =	vadd.f32 v18, v9;
	v5 =	vadd.f32 v11, v5;
	v11 =	vld [tilespmem:s26+$0x14650]  }
0x12b: {  	v18 =	vand.u32 $0xFFFF0000, v57;
	v10 =	vadd.f32 v10, v15;
	v15 =	vld [tilespmem:s26+$0x19650];
	v13 =	vand.u32 $0xFFFF0000, v14  }
0x12c: {  	v14 =	vld [tilespmem:s26+$0x19670];
	v9 =	vadd.f32 v18, v9;
	v12 =	vand.u32 $0xFFFF0000, v12;
	v5 =	vmul.f32 v5, v55  }
0x12d: {  	v18 =	vld [tilespmem:s26+$0x146D0];
	v10 =	vadd.f32 v13, v10;
	v13 =	vshll.u32 v60, $0x10;
	v8 =	vadd.f32 v12, v8  }
0x12e: {  	v9 =	vadd.f32 v13, v9;
	v13 =	vld [tilespmem:s26+$0x146E0];
	v12 =	vshll.u32 v16, $0x10;
	v5 =	vadd.f32 v5, v38  }
0x12f: {  	v16 =	vld [tilespmem:s26+$0x146F0];
	v10 =	vadd.f32 v12, v10;
	v12 =	vshll.u32 v62, $0x10;
	v11 =	vand.u32 $0xFFFF0000, v11  }
0x130: {  	v8 =	vadd.f32 v12, v8;
	v9 =	vadd.f32 v11, v9;
	v11 =	vand.u32 $0xFFFF0000, v17;
	v17 =	vld [tilespmem:s26+$0x196D0]  }
0x131: {  	v12 =	vshll.u32 v15, $0x10;
	v10 =	vadd.f32 v11, v10;
	v11 =	vand.u32 $0xFFFF0000, v19;
	v19 =	vld [tilespmem:s26+$0x196E0]  }
0x132: {  	v11 =	vadd.f32 v11, v8;
	v12 =	vadd.f32 v12, v9;
	v8 =	vshll.u32 v63, $0x10;
	v9 =	vld [tilespmem:s26+$0x196F0]  }
0x133: {  	v15 =	vadd.f32 v8, v10;
	v10 =	vshll.u32 v14, $0x10;
	v14 =	vand.u32 $0xFFFF0000, v18;
	v8 =	vld [tilespmem:s20+$0xFFFFFFD0]  }
0x134: {  	v18 =	vadd.f32 v10, v11;
	v14 =	vadd.f32 v14, v12;
	v11 =	vand.u32 $0xFFFF0000, v13;
	v10 =	vld [tilespmem:s20+$0xFFFFFFE0]  }
0x135: {  	s21 =	simm.s32 $0x4F0;
	v13 =	vand.u32 $0xFFFF0000, v16;
	v12 =	vadd.f32 v11, v15;
	v16 =	vshll.u32 v17, $0x10;
	v11 =	vld [tilespmem:s20+$0xFFFFFFF0]  }
0x136: {  	s26 =	simm.s32 $0x1DC0;
	v15 =	vld [tilespmem:s21+$0x14500];
	v13 =	vadd.f32 v13, v18;
	v14 =	vadd.f32 v16, v14;
	v16 =	vshll.u32 v19, $0x10  }
.LBB2_6:
0x137: {  	p0 =	sne.s32 s26, $0x13FC0;
	v17 =	vld [tilespmem:s21+$0x19500];
	v12 =	vadd.f32 v16, v12;
	v9 =	vshll.u32 v9, $0x10  }
0x138: {  	v16 =	vld [tilespmem:s21+$0x144D0];
	v8 =	vmul.f32 v14, v8;
	v9 =	vadd.f32 v9, v13  }
0x139: {  	v13 =	vld [tilespmem:s21+$0x14580];
	v10 =	vmul.f32 v12, v10  }
0x13a: {  	v12 =	vld [tilespmem:s21+$0x194D0];
	v4 =	vadd.f32 v8, v4;
	v8 =	vmul.f32 v9, v11  }
0x13b: {  	v9 =	vld [tilespmem:s21+$0x19580];
	v6 =	vadd.f32 v10, v6  }
0x13c: {  	v11 =	vand.u32 $0xFFFF0000, v15;
	v10 =	vld [tilespmem:s21+$0x144E0];
	v14 =	vshll.u32 v17, $0x10;
	v7 =	vadd.f32 v8, v7  }
0x13d: {  	v8 =	vand.u32 $0xFFFF0000, v16;
	v11 =	vadd.f32 v14, v11;
	v14 =	vld [tilespmem:s21+$0x14600]  }
0x13e: {  	v15 =	vld [tilespmem:s21+$0x194E0];
	v13 =	vand.u32 $0xFFFF0000, v13  }
0x13f: {  	v12 =	vshll.u32 v12, $0x10;
	v11 =	vadd.f32 v13, v11;
	v13 =	vld [tilespmem:s21+$0x19600]  }
0x140: {  	v8 =	vadd.f32 v12, v8;
	v12 =	vld [tilespmem:s21+$0x144F0];
	v9 =	vshll.u32 v9, $0x10  }
0x141: {  	v10 =	vand.u32 $0xFFFF0000, v10;
	v9 =	vadd.f32 v9, v11;
	v11 =	vld [tilespmem:s21+$0x14680]  }
0x142: {  	v16 =	vld [tilespmem:s21+$0x194F0];
	v14 =	vand.u32 $0xFFFF0000, v14  }
0x143: {  	v15 =	vshll.u32 v15, $0x10;
	v9 =	vadd.f32 v14, v9;
	v14 =	vld [tilespmem:s21+$0x19680]  }
0x144: {  	v17 =	vld [tilespmem:s21+$0x14550];
	v10 =	vadd.f32 v15, v10;
	v13 =	vshll.u32 v13, $0x10  }
0x145: {  	v12 =	vand.u32 $0xFFFF0000, v12;
	v9 =	vadd.f32 v13, v9;
	v13 =	vld [tilespmem:s21+$0x14700]  }
0x146: {  	v15 =	vld [tilespmem:s21+$0x14560];
	v11 =	vand.u32 $0xFFFF0000, v11  }
0x147: {  	v16 =	vshll.u32 v16, $0x10;
	v9 =	vadd.f32 v11, v9;
	v11 =	vld [tilespmem:s21+$0x19700]  }
0x148: {  	v12 =	vadd.f32 v16, v12;
	v16 =	vld [tilespmem:s21+$0x14570];
	v14 =	vshll.u32 v14, $0x10  }
0x149: {  	s20 =	sadd.s32 $0x80, s20;
	v17 =	vand.u32 $0xFFFF0000, v17;
	v18 =	vld [tilespmem:s21+$0x19550];
	v9 =	vadd.f32 v14, v9  }
0x14a: {  	v8 =	vadd.f32 v17, v8;
	v13 =	vand.u32 $0xFFFF0000, v13;
	v14 =	vld [tilespmem:s20+$0x0]  }
0x14b: {  	v15 =	vand.u32 $0xFFFF0000, v15;
	v17 =	vld [tilespmem:s21+$0x19560];
	v9 =	vadd.f32 v13, v9  }
0x14c: {  	v10 =	vadd.f32 v15, v10;
	v13 =	vld [tilespmem:s21+$0x19570];
	v11 =	vshll.u32 v11, $0x10  }
0x14d: {  	v15 =	vld [tilespmem:s21+$0x145D0];
	v16 =	vand.u32 $0xFFFF0000, v16;
	v9 =	vadd.f32 v11, v9  }
0x14e: {  	v11 =	vshll.u32 v18, $0x10;
	v18 =	vld [tilespmem:s21+$0x145E0];
	v12 =	vadd.f32 v16, v12  }
0x14f: {  	v8 =	vadd.f32 v11, v8;
	v11 =	vld [tilespmem:s21+$0x145F0];
	v9 =	vmul.f32 v9, v14  }
0x150: {  	v14 =	vld [tilespmem:s21+$0x195D0];
	v16 =	vshll.u32 v17, $0x10  }
0x151: {  	v10 =	vadd.f32 v16, v10;
	v16 =	vld [tilespmem:s21+$0x195E0];
	v13 =	vshll.u32 v13, $0x10;
	v5 =	vadd.f32 v9, v5  }
0x152: {  	v9 =	vand.u32 $0xFFFF0000, v15;
	v12 =	vadd.f32 v13, v12;
	v13 =	vld [tilespmem:s21+$0x195F0]  }
0x153: {  	v8 =	vadd.f32 v9, v8;
	v9 =	vld [tilespmem:s21+$0x14650];
	v15 =	vand.u32 $0xFFFF0000, v18  }
0x154: {  	v10 =	vadd.f32 v15, v10;
	v15 =	vld [tilespmem:s21+$0x14660];
	v11 =	vand.u32 $0xFFFF0000, v11  }
0x155: {  	v14 =	vshll.u32 v14, $0x10;
	v11 =	vadd.f32 v11, v12;
	v12 =	vld [tilespmem:s21+$0x14670]  }
0x156: {  	v8 =	vadd.f32 v14, v8;
	v14 =	vld [tilespmem:s21+$0x19650];
	v16 =	vshll.u32 v16, $0x10  }
0x157: {  	v10 =	vadd.f32 v16, v10;
	v16 =	vld [tilespmem:s21+$0x19660];
	v13 =	vshll.u32 v13, $0x10  }
0x158: {  	v9 =	vand.u32 $0xFFFF0000, v9;
	v11 =	vadd.f32 v13, v11;
	v13 =	vld [tilespmem:s21+$0x19670]  }
0x159: {  	v8 =	vadd.f32 v9, v8;
	v9 =	vld [tilespmem:s21+$0x146D0];
	v15 =	vand.u32 $0xFFFF0000, v15  }
0x15a: {  	v10 =	vadd.f32 v15, v10;
	v15 =	vld [tilespmem:s21+$0x146E0];
	v12 =	vand.u32 $0xFFFF0000, v12  }
0x15b: {  	v14 =	vshll.u32 v14, $0x10;
	v11 =	vadd.f32 v12, v11;
	v17 =	vld [tilespmem:s21+$0x146F0]  }
0x15c: {  	v8 =	vadd.f32 v14, v8;
	v14 =	vld [tilespmem:s21+$0x196D0];
	v12 =	vshll.u32 v16, $0x10  }
0x15d: {  	v10 =	vadd.f32 v12, v10;
	v16 =	vld [tilespmem:s21+$0x196E0];
	v12 =	vshll.u32 v13, $0x10  }
.Ltmp2:
0x15e: {  	v13 =	vand.u32 $0xFFFF0000, v9;
	v11 =	vadd.f32 v12, v11;
	v9 =	vld [tilespmem:s21+$0x196F0];
	(pc) =	sbr.rel @p0 .LBB2_6-.Ltmp2, $4  }
0x15f: {  	v18 =	vadd.f32 v13, v8;
	v8 =	vld [tilespmem:s20+$0xFFFFFFD0];
	v12 =	vand.u32 $0xFFFF0000, v15  }
0x160: {  	v12 =	vadd.f32 v12, v10;
	v10 =	vld [tilespmem:s20+$0xFFFFFFE0];
	v13 =	vand.u32 $0xFFFF0000, v17  }
0x161: {  	s21 =	sshra.s32 s26, $0x2;
	v14 =	vshll.u32 v14, $0x10;
	v13 =	vadd.f32 v13, v11;
	v11 =	vld [tilespmem:s20+$0xFFFFFFF0]  }
0x162: {  	s26 =	sadd.s32 $0xA00, s26;
	v15 =	vld [tilespmem:s21+$0x14500];
	v14 =	vadd.f32 v14, v18;
	v16 =	vshll.u32 v16, $0x10  }
0x163: {  	v17 =	vld [tilespmem:s21+$0x19500]  }
0x164: {  	v18 =	vld [tilespmem:s21+$0x144D0]  }
0x165: {  	v19 =	vld [tilespmem:s21+$0x14580]  }
0x166: {  	v20 =	vld [tilespmem:s21+$0x194D0]  }
0x167: {  	v21 =	vld [tilespmem:s21+$0x19580]  }
0x168: {  	v22 =	vld [tilespmem:s21+$0x144E0]  }
0x169: {  	v23 =	vld [tilespmem:s21+$0x14600]  }
0x16a: {  	v24 =	vld [tilespmem:s21+$0x194E0]  }
0x16b: {  	v25 =	vld [tilespmem:s21+$0x19600]  }
0x16c: {  	v26 =	vld [tilespmem:s21+$0x144F0]  }
0x16d: {  	v27 =	vld [tilespmem:s21+$0x14680]  }
0x16e: {  	v28 =	vld [tilespmem:s21+$0x194F0]  }
0x16f: {  	v29 =	vld [tilespmem:s21+$0x19680]  }
0x170: {  	v30 =	vld [tilespmem:s21+$0x14550]  }
0x171: {  	v31 =	vld [tilespmem:s21+$0x14700]  }
0x172: {  	v32 =	vld [tilespmem:s21+$0x14560]  }
0x173: {  	v33 =	vld [tilespmem:s21+$0x19700]  }
0x174: {  	v34 =	vld [tilespmem:s21+$0x14570]  }
0x175: {  	v35 =	vld [tilespmem:s21+$0x19550]  }
0x176: {  	v37 =	vld [tilespmem:s21+$0x19560]  }
0x177: {  	v38 =	vld [tilespmem:s21+$0x19570]  }
0x178: {  	v39 =	vld [tilespmem:s21+$0x145D0]  }
0x179: {  	v40 =	vld [tilespmem:s21+$0x145E0]  }
0x17a: {  	v41 =	vld [tilespmem:s21+$0x145F0]  }
0x17b: {  	v42 =	vld [tilespmem:s21+$0x195D0]  }
0x17c: {  	v43 =	vld [tilespmem:s21+$0x195E0]  }
0x17d: {  	v44 =	vld [tilespmem:s21+$0x195F0]  }
0x17e: {  	v45 =	vld [tilespmem:s21+$0x14650]  }
0x17f: {  	v46 =	vld [tilespmem:s21+$0x14660]  }
0x180: {  	v47 =	vld [tilespmem:s21+$0x14670]  }
0x181: {  	v48 =	vld [tilespmem:s21+$0x19650]  }
0x182: {  	v49 =	vld [tilespmem:s21+$0x19660]  }
0x183: {  	v50 =	vld [tilespmem:s21+$0x19670]  }
0x184: {  	v51 =	vld [tilespmem:s21+$0x146D0]  }
0x185: {  	v52 =	vld [tilespmem:s21+$0x146F0];
	v15 =	vand.u32 $0xFFFF0000, v15;
	v17 =	vshll.u32 v17, $0x10  }
0x186: {  	v53 =	vld [tilespmem:s21+$0x196E0];
	v15 =	vadd.f32 v17, v15  }
0x187: {  	s20 =	sadd.s32 $0x80, s20;
	v62 =	vld [tilespmem:s21+$0x196F0];
	v19 =	vand.u32 $0xFFFF0000, v19  }
0x188: {  	v36 =	vld [tilespmem:s20+$0x0];
	v15 =	vadd.f32 v19, v15  }
0x189: {  	v63 =	vld [tilespmem:s20+$0xFFFFFFD0];
	v21 =	vshll.u32 v21, $0x10  }
0x18a: {  	v9 =	vshll.u32 v9, $0x10;
	v8 =	vmul.f32 v14, v8;
	v14 =	vld [tilespmem:s20+$0xFFFFFFF0];
	v15 =	vadd.f32 v21, v15  }
0x18b: {  	v12 =	vadd.f32 v16, v12;
	v9 =	vadd.f32 v9, v13;
	v16 =	vand.u32 $0xFFFF0000, v23;
	v17 =	vld [tilespmem:s21+$0x146E0]  }
0x18c: {  	v19 =	vld [tilespmem:s21+$0x196D0];
	v13 =	vadd.f32 v16, v15  }
0x18d: {  	v10 =	vmul.f32 v12, v10;
	v9 =	vmul.f32 v9, v11;
	v12 =	vshll.u32 v25, $0x10;
	v15 =	vld [tilespmem:s20+$0xFFFFFFE0];
	[tilespmem:s23], [sflag:$0x2] =	stream.indirect.gather [hbm4b:s3+s22], $0x80, s29, s22, $0xb8  }
0x18e: {  	v4 =	vadd.f32 v8, v4;
	v11 =	vadd.f32 v12, v13  }
0x18f: {  	v6 =	vadd.f32 v10, v6;
	v8 =	vand.u32 $0xFFFF0000, v27;
	v7 =	vadd.f32 v9, v7;
	[tilespmem:s24], [sflag:$0x2] =	stream.indirect.gather [hbm4b:s3+s22], $0x80, s30, s22, $0xb8;
	[tilespmem:$0x1E800] =	vst v63  }
0x190: {  	v9 =	vand.u32 $0xFFFF0000, v18;
	v10 =	vshll.u32 v20, $0x10;
	_ =	swait.ge [sflag:s25], $0x5000;
	v8 =	vadd.f32 v8, v11  }
0x191: {  	v9 =	vadd.f32 v10, v9;
	v10 =	vand.u32 $0xFFFF0000, v22;
	v11 =	vshll.u32 v29, $0x10;
	[sflag:s25] =	ssyncset.done $0x0  }
0x192: {  	v13 =	vand.u32 $0xFFFF0000, v30;
	[sflag:s25] =	ssyncadd.s32 $0xFFFFB000;
	v8 =	vadd.f32 v11, v8;
	v11 =	vshll.u32 v24, $0x10  }
0x193: {  	v12 =	vand.u32 $0xFFFF0000, v31;
	v9 =	vadd.f32 v13, v9;
	_ =	swait.ge [sflag:s25], $0x5000;
	v10 =	vadd.f32 v11, v10  }
0x194: {  	v11 =	vand.u32 $0xFFFF0000, v26;
	[sflag:s25] =	ssyncset.done $0x0;
	v8 =	vadd.f32 v12, v8;
	v12 =	vshll.u32 v28, $0x10  }
0x195: {  	s26 =	simm.s32 $0x270;
	v13 =	vand.u32 $0xFFFF0000, v32;
	[sflag:s25] =	ssyncadd.s32 $0xFFFFB000;
	v11 =	vadd.f32 v12, v11;
	v12 =	vshll.u32 v33, $0x10  }
0x196: {  	v10 =	vadd.f32 v13, v10;
	v13 =	vld [tilespmem:s26+$0x19500];
	v8 =	vadd.f32 v12, v8  }
0x197: {  	v18 =	vshll.u32 v37, $0x10;
	v16 =	vand.u32 $0xFFFF0000, v34;
	s20 =	simm.s32 $0x12730;
	v37 =	vld [tilespmem:s26+$0x144D0]  }
0x198: {  	v54 =	vld [tilespmem:s20+$0x0];
	v11 =	vadd.f32 v16, v11;
	v16 =	vshll.u32 v35, $0x10;
	v8 =	vmul.f32 v8, v36  }
0x199: {  	v21 =	vshll.u32 v62, $0x10;
	v59 =	vld [tilespmem:s26+$0x195D0];
	v10 =	vadd.f32 v18, v10;
	v9 =	vadd.f32 v16, v9  }
0x19a: {  	v61 =	vld [tilespmem:s26+$0x195F0];
	v18 =	vshll.u32 v38, $0x10;
	v5 =	vadd.f32 v8, v5;
	v8 =	vand.u32 $0xFFFF0000, v39  }
0x19b: {  	v62 =	vld [tilespmem:s26+$0x14660];
	v11 =	vadd.f32 v18, v11;
	v8 =	vadd.f32 v8, v9;
	v9 =	vand.u32 $0xFFFF0000, v40  }
0x19c: {  	v12 =	vld [tilespmem:s26+$0x14500];
	v40 =	vshll.u32 v42, $0x10;
	v9 =	vadd.f32 v9, v10;
	v10 =	vand.u32 $0xFFFF0000, v41  }
0x19d: {  	v16 =	vld [tilespmem:s26+$0x14580];
	v10 =	vadd.f32 v10, v11;
	v8 =	vadd.f32 v40, v8;
	v11 =	vshll.u32 v43, $0x10  }
0x19e: {  	v18 =	vld [tilespmem:s26+$0x19580];
	v43 =	vand.u32 $0xFFFF0000, v45;
	v9 =	vadd.f32 v11, v9;
	v11 =	vshll.u32 v44, $0x10  }
0x19f: {  	v39 =	vld [tilespmem:s26+$0x194D0];
	v10 =	vadd.f32 v11, v10;
	v8 =	vadd.f32 v43, v8;
	v11 =	vand.u32 $0xFFFF0000, v46  }
0x1a0: {  	v42 =	vld [tilespmem:s26+$0x14600];
	v46 =	vshll.u32 v48, $0x10;
	v9 =	vadd.f32 v11, v9;
	v11 =	vand.u32 $0xFFFF0000, v47  }
0x1a1: {  	v41 =	vld [tilespmem:s26+$0x144E0];
	v10 =	vadd.f32 v11, v10;
	v8 =	vadd.f32 v46, v8;
	v11 =	vshll.u32 v49, $0x10  }
0x1a2: {  	v45 =	vld [tilespmem:s26+$0x19600];
	v9 =	vadd.f32 v11, v9;
	v11 =	vand.u32 $0xFFFF0000, v12;
	v12 =	vshll.u32 v13, $0x10  }
0x1a3: {  	v44 =	vld [tilespmem:s26+$0x194E0];
	v49 =	vshll.u32 v50, $0x10;
	v50 =	vand.u32 $0xFFFF0000, v51;
	v11 =	vadd.f32 v12, v11  }
0x1a4: {  	v17 =	vand.u32 $0xFFFF0000, v17;
	v16 =	vand.u32 $0xFFFF0000, v16;
	v48 =	vld [tilespmem:s26+$0x14680];
	v8 =	vadd.f32 v50, v8  }
0x1a5: {  	v19 =	vshll.u32 v19, $0x10;
	v47 =	vld [tilespmem:s26+$0x144F0];
	v10 =	vadd.f32 v49, v10;
	v11 =	vadd.f32 v16, v11  }
0x1a6: {  	v51 =	vld [tilespmem:s26+$0x14550];
	v9 =	vadd.f32 v17, v9;
	v17 =	vshll.u32 v18, $0x10;
	v8 =	vadd.f32 v19, v8  }
0x1a7: {  	v13 =	vld [tilespmem:s26+$0x194F0];
	v19 =	vand.u32 $0xFFFF0000, v52;
	v52 =	vshll.u32 v53, $0x10;
	v11 =	vadd.f32 v17, v11  }
0x1a8: {  	v12 =	vld [tilespmem:s26+$0x19680];
	v10 =	vadd.f32 v19, v10;
	v9 =	vadd.f32 v52, v9;
	v19 =	vand.u32 $0xFFFF0000, v42  }
0x1a9: {  	v18 =	vld [tilespmem:s26+$0x14560];
	v8 =	vmul.f32 v8, v63;
	v11 =	vadd.f32 v19, v11  }
0x1aa: {  	v16 =	vld [tilespmem:s26+$0x14700];
	v9 =	vmul.f32 v9, v15;
	v15 =	vshll.u32 v45, $0x10  }
0x1ab: {  	v55 =	vshll.u32 v39, $0x10;
	v53 =	vld [tilespmem:s26+$0x14570];
	v4 =	vadd.f32 v8, v4;
	v8 =	vadd.f32 v15, v11  }
0x1ac: {  	v17 =	vld [tilespmem:s26+$0x19700];
	v10 =	vadd.f32 v21, v10;
	v6 =	vadd.f32 v9, v6;
	v9 =	vand.u32 $0xFFFF0000, v48  }
0x1ad: {  	v56 =	vand.u32 $0xFFFF0000, v41;
	v58 =	vand.u32 $0xFFFF0000, v47;
	v63 =	vld [tilespmem:s26+$0x14670];
	v8 =	vadd.f32 v9, v8  }
0x1ae: {  	v13 =	vshll.u32 v13, $0x10;
	v12 =	vshll.u32 v12, $0x10;
	v10 =	vmul.f32 v10, v14;
	v14 =	vld [tilespmem:s26+$0x19570]  }
0x1af: {  	v57 =	vshll.u32 v44, $0x10;
	v13 =	vadd.f32 v13, v58;
	v19 =	vld [tilespmem:s26+$0x19550];
	v8 =	vadd.f32 v12, v8  }
0x1b0: {  	v16 =	vand.u32 $0xFFFF0000, v16;
	v11 =	vld [tilespmem:s26+$0x19560];
	v15 =	vand.u32 $0xFFFF0000, v37;
	v7 =	vadd.f32 v10, v7  }
0x1b1: {  	v24 =	vand.u32 $0xFFFF0000, v53;
	v10 =	vadd.f32 v55, v15;
	v15 =	vld [tilespmem:s26+$0x145E0];
	v8 =	vadd.f32 v16, v8  }
0x1b2: {  	v20 =	vadd.f32 v57, v56;
	v13 =	vadd.f32 v24, v13;
	v17 =	vshll.u32 v17, $0x10;
	v9 =	vld [tilespmem:s26+$0x145D0]  }
0x1b3: {  	v60 =	vand.u32 $0xFFFF0000, v51;
	v12 =	vld [tilespmem:s26+$0x145F0];
	v14 =	vshll.u32 v14, $0x10;
	v8 =	vadd.f32 v17, v8  }
0x1b4: {  	v18 =	vand.u32 $0xFFFF0000, v18;
	v10 =	vadd.f32 v60, v10;
	v13 =	vadd.f32 v14, v13;
	v14 =	vld [tilespmem:s26+$0x19670]  }
0x1b5: {  	v18 =	vadd.f32 v18, v20;
	v19 =	vshll.u32 v19, $0x10;
	v16 =	vld [tilespmem:s26+$0x195E0];
	v8 =	vmul.f32 v8, v54  }
0x1b6: {  	v11 =	vshll.u32 v11, $0x10;
	v10 =	vadd.f32 v19, v10;
	v17 =	vld [tilespmem:s26+$0x14650]  }
0x1b7: {  	v11 =	vadd.f32 v11, v18;
	v18 =	vld [tilespmem:s26+$0x19650];
	v5 =	vadd.f32 v8, v5;
	v8 =	vand.u32 $0xFFFF0000, v9  }
0x1b8: {  	v9 =	vld [tilespmem:s26+$0x19660];
	v8 =	vadd.f32 v8, v10;
	v10 =	vand.u32 $0xFFFF0000, v15  }
0x1b9: {  	v15 =	vld [tilespmem:s26+$0x146D0];
	v10 =	vadd.f32 v10, v11;
	v11 =	vand.u32 $0xFFFF0000, v12;
	v12 =	vshll.u32 v59, $0x10  }
0x1ba: {  	v11 =	vadd.f32 v11, v13;
	v8 =	vadd.f32 v12, v8;
	v12 =	vshll.u32 v16, $0x10;
	v13 =	vld [tilespmem:s26+$0x146E0]  }
0x1bb: {  	v16 =	vand.u32 $0xFFFF0000, v17;
	v17 =	vld [tilespmem:s26+$0x146F0];
	v10 =	vadd.f32 v12, v10;
	v12 =	vshll.u32 v61, $0x10  }
0x1bc: {  	v11 =	vadd.f32 v12, v11;
	v8 =	vadd.f32 v16, v8;
	v12 =	vand.u32 $0xFFFF0000, v62;
	v16 =	vld [tilespmem:s26+$0x196D0]  }
0x1bd: {  	v19 =	vld [tilespmem:s26+$0x196E0];
	v18 =	vshll.u32 v18, $0x10;
	v10 =	vadd.f32 v12, v10;
	v12 =	vand.u32 $0xFFFF0000, v63  }
0x1be: {  	v11 =	vadd.f32 v12, v11;
	v12 =	vadd.f32 v18, v8;
	v8 =	vshll.u32 v9, $0x10;
	v9 =	vld [tilespmem:s26+$0x196F0]  }
0x1bf: {  	v18 =	vadd.f32 v8, v10;
	v10 =	vshll.u32 v14, $0x10;
	v14 =	vand.u32 $0xFFFF0000, v15;
	v8 =	vld [tilespmem:s20+$0xFFFFFFD0]  }
0x1c0: {  	v15 =	vadd.f32 v10, v11;
	v14 =	vadd.f32 v14, v12;
	v11 =	vand.u32 $0xFFFF0000, v13;
	v10 =	vld [tilespmem:s20+$0xFFFFFFE0]  }
0x1c1: {  	s21 =	simm.s32 $0x4F0;
	v13 =	vand.u32 $0xFFFF0000, v17;
	v12 =	vadd.f32 v11, v18;
	v16 =	vshll.u32 v16, $0x10;
	v11 =	vld [tilespmem:s20+$0xFFFFFFF0]  }
0x1c2: {  	s26 =	simm.s32 $0x1DC0;
	v13 =	vadd.f32 v13, v15;
	v15 =	vld [tilespmem:s21+$0x14500];
	v14 =	vadd.f32 v16, v14;
	v16 =	vshll.u32 v19, $0x10  }
.LBB2_8:
0x1c3: {  	p0 =	sne.s32 s26, $0x13FC0;
	v17 =	vld [tilespmem:s21+$0x19500];
	v12 =	vadd.f32 v16, v12;
	v9 =	vshll.u32 v9, $0x10  }
0x1c4: {  	v16 =	vld [tilespmem:s21+$0x144D0];
	v8 =	vmul.f32 v14, v8;
	v9 =	vadd.f32 v9, v13  }
0x1c5: {  	v13 =	vld [tilespmem:s21+$0x14580];
	v10 =	vmul.f32 v12, v10  }
0x1c6: {  	v12 =	vld [tilespmem:s21+$0x194D0];
	v4 =	vadd.f32 v8, v4;
	v8 =	vmul.f32 v9, v11  }
0x1c7: {  	v9 =	vld [tilespmem:s21+$0x19580];
	v6 =	vadd.f32 v10, v6  }
0x1c8: {  	v11 =	vand.u32 $0xFFFF0000, v15;
	v10 =	vld [tilespmem:s21+$0x144E0];
	v14 =	vshll.u32 v17, $0x10;
	v7 =	vadd.f32 v8, v7  }
0x1c9: {  	v8 =	vand.u32 $0xFFFF0000, v16;
	v11 =	vadd.f32 v14, v11;
	v14 =	vld [tilespmem:s21+$0x14600]  }
0x1ca: {  	v15 =	vld [tilespmem:s21+$0x194E0];
	v13 =	vand.u32 $0xFFFF0000, v13  }
0x1cb: {  	v12 =	vshll.u32 v12, $0x10;
	v11 =	vadd.f32 v13, v11;
	v13 =	vld [tilespmem:s21+$0x19600]  }
0x1cc: {  	v8 =	vadd.f32 v12, v8;
	v12 =	vld [tilespmem:s21+$0x144F0];
	v9 =	vshll.u32 v9, $0x10  }
0x1cd: {  	v10 =	vand.u32 $0xFFFF0000, v10;
	v9 =	vadd.f32 v9, v11;
	v11 =	vld [tilespmem:s21+$0x14680]  }
0x1ce: {  	v16 =	vld [tilespmem:s21+$0x194F0];
	v14 =	vand.u32 $0xFFFF0000, v14  }
0x1cf: {  	v15 =	vshll.u32 v15, $0x10;
	v9 =	vadd.f32 v14, v9;
	v14 =	vld [tilespmem:s21+$0x19680]  }
0x1d0: {  	v17 =	vld [tilespmem:s21+$0x14550];
	v10 =	vadd.f32 v15, v10;
	v13 =	vshll.u32 v13, $0x10  }
0x1d1: {  	v12 =	vand.u32 $0xFFFF0000, v12;
	v9 =	vadd.f32 v13, v9;
	v13 =	vld [tilespmem:s21+$0x14700]  }
0x1d2: {  	v15 =	vld [tilespmem:s21+$0x14560];
	v11 =	vand.u32 $0xFFFF0000, v11  }
0x1d3: {  	v16 =	vshll.u32 v16, $0x10;
	v9 =	vadd.f32 v11, v9;
	v11 =	vld [tilespmem:s21+$0x19700]  }
0x1d4: {  	v12 =	vadd.f32 v16, v12;
	v16 =	vld [tilespmem:s21+$0x14570];
	v14 =	vshll.u32 v14, $0x10  }
0x1d5: {  	s20 =	sadd.s32 $0x80, s20;
	v17 =	vand.u32 $0xFFFF0000, v17;
	v18 =	vld [tilespmem:s21+$0x19550];
	v9 =	vadd.f32 v14, v9  }
0x1d6: {  	v8 =	vadd.f32 v17, v8;
	v13 =	vand.u32 $0xFFFF0000, v13;
	v14 =	vld [tilespmem:s20+$0x0]  }
0x1d7: {  	v15 =	vand.u32 $0xFFFF0000, v15;
	v17 =	vld [tilespmem:s21+$0x19560];
	v9 =	vadd.f32 v13, v9  }
0x1d8: {  	v10 =	vadd.f32 v15, v10;
	v13 =	vld [tilespmem:s21+$0x19570];
	v11 =	vshll.u32 v11, $0x10  }
0x1d9: {  	v15 =	vld [tilespmem:s21+$0x145D0];
	v16 =	vand.u32 $0xFFFF0000, v16;
	v9 =	vadd.f32 v11, v9  }
0x1da: {  	v11 =	vshll.u32 v18, $0x10;
	v18 =	vld [tilespmem:s21+$0x145E0];
	v12 =	vadd.f32 v16, v12  }
0x1db: {  	v8 =	vadd.f32 v11, v8;
	v11 =	vld [tilespmem:s21+$0x145F0];
	v9 =	vmul.f32 v9, v14  }
0x1dc: {  	v14 =	vld [tilespmem:s21+$0x195D0];
	v16 =	vshll.u32 v17, $0x10  }
0x1dd: {  	v10 =	vadd.f32 v16, v10;
	v16 =	vld [tilespmem:s21+$0x195E0];
	v13 =	vshll.u32 v13, $0x10;
	v5 =	vadd.f32 v9, v5  }
0x1de: {  	v9 =	vand.u32 $0xFFFF0000, v15;
	v12 =	vadd.f32 v13, v12;
	v13 =	vld [tilespmem:s21+$0x195F0]  }
0x1df: {  	v8 =	vadd.f32 v9, v8;
	v9 =	vld [tilespmem:s21+$0x14650];
	v15 =	vand.u32 $0xFFFF0000, v18  }
0x1e0: {  	v10 =	vadd.f32 v15, v10;
	v15 =	vld [tilespmem:s21+$0x14660];
	v11 =	vand.u32 $0xFFFF0000, v11  }
0x1e1: {  	v14 =	vshll.u32 v14, $0x10;
	v11 =	vadd.f32 v11, v12;
	v12 =	vld [tilespmem:s21+$0x14670]  }
0x1e2: {  	v8 =	vadd.f32 v14, v8;
	v14 =	vld [tilespmem:s21+$0x19650];
	v16 =	vshll.u32 v16, $0x10  }
0x1e3: {  	v10 =	vadd.f32 v16, v10;
	v16 =	vld [tilespmem:s21+$0x19660];
	v13 =	vshll.u32 v13, $0x10  }
0x1e4: {  	v9 =	vand.u32 $0xFFFF0000, v9;
	v11 =	vadd.f32 v13, v11;
	v13 =	vld [tilespmem:s21+$0x19670]  }
0x1e5: {  	v8 =	vadd.f32 v9, v8;
	v9 =	vld [tilespmem:s21+$0x146D0];
	v15 =	vand.u32 $0xFFFF0000, v15  }
0x1e6: {  	v10 =	vadd.f32 v15, v10;
	v15 =	vld [tilespmem:s21+$0x146E0];
	v12 =	vand.u32 $0xFFFF0000, v12  }
0x1e7: {  	v14 =	vshll.u32 v14, $0x10;
	v11 =	vadd.f32 v12, v11;
	v17 =	vld [tilespmem:s21+$0x146F0]  }
0x1e8: {  	v8 =	vadd.f32 v14, v8;
	v14 =	vld [tilespmem:s21+$0x196D0];
	v12 =	vshll.u32 v16, $0x10  }
0x1e9: {  	v10 =	vadd.f32 v12, v10;
	v16 =	vld [tilespmem:s21+$0x196E0];
	v12 =	vshll.u32 v13, $0x10  }
.Ltmp3:
0x1ea: {  	v13 =	vand.u32 $0xFFFF0000, v9;
	v11 =	vadd.f32 v12, v11;
	v9 =	vld [tilespmem:s21+$0x196F0];
	(pc) =	sbr.rel @p0 .LBB2_8-.Ltmp3, $4  }
0x1eb: {  	v18 =	vadd.f32 v13, v8;
	v8 =	vld [tilespmem:s20+$0xFFFFFFD0];
	v12 =	vand.u32 $0xFFFF0000, v15  }
0x1ec: {  	v12 =	vadd.f32 v12, v10;
	v10 =	vld [tilespmem:s20+$0xFFFFFFE0];
	v13 =	vand.u32 $0xFFFF0000, v17  }
0x1ed: {  	s21 =	sshra.s32 s26, $0x2;
	v14 =	vshll.u32 v14, $0x10;
	v13 =	vadd.f32 v13, v11;
	v11 =	vld [tilespmem:s20+$0xFFFFFFF0]  }
0x1ee: {  	s26 =	sadd.s32 $0xA00, s26;
	v15 =	vld [tilespmem:s21+$0x14500];
	v14 =	vadd.f32 v14, v18;
	v16 =	vshll.u32 v16, $0x10  }
0x1ef: {  	v17 =	vld [tilespmem:s21+$0x19500]  }
0x1f0: {  	v18 =	vld [tilespmem:s21+$0x144D0]  }
0x1f1: {  	v19 =	vld [tilespmem:s21+$0x14580]  }
0x1f2: {  	v20 =	vld [tilespmem:s21+$0x194D0]  }
0x1f3: {  	v21 =	vld [tilespmem:s21+$0x19580]  }
0x1f4: {  	v22 =	vld [tilespmem:s21+$0x144E0]  }
0x1f5: {  	v23 =	vld [tilespmem:s21+$0x14600]  }
0x1f6: {  	v24 =	vld [tilespmem:s21+$0x194E0]  }
0x1f7: {  	v25 =	vld [tilespmem:s21+$0x19600]  }
0x1f8: {  	v26 =	vld [tilespmem:s21+$0x144F0]  }
0x1f9: {  	v27 =	vld [tilespmem:s21+$0x14680]  }
0x1fa: {  	v28 =	vld [tilespmem:s21+$0x194F0]  }
0x1fb: {  	v29 =	vld [tilespmem:s21+$0x19680]  }
0x1fc: {  	v30 =	vld [tilespmem:s21+$0x14550]  }
0x1fd: {  	v31 =	vld [tilespmem:s21+$0x14700]  }
0x1fe: {  	v32 =	vld [tilespmem:s21+$0x14560]  }
0x1ff: {  	v33 =	vld [tilespmem:s21+$0x19700]  }
0x200: {  	v34 =	vld [tilespmem:s21+$0x14570]  }
0x201: {  	v35 =	vld [tilespmem:s21+$0x19550]  }
0x202: {  	v37 =	vld [tilespmem:s21+$0x19560]  }
0x203: {  	v38 =	vld [tilespmem:s21+$0x19570]  }
0x204: {  	v39 =	vld [tilespmem:s21+$0x145D0]  }
0x205: {  	v40 =	vld [tilespmem:s21+$0x145E0]  }
0x206: {  	v41 =	vld [tilespmem:s21+$0x145F0]  }
0x207: {  	v42 =	vld [tilespmem:s21+$0x195D0]  }
0x208: {  	v43 =	vld [tilespmem:s21+$0x195E0]  }
0x209: {  	v44 =	vld [tilespmem:s21+$0x195F0]  }
0x20a: {  	v45 =	vld [tilespmem:s21+$0x14650]  }
0x20b: {  	v46 =	vld [tilespmem:s21+$0x14660]  }
0x20c: {  	v47 =	vld [tilespmem:s21+$0x14670]  }
0x20d: {  	v48 =	vld [tilespmem:s21+$0x19650]  }
0x20e: {  	v49 =	vld [tilespmem:s21+$0x19660]  }
0x20f: {  	v50 =	vld [tilespmem:s21+$0x19670]  }
0x210: {  	v51 =	vld [tilespmem:s21+$0x146D0]  }
0x211: {  	v52 =	vld [tilespmem:s21+$0x146F0];
	v15 =	vand.u32 $0xFFFF0000, v15;
	v17 =	vshll.u32 v17, $0x10  }
0x212: {  	v53 =	vld [tilespmem:s21+$0x196E0];
	v15 =	vadd.f32 v17, v15  }
0x213: {  	s20 =	sadd.s32 $0x80, s20;
	v62 =	vld [tilespmem:s21+$0x196F0];
	v19 =	vand.u32 $0xFFFF0000, v19  }
0x214: {  	v36 =	vld [tilespmem:s20+$0x0];
	v15 =	vadd.f32 v19, v15  }
0x215: {  	v63 =	vld [tilespmem:s20+$0xFFFFFFD0];
	v21 =	vshll.u32 v21, $0x10  }
0x216: {  	v9 =	vshll.u32 v9, $0x10;
	v8 =	vmul.f32 v14, v8;
	v14 =	vld [tilespmem:s20+$0xFFFFFFF0];
	v15 =	vadd.f32 v21, v15  }
0x217: {  	v12 =	vadd.f32 v16, v12;
	v9 =	vadd.f32 v9, v13;
	v16 =	vand.u32 $0xFFFF0000, v23;
	v17 =	vld [tilespmem:s21+$0x146E0]  }
0x218: {  	v19 =	vld [tilespmem:s21+$0x196D0];
	v13 =	vadd.f32 v16, v15  }
0x219: {  	v10 =	vmul.f32 v12, v10;
	v9 =	vmul.f32 v9, v11;
	v12 =	vshll.u32 v25, $0x10;
	v15 =	vld [tilespmem:s20+$0xFFFFFFE0];
	[tilespmem:s23], [sflag:$0x2] =	stream.indirect.gather [hbm4b:s3+s22], $0x80, s31, s22, $0xb8  }
0x21a: {  	v4 =	vadd.f32 v8, v4;
	v11 =	vadd.f32 v12, v13  }
0x21b: {  	v8 =	vadd.f32 v10, v6;
	v6 =	vand.u32 $0xFFFF0000, v27;
	v9 =	vadd.f32 v9, v7;
	[tilespmem:s24], [sflag:$0x2] =	stream.indirect.gather [hbm4b:s3+s22], $0x80, s1, s22, $0xb8;
	[tilespmem:$0x1E800] =	vst v63  }
0x21c: {  	v7 =	vand.u32 $0xFFFF0000, v18;
	v10 =	vshll.u32 v20, $0x10;
	_ =	swait.ge [sflag:s25], $0x5000;
	v6 =	vadd.f32 v6, v11  }
0x21d: {  	v7 =	vadd.f32 v10, v7;
	v10 =	vand.u32 $0xFFFF0000, v22;
	v11 =	vshll.u32 v29, $0x10;
	[sflag:s25] =	ssyncset.done $0x0  }
0x21e: {  	v13 =	vand.u32 $0xFFFF0000, v30;
	[sflag:s25] =	ssyncadd.s32 $0xFFFFB000;
	v6 =	vadd.f32 v11, v6;
	v11 =	vshll.u32 v24, $0x10  }
0x21f: {  	v12 =	vand.u32 $0xFFFF0000, v31;
	v7 =	vadd.f32 v13, v7;
	_ =	swait.ge [sflag:s25], $0x5000;
	v10 =	vadd.f32 v11, v10  }
0x220: {  	v11 =	vand.u32 $0xFFFF0000, v26;
	[sflag:s25] =	ssyncset.done $0x0;
	v6 =	vadd.f32 v12, v6;
	v12 =	vshll.u32 v28, $0x10  }
0x221: {  	s26 =	simm.s32 $0x270;
	v13 =	vand.u32 $0xFFFF0000, v32;
	[sflag:s25] =	ssyncadd.s32 $0xFFFFB000;
	v11 =	vadd.f32 v12, v11;
	v12 =	vshll.u32 v33, $0x10  }
0x222: {  	v10 =	vadd.f32 v13, v10;
	v13 =	vld [tilespmem:s26+$0x19500];
	v6 =	vadd.f32 v12, v6  }
0x223: {  	v18 =	vshll.u32 v37, $0x10;
	v16 =	vand.u32 $0xFFFF0000, v34;
	v37 =	vld [tilespmem:s26+$0x144D0]  }
0x224: {  	s20 =	simm.s32 $0x13730;
	v54 =	vld [tilespmem:s26+$0x14570];
	v11 =	vadd.f32 v16, v11;
	v16 =	vshll.u32 v35, $0x10;
	v6 =	vmul.f32 v6, v36  }
0x225: {  	v53 =	vshll.u32 v53, $0x10;
	v55 =	vld [tilespmem:s20+$0x0];
	v10 =	vadd.f32 v18, v10;
	v7 =	vadd.f32 v16, v7  }
0x226: {  	v57 =	vld [tilespmem:s26+$0x145D0];
	v18 =	vshll.u32 v38, $0x10;
	v5 =	vadd.f32 v6, v5;
	v6 =	vand.u32 $0xFFFF0000, v39  }
0x227: {  	v60 =	vld [tilespmem:s26+$0x195D0];
	v11 =	vadd.f32 v18, v11;
	v6 =	vadd.f32 v6, v7;
	v7 =	vand.u32 $0xFFFF0000, v40  }
0x228: {  	v21 =	vshll.u32 v62, $0x10;
	v62 =	vld [tilespmem:s26+$0x195F0];
	v7 =	vadd.f32 v7, v10;
	v10 =	vand.u32 $0xFFFF0000, v41  }
0x229: {  	v12 =	vld [tilespmem:s26+$0x14500];
	v40 =	vshll.u32 v42, $0x10;
	v10 =	vadd.f32 v10, v11;
	v11 =	vshll.u32 v43, $0x10  }
0x22a: {  	v16 =	vld [tilespmem:s26+$0x14580];
	v6 =	vadd.f32 v40, v6;
	v7 =	vadd.f32 v11, v7;
	v11 =	vshll.u32 v44, $0x10  }
0x22b: {  	v18 =	vld [tilespmem:s26+$0x19580];
	v43 =	vand.u32 $0xFFFF0000, v45;
	v10 =	vadd.f32 v11, v10;
	v11 =	vand.u32 $0xFFFF0000, v46  }
0x22c: {  	v39 =	vld [tilespmem:s26+$0x194D0];
	v6 =	vadd.f32 v43, v6;
	v7 =	vadd.f32 v11, v7;
	v11 =	vand.u32 $0xFFFF0000, v47  }
0x22d: {  	v42 =	vld [tilespmem:s26+$0x14600];
	v46 =	vshll.u32 v48, $0x10;
	v10 =	vadd.f32 v11, v10;
	v11 =	vshll.u32 v49, $0x10  }
0x22e: {  	v41 =	vld [tilespmem:s26+$0x144E0];
	v7 =	vadd.f32 v11, v7;
	v11 =	vand.u32 $0xFFFF0000, v12;
	v12 =	vshll.u32 v13, $0x10  }
0x22f: {  	v17 =	vand.u32 $0xFFFF0000, v17;
	v45 =	vld [tilespmem:s26+$0x19600];
	v6 =	vadd.f32 v46, v6;
	v11 =	vadd.f32 v12, v11  }
0x230: {  	v16 =	vand.u32 $0xFFFF0000, v16;
	v44 =	vld [tilespmem:s26+$0x194E0];
	v49 =	vshll.u32 v50, $0x10;
	v50 =	vand.u32 $0xFFFF0000, v51  }
0x231: {  	v19 =	vshll.u32 v19, $0x10;
	v48 =	vld [tilespmem:s26+$0x14680];
	v6 =	vadd.f32 v50, v6;
	v11 =	vadd.f32 v16, v11  }
0x232: {  	v47 =	vld [tilespmem:s26+$0x144F0];
	v10 =	vadd.f32 v49, v10;
	v7 =	vadd.f32 v17, v7;
	v17 =	vshll.u32 v18, $0x10  }
0x233: {  	v51 =	vld [tilespmem:s26+$0x14550];
	v6 =	vadd.f32 v19, v6;
	v19 =	vand.u32 $0xFFFF0000, v52;
	v11 =	vadd.f32 v17, v11  }
0x234: {  	v13 =	vld [tilespmem:s26+$0x194F0];
	v10 =	vadd.f32 v19, v10;
	v7 =	vadd.f32 v53, v7;
	v19 =	vand.u32 $0xFFFF0000, v42  }
0x235: {  	v24 =	vand.u32 $0xFFFF0000, v54;
	v12 =	vld [tilespmem:s26+$0x19680];
	v6 =	vmul.f32 v6, v63;
	v11 =	vadd.f32 v19, v11  }
0x236: {  	v18 =	vld [tilespmem:s26+$0x14560];
	v10 =	vadd.f32 v21, v10;
	v7 =	vmul.f32 v7, v15;
	v15 =	vshll.u32 v45, $0x10  }
0x237: {  	v56 =	vshll.u32 v39, $0x10;
	v16 =	vld [tilespmem:s26+$0x14700];
	v6 =	vadd.f32 v6, v4;
	v4 =	vadd.f32 v15, v11  }
0x238: {  	v17 =	vld [tilespmem:s26+$0x19700];
	v10 =	vmul.f32 v10, v14;
	v7 =	vadd.f32 v7, v8;
	v8 =	vand.u32 $0xFFFF0000, v48  }
0x239: {  	v58 =	vshll.u32 v44, $0x10;
	v59 =	vand.u32 $0xFFFF0000, v47;
	v63 =	vld [tilespmem:s26+$0x14670];
	v8 =	vadd.f32 v8, v4  }
0x23a: {  	v13 =	vshll.u32 v13, $0x10;
	v14 =	vld [tilespmem:s26+$0x19570];
	v4 =	vadd.f32 v10, v9;
	v10 =	vshll.u32 v12, $0x10  }
0x23b: {  	v13 =	vadd.f32 v13, v59;
	v19 =	vld [tilespmem:s26+$0x19550];
	v15 =	vand.u32 $0xFFFF0000, v37;
	v8 =	vadd.f32 v10, v8  }
0x23c: {  	v16 =	vand.u32 $0xFFFF0000, v16;
	v11 =	vld [tilespmem:s26+$0x19560];
	v9 =	vadd.f32 v56, v15;
	v15 =	vand.u32 $0xFFFF0000, v41  }
0x23d: {  	v61 =	vand.u32 $0xFFFF0000, v51;
	v12 =	vld [tilespmem:s26+$0x145E0];
	v15 =	vadd.f32 v58, v15;
	v8 =	vadd.f32 v16, v8  }
0x23e: {  	v18 =	vand.u32 $0xFFFF0000, v18;
	v13 =	vadd.f32 v24, v13;
	v17 =	vshll.u32 v17, $0x10;
	v10 =	vld [tilespmem:s26+$0x145F0]  }
0x23f: {  	v14 =	vshll.u32 v14, $0x10;
	v15 =	vadd.f32 v18, v15;
	v18 =	vld [tilespmem:s26+$0x14660];
	v8 =	vadd.f32 v17, v8  }
0x240: {  	v9 =	vadd.f32 v61, v9;
	v13 =	vadd.f32 v14, v13;
	v14 =	vld [tilespmem:s26+$0x146D0]  }
0x241: {  	v19 =	vshll.u32 v19, $0x10;
	v16 =	vld [tilespmem:s26+$0x195E0];
	v8 =	vmul.f32 v8, v55  }
0x242: {  	v11 =	vshll.u32 v11, $0x10;
	v9 =	vadd.f32 v19, v9;
	v17 =	vld [tilespmem:s26+$0x14650]  }
0x243: {  	v19 =	vld [tilespmem:s26+$0x19660];
	v11 =	vadd.f32 v11, v15;
	v5 =	vadd.f32 v8, v5;
	v8 =	vand.u32 $0xFFFF0000, v57  }
0x244: {  	v15 =	vld [tilespmem:s26+$0x19650];
	v10 =	vand.u32 $0xFFFF0000, v10;
	v8 =	vadd.f32 v8, v9;
	v9 =	vand.u32 $0xFFFF0000, v12  }
0x245: {  	v10 =	vadd.f32 v10, v13;
	v13 =	vld [tilespmem:s26+$0x146E0];
	v9 =	vadd.f32 v9, v11;
	v11 =	vshll.u32 v60, $0x10  }
0x246: {  	v12 =	vld [tilespmem:s26+$0x19670];
	v8 =	vadd.f32 v11, v8;
	v11 =	vshll.u32 v16, $0x10  }
0x247: {  	v16 =	vand.u32 $0xFFFF0000, v17;
	v17 =	vld [tilespmem:s26+$0x146F0];
	v9 =	vadd.f32 v11, v9;
	v11 =	vshll.u32 v62, $0x10  }
0x248: {  	v10 =	vadd.f32 v11, v10;
	v8 =	vadd.f32 v16, v8;
	v11 =	vand.u32 $0xFFFF0000, v18;
	v16 =	vld [tilespmem:s26+$0x196D0]  }
0x249: {  	v15 =	vshll.u32 v15, $0x10;
	v18 =	vld [tilespmem:s26+$0x196E0];
	v9 =	vadd.f32 v11, v9;
	v11 =	vand.u32 $0xFFFF0000, v63  }
0x24a: {  	v11 =	vadd.f32 v11, v10;
	v15 =	vadd.f32 v15, v8;
	v10 =	vshll.u32 v19, $0x10;
	v8 =	vld [tilespmem:s26+$0x196F0]  }
0x24b: {  	v14 =	vand.u32 $0xFFFF0000, v14;
	v12 =	vshll.u32 v12, $0x10;
	v9 =	vadd.f32 v10, v9;
	v10 =	vld [tilespmem:s20+$0xFFFFFFD0]  }
0x24c: {  	v13 =	vand.u32 $0xFFFF0000, v13;
	v12 =	vadd.f32 v12, v11;
	v15 =	vadd.f32 v14, v15;
	v11 =	vld [tilespmem:s20+$0xFFFFFFE0]  }
0x24d: {  	s21 =	simm.s32 $0x4F0;
	v14 =	vand.u32 $0xFFFF0000, v17;
	v13 =	vadd.f32 v13, v9;
	v16 =	vshll.u32 v16, $0x10;
	v9 =	vld [tilespmem:s20+$0xFFFFFFF0]  }
0x24e: {  	s26 =	simm.s32 $0x1DC0;
	v12 =	vadd.f32 v14, v12;
	v14 =	vld [tilespmem:s21+$0x14500];
	v15 =	vadd.f32 v16, v15;
	v16 =	vshll.u32 v18, $0x10  }
.LBB2_10:
0x24f: {  	p0 =	sne.s32 s26, $0x13FC0;
	v17 =	vld [tilespmem:s21+$0x19500];
	v13 =	vadd.f32 v16, v13;
	v8 =	vshll.u32 v8, $0x10  }
0x250: {  	v16 =	vld [tilespmem:s21+$0x144D0];
	v10 =	vmul.f32 v15, v10;
	v8 =	vadd.f32 v8, v12  }
0x251: {  	v12 =	vld [tilespmem:s21+$0x14580];
	v11 =	vmul.f32 v13, v11  }
0x252: {  	v13 =	vld [tilespmem:s21+$0x194D0];
	v6 =	vadd.f32 v10, v6;
	v8 =	vmul.f32 v8, v9  }
0x253: {  	v9 =	vld [tilespmem:s21+$0x19580];
	v7 =	vadd.f32 v11, v7  }
0x254: {  	v11 =	vand.u32 $0xFFFF0000, v14;
	v10 =	vld [tilespmem:s21+$0x144E0];
	v14 =	vshll.u32 v17, $0x10;
	v4 =	vadd.f32 v8, v4  }
0x255: {  	v8 =	vand.u32 $0xFFFF0000, v16;
	v11 =	vadd.f32 v14, v11;
	v14 =	vld [tilespmem:s21+$0x14600]  }
0x256: {  	v15 =	vld [tilespmem:s21+$0x194E0];
	v12 =	vand.u32 $0xFFFF0000, v12  }
0x257: {  	v13 =	vshll.u32 v13, $0x10;
	v11 =	vadd.f32 v12, v11;
	v12 =	vld [tilespmem:s21+$0x19600]  }
0x258: {  	v8 =	vadd.f32 v13, v8;
	v13 =	vld [tilespmem:s21+$0x144F0];
	v9 =	vshll.u32 v9, $0x10  }
0x259: {  	v10 =	vand.u32 $0xFFFF0000, v10;
	v9 =	vadd.f32 v9, v11;
	v11 =	vld [tilespmem:s21+$0x14680]  }
0x25a: {  	v16 =	vld [tilespmem:s21+$0x194F0];
	v14 =	vand.u32 $0xFFFF0000, v14  }
0x25b: {  	v15 =	vshll.u32 v15, $0x10;
	v9 =	vadd.f32 v14, v9;
	v14 =	vld [tilespmem:s21+$0x19680]  }
0x25c: {  	v17 =	vld [tilespmem:s21+$0x14550];
	v10 =	vadd.f32 v15, v10;
	v12 =	vshll.u32 v12, $0x10  }
0x25d: {  	v13 =	vand.u32 $0xFFFF0000, v13;
	v9 =	vadd.f32 v12, v9;
	v12 =	vld [tilespmem:s21+$0x14700]  }
0x25e: {  	v15 =	vld [tilespmem:s21+$0x14560];
	v11 =	vand.u32 $0xFFFF0000, v11  }
0x25f: {  	v16 =	vshll.u32 v16, $0x10;
	v9 =	vadd.f32 v11, v9;
	v11 =	vld [tilespmem:s21+$0x19700]  }
0x260: {  	v13 =	vadd.f32 v16, v13;
	v16 =	vld [tilespmem:s21+$0x14570];
	v14 =	vshll.u32 v14, $0x10  }
0x261: {  	s20 =	sadd.s32 $0x80, s20;
	v17 =	vand.u32 $0xFFFF0000, v17;
	v18 =	vld [tilespmem:s21+$0x19550];
	v9 =	vadd.f32 v14, v9  }
0x262: {  	v8 =	vadd.f32 v17, v8;
	v12 =	vand.u32 $0xFFFF0000, v12;
	v14 =	vld [tilespmem:s20+$0x0]  }
0x263: {  	v15 =	vand.u32 $0xFFFF0000, v15;
	v17 =	vld [tilespmem:s21+$0x19560];
	v9 =	vadd.f32 v12, v9  }
0x264: {  	v10 =	vadd.f32 v15, v10;
	v12 =	vld [tilespmem:s21+$0x19570];
	v11 =	vshll.u32 v11, $0x10  }
0x265: {  	v15 =	vld [tilespmem:s21+$0x145D0];
	v16 =	vand.u32 $0xFFFF0000, v16;
	v9 =	vadd.f32 v11, v9  }
0x266: {  	v11 =	vshll.u32 v18, $0x10;
	v18 =	vld [tilespmem:s21+$0x145E0];
	v13 =	vadd.f32 v16, v13  }
0x267: {  	v8 =	vadd.f32 v11, v8;
	v11 =	vld [tilespmem:s21+$0x145F0];
	v9 =	vmul.f32 v9, v14  }
0x268: {  	v14 =	vld [tilespmem:s21+$0x195D0];
	v16 =	vshll.u32 v17, $0x10  }
0x269: {  	v10 =	vadd.f32 v16, v10;
	v16 =	vld [tilespmem:s21+$0x195E0];
	v12 =	vshll.u32 v12, $0x10;
	v5 =	vadd.f32 v9, v5  }
0x26a: {  	v9 =	vand.u32 $0xFFFF0000, v15;
	v12 =	vadd.f32 v12, v13;
	v13 =	vld [tilespmem:s21+$0x195F0]  }
0x26b: {  	v8 =	vadd.f32 v9, v8;
	v9 =	vld [tilespmem:s21+$0x14650];
	v15 =	vand.u32 $0xFFFF0000, v18  }
0x26c: {  	v10 =	vadd.f32 v15, v10;
	v15 =	vld [tilespmem:s21+$0x14660];
	v11 =	vand.u32 $0xFFFF0000, v11  }
0x26d: {  	v14 =	vshll.u32 v14, $0x10;
	v11 =	vadd.f32 v11, v12;
	v12 =	vld [tilespmem:s21+$0x14670]  }
0x26e: {  	v8 =	vadd.f32 v14, v8;
	v14 =	vld [tilespmem:s21+$0x19650];
	v16 =	vshll.u32 v16, $0x10  }
0x26f: {  	v10 =	vadd.f32 v16, v10;
	v16 =	vld [tilespmem:s21+$0x19660];
	v13 =	vshll.u32 v13, $0x10  }
0x270: {  	v9 =	vand.u32 $0xFFFF0000, v9;
	v11 =	vadd.f32 v13, v11;
	v13 =	vld [tilespmem:s21+$0x19670]  }
0x271: {  	v8 =	vadd.f32 v9, v8;
	v9 =	vld [tilespmem:s21+$0x146D0];
	v15 =	vand.u32 $0xFFFF0000, v15  }
0x272: {  	v10 =	vadd.f32 v15, v10;
	v15 =	vld [tilespmem:s21+$0x146E0];
	v12 =	vand.u32 $0xFFFF0000, v12  }
0x273: {  	v14 =	vshll.u32 v14, $0x10;
	v11 =	vadd.f32 v12, v11;
	v12 =	vld [tilespmem:s21+$0x146F0]  }
0x274: {  	v14 =	vadd.f32 v14, v8;
	v17 =	vld [tilespmem:s21+$0x196D0];
	v8 =	vshll.u32 v16, $0x10  }
0x275: {  	v16 =	vadd.f32 v8, v10;
	v18 =	vld [tilespmem:s21+$0x196E0];
	v8 =	vshll.u32 v13, $0x10  }
.Ltmp4:
0x276: {  	v9 =	vand.u32 $0xFFFF0000, v9;
	v19 =	vadd.f32 v8, v11;
	v8 =	vld [tilespmem:s21+$0x196F0];
	(pc) =	sbr.rel @p0 .LBB2_10-.Ltmp4, $4  }
0x277: {  	v20 =	vadd.f32 v9, v14;
	v10 =	vld [tilespmem:s20+$0xFFFFFFD0];
	v9 =	vand.u32 $0xFFFF0000, v15  }
0x278: {  	v13 =	vadd.f32 v9, v16;
	v11 =	vld [tilespmem:s20+$0xFFFFFFE0];
	v9 =	vand.u32 $0xFFFF0000, v12  }
0x279: {  	s21 =	sshra.s32 s26, $0x2;
	v15 =	vshll.u32 v17, $0x10;
	v12 =	vadd.f32 v9, v19;
	v9 =	vld [tilespmem:s20+$0xFFFFFFF0]  }
0x27a: {  	s26 =	sadd.s32 $0xA00, s26;
	v14 =	vld [tilespmem:s21+$0x14500];
	v15 =	vadd.f32 v15, v20;
	v16 =	vshll.u32 v18, $0x10  }
0x27b: {  	v17 =	vld [tilespmem:s21+$0x19500]  }
0x27c: {  	v18 =	vld [tilespmem:s21+$0x144D0]  }
0x27d: {  	v19 =	vld [tilespmem:s21+$0x14580]  }
0x27e: {  	v20 =	vld [tilespmem:s21+$0x194D0]  }
0x27f: {  	v21 =	vld [tilespmem:s21+$0x19580]  }
0x280: {  	v22 =	vld [tilespmem:s21+$0x144E0]  }
0x281: {  	v23 =	vld [tilespmem:s21+$0x14600]  }
0x282: {  	v24 =	vld [tilespmem:s21+$0x194E0]  }
0x283: {  	v25 =	vld [tilespmem:s21+$0x19600]  }
0x284: {  	v26 =	vld [tilespmem:s21+$0x144F0]  }
0x285: {  	v27 =	vld [tilespmem:s21+$0x14680]  }
0x286: {  	v28 =	vld [tilespmem:s21+$0x194F0]  }
0x287: {  	v29 =	vld [tilespmem:s21+$0x19680]  }
0x288: {  	v30 =	vld [tilespmem:s21+$0x14550]  }
0x289: {  	v31 =	vld [tilespmem:s21+$0x14700]  }
0x28a: {  	v32 =	vld [tilespmem:s21+$0x14560]  }
0x28b: {  	v33 =	vld [tilespmem:s21+$0x14570];
	v13 =	vadd.f32 v16, v13;
	v8 =	vshll.u32 v8, $0x10  }
0x28c: {  	v36 =	vld [tilespmem:s21+$0x19550];
	v10 =	vmul.f32 v15, v10;
	v8 =	vadd.f32 v8, v12  }
0x28d: {  	v38 =	vld [tilespmem:s21+$0x19560];
	v11 =	vmul.f32 v13, v11  }
0x28e: {  	v40 =	vld [tilespmem:s21+$0x19570];
	v6 =	vadd.f32 v10, v6;
	v8 =	vmul.f32 v8, v9  }
0x28f: {  	v42 =	vld [tilespmem:s21+$0x145D0];
	v14 =	vand.u32 $0xFFFF0000, v14;
	v7 =	vadd.f32 v11, v7;
	v17 =	vshll.u32 v17, $0x10  }
0x290: {  	v43 =	vld [tilespmem:s21+$0x145E0];
	v19 =	vand.u32 $0xFFFF0000, v19;
	v37 =	vshll.u32 v21, $0x10;
	v41 =	vand.u32 $0xFFFF0000, v23  }
0x291: {  	v47 =	vld [tilespmem:s21+$0x145F0];
	v44 =	vand.u32 $0xFFFF0000, v18;
	v45 =	vshll.u32 v20, $0x10;
	v46 =	vshll.u32 v25, $0x10  }
0x292: {  	v49 =	vld [tilespmem:s21+$0x195D0];
	v50 =	vand.u32 $0xFFFF0000, v22;
	v51 =	vshll.u32 v24, $0x10;
	v52 =	vand.u32 $0xFFFF0000, v27  }
0x293: {  	v53 =	vld [tilespmem:s21+$0x195E0];
	v54 =	vand.u32 $0xFFFF0000, v26;
	v55 =	vshll.u32 v28, $0x10;
	v58 =	vshll.u32 v29, $0x10  }
0x294: {  	v56 =	vld [tilespmem:s21+$0x195F0];
	v60 =	vand.u32 $0xFFFF0000, v30;
	v61 =	vand.u32 $0xFFFF0000, v32;
	v63 =	vand.u32 $0xFFFF0000, v33  }
0x295: {  	v59 =	vld [tilespmem:s21+$0x14650];
	v16 =	vshll.u32 v36, $0x10;
	v12 =	vand.u32 $0xFFFF0000, v42;
	v14 =	vadd.f32 v17, v14  }
0x296: {  	v62 =	vld [tilespmem:s21+$0x14660];
	v11 =	vand.u32 $0xFFFF0000, v43;
	v48 =	vadd.f32 v45, v44;
	v15 =	vadd.f32 v51, v50  }
0x297: {  	v28 =	vld [tilespmem:s21+$0x14670];
	v33 =	vand.u32 $0xFFFF0000, v47;
	v57 =	vadd.f32 v55, v54;
	v14 =	vadd.f32 v19, v14  }
0x298: {  	v29 =	vld [tilespmem:s21+$0x19650];
	v13 =	vshll.u32 v49, $0x10;
	v9 =	vadd.f32 v60, v48;
	v15 =	vadd.f32 v61, v15  }
0x299: {  	v30 =	vld [tilespmem:s21+$0x19660];
	v18 =	vadd.f32 v63, v57;
	v19 =	vshll.u32 v38, $0x10;
	v39 =	vadd.f32 v37, v14  }
0x29a: {  	v34 =	vld [tilespmem:s21+$0x146D0];
	v9 =	vadd.f32 v16, v9;
	v15 =	vadd.f32 v19, v15;
	v14 =	vshll.u32 v40, $0x10  }
0x29b: {  	v32 =	vld [tilespmem:s21+$0x19670];
	v35 =	vshll.u32 v53, $0x10;
	v37 =	vshll.u32 v56, $0x10;
	v14 =	vadd.f32 v14, v18  }
0x29c: {  	v36 =	vld [tilespmem:s21+$0x146E0];
	v40 =	vand.u32 $0xFFFF0000, v62;
	v9 =	vadd.f32 v12, v9;
	v11 =	vadd.f32 v11, v15  }
0x29d: {  	v43 =	vld [tilespmem:s21+$0x196E0];
	v42 =	vand.u32 $0xFFFF0000, v28;
	v44 =	vshll.u32 v29, $0x10;
	v12 =	vadd.f32 v33, v14  }
0x29e: {  	v17 =	vld [tilespmem:s21+$0x19700];
	v45 =	vshll.u32 v30, $0x10;
	v9 =	vadd.f32 v13, v9;
	v11 =	vadd.f32 v35, v11  }
0x29f: {  	v38 =	vld [tilespmem:s21+$0x146F0];
	v10 =	vadd.f32 v41, v39;
	v39 =	vand.u32 $0xFFFF0000, v59;
	v12 =	vadd.f32 v37, v12  }
0x2a0: {  	s20 =	sadd.s32 $0x80, s20;
	v47 =	vshll.u32 v32, $0x10;
	v41 =	vld [tilespmem:s21+$0x196D0];
	v9 =	vadd.f32 v39, v9;
	v11 =	vadd.f32 v40, v11  }
0x2a1: {  	v50 =	vld [tilespmem:s20+$0xFFFFFFE0];
	v49 =	vand.u32 $0xFFFF0000, v36;
	v10 =	vadd.f32 v46, v10;
	v12 =	vadd.f32 v42, v12  }
0x2a2: {  	v54 =	vshll.u32 v43, $0x10;
	v46 =	vld [tilespmem:s21+$0x196F0];
	v9 =	vadd.f32 v44, v9;
	v11 =	vadd.f32 v45, v11  }
0x2a3: {  	v48 =	vld [tilespmem:s20+$0xFFFFFFD0];
	v15 =	vand.u32 $0xFFFF0000, v34;
	v10 =	vadd.f32 v52, v10;
	v12 =	vadd.f32 v47, v12  }
0x2a4: {  	v51 =	vand.u32 $0xFFFF0000, v38;
	v9 =	vadd.f32 v15, v9;
	v11 =	vadd.f32 v49, v11  }
0x2a5: {  	v53 =	vld [tilespmem:s20+$0xFFFFFFF0];
	v52 =	vshll.u32 v41, $0x10;
	v10 =	vadd.f32 v58, v10;
	v12 =	vadd.f32 v51, v12  }
0x2a6: {  	v55 =	vand.u32 $0xFFFF0000, v31;
	v9 =	vadd.f32 v52, v9;
	v11 =	vadd.f32 v54, v11  }
0x2a7: {  	v56 =	vld [tilespmem:s20+$0x0];
	v57 =	vshll.u32 v17, $0x10;
	v16 =	vshll.u32 v46, $0x10;
	v10 =	vadd.f32 v55, v10  }
0x2a8: {  	v12 =	vadd.f32 v16, v12;
	v9 =	vmul.f32 v9, v48;
	v11 =	vmul.f32 v11, v50  }
0x2a9: {  	v4 =	vadd.f32 v8, v4;
	v58 =	vadd.f32 v57, v10  }
0x2aa: {  	v59 =	vmul.f32 v12, v53;
	v6 =	vadd.f32 v9, v6;
	v7 =	vadd.f32 v11, v7  }
0x2ab: {  	v2 =	vadd.f32 v3, v2  }
0x2ac: {  	v60 =	vmul.f32 v58, v56;
	v4 =	vadd.f32 v59, v4;
	v6 =	vadd.f32 v7, v6  }
0x2ad: {  	v1 =	vadd.f32 v1, v2  }
0x2ae: {  	v61 =	vadd.f32 v60, v5;
	v62 =	vadd.f32 v4, v6  }
0x2af: {  	v0 =	vadd.f32 v0, v1  }
0x2b0: {  	s19 =	sadd.s32 $0x1, s19;
	v63 =	vadd.f32 v61, v62  }
0x2b1: {  	p0 =	sne.s32 s19, s11;
	[tilespmem:$0x1E700] =	vst v0  }
.Ltmp5:
0x2b2: {  	[tilespmem:$0x1E780] =	vst v63;
	(pc) =	sbr.rel @p0 .LBB2_1-.Ltmp5, $4  }
0x2b3: {  	[hbm4b:s10+s2] =	stream.linear.scatter [tilespmem:s0], [sflag:$0x3], $0x100, $0x38;
	[tilespmem:$0x1E800] =	vst v63  }
0x2b4: {  	_ =	swait.ge [sflag:s18], $0x100  }
0x2b5: {  	[sflag:s18] =	ssyncset.done $0x0  }
0x2b6: {  	[sflag:s18] =	ssyncadd.s32 $0xFFFFFF00  }
0x2b7: {  	_ =	sfence.sel $0x180000  }
0x2b8: {  	[bflag:$0x0] =	sbarrier.arrive $0xFFFF  }
0x2b9: {  	_ =	strace $0x9000004A  }
0x2ba: {  	s0 =	stileid.u32;
	[bflag:$0x2] =	sbarrier.arrive $0xFFFF  }
0x2bb: {  	p0 =	sne.s32 s0, $0x0;
	s0 =	rddreg [dreg:$0x1]  }
0x2bc: {  	s0 =	sadd.s32 @!p0 $0x100000, s0  }
0x2bd: {  	[sflag:s0] =	ssyncadd.tile.s32 @!p0 $0x1;
	_ =	shalt  }
.Lfunc_end2:
_tile_overlayer_lowered:
.L_overlay_start_2:
0x2be: {  	(tag) =	ssettag $0x2  }
0x2bf: {  	s0 =	rddreg [dreg:$0x0];
	s2 =	stileid.u32  }
0x2c0: {  	s1 =	rddreg [dreg:$0x1];
	p0 =	sne.s32 s2, $0x0  }
0x2c1: {  	s3 =	rddreg [dreg:$0x2];
	[bflag:$0x3] =	sbarrier.arrive $0xFFFF;
	s2 =	simm.s32 @!p0 $0x1C03  }
0x2c2: {  	[timem:s3], [sflag:s2] =	dma.local @!p0 [hbm:s0], s1  }
0x2c3: {  	s0 =	simm.s32 @!p0 $0x3  }
0x2c4: {  	_ =	swait.ge @!p0 [sflag:s0], s1  }
0x2c5: {  	s1 =	ssub.s32 @!p0 $0x0, s1;
	[sflag:s0] =	ssyncset.done @!p0 $0x0  }
0x2c6: {  	[sflag:s0] =	ssyncadd.s32 @!p0 s1  }
0x2c7: {  	[bflag:$0x3] =	sbarrier.arrive $0xFFFF  }
0x2c8: {  	_ =	shalt  }

// kernel: sparse-core-data-format-call.cloned.1.call-start
scs
called_computation_lowered:
.L_overlay_start_0:
0x0: {  	s1 =	sld [smem:$0x3FD9]  }
0x1: {  	s2 =	sld [smem:$0x3FFE];
	_ =	sdelay $0x1  }
0x2: {  	s3 =	srdreg.scid  }
0x3: {  	s0 =	sand.u32 $0x1, s3  }
0x4: {  	s17 =	sshll.u32 s0, $0xA;
	s1 =	sadd.s32 s2, s1  }
0x5: {  	s1 =	sadd.s32 s1, s17  }
0x6: {  	[smem:$0x3FC1] =	sst s1  }
0x7: {  	_ = 	snop  }
0x8: {  	(tm) =	ssettm $0x1  }
0x9: {  	s18 =	sld [smem:$0x3FFB];
	_ =	sdelay $0x3  }
0xa: {  	_ =	strace s18  }
0xb: {  	s1 =	sld [smem:$0x3FFC];
	_ =	sdelay $0x3  }
0xc: {  	_ =	strace s1  }
0xd: {  	s1 =	sld [smem:$0x3FFD];
	_ =	sdelay $0x3  }
0xe: {  	_ =	strace s1  }
0xf: {  	_ =	strace $0x8FFFFFFF  }
0x10: {  	s19 =	sld [smem:$0x3FDB];
	_ =	sdelay $0x1  }
0x11: {  	s20 =	simm.s32 $_scs_section_size  }
0x12: {  	s4 =	simm.s32 $_size__tile_overlayer_lowered;
	s5 =	simm.s32 $_tile_overlayer_lowered  }
0x13: {  	s23 =	simm.s32 $0x1BFF;
	s22 =	sshll.u32 s5, $0x1;
	s1 =	sadd.s32 s20, s19  }
0x14: {  	s6 =	simm.s32 $0x0;
	s21 =	sshll.u32 s4, $0x1;
	s4 =	sadd.s32 s22, s1  }
0x15: {  	[timem:s6], [sflag:s23] =	dma.local [hbm:s4], s21  }
0x16: {  	_ =	swait.ge [sflag:s23], s21  }
0x17: {  	s2 =	ssub.s32 $0x0, s21;
	[sflag:s23] =	ssyncset.done $0x0  }
0x18: {  	[sflag:s23] =	ssyncadd.s32 s2;
	_ =	sdelay $0x1  }
0x19: {  	s24 =	simm.s32 $0x1B8B  }
0x1a: {  	_ =	swait.ge [sflag:s24], $0x1  }
0x1b: {  	[sflag:s24] =	ssyncset.done $0x0  }
0x1c: {  	s26 =	simm.s32 $0x1B8E;
	s25 =	sld [smem:$0x3FFE];
	[sflag:s24] =	ssyncadd.s32 $0xFFFFFFFF  }
0x1d: {  	s27 =	simm.s32 $execute0_lowered;
	[smem:$0x3FD2] =	sst s26  }
0x1e: {  	s4 =	sshll.u32 s27, $0x1;
	_ =	strace $0x80000046;
	[dreg:$0x1] =	wrdreg $0xFFFFFFFF  }
0x1f: {  	s28 =	simm.s32 $_size_execute0_lowered;
	s1 =	sadd.s32 s1, s4;
	[dreg:$0x0] =	wrdreg $0x0  }
0x20: {  	s4 =	sshll.u32 s28, $0x1;
	[dreg:$0x2] =	wrdreg s1  }
0x21: {  	[dreg:$0x3] =	wrdreg s4  }
0x22: {  	[dreg:$0x4] =	wrdreg $0xC0  }
0x23: {  	_ =	task [dreg:s6], $0x5FFFF  }
0x24: {  	[dreg:$0x1] =	wrdreg $0xFFFFFFFF  }
0x25: {  	[dreg:$0x0] =	wrdreg $0x60  }
0x26: {  	[dreg:$0x2] =	wrdreg s25  }
0x27: {  	[dreg:$0x3] =	wrdreg $0x9  }
0x28: {  	_ =	task.clear_ibuf [dreg:s6], $0x4FFFF;
	_ =	strace $0x90000046  }
0x29: {  	s29 =	simm.s32 $0x9;
	_ =	strace $0x80000048  }
0x2a: {  	_ =	swait.ge [sflag:s29], $0x1  }
0x2b: {  	[sflag:s29] =	ssyncadd.s32 $0xFFFFFFFF  }
0x2c: {  	_ =	strace $0x90000048  }
0x2d: {  	_ =	sfence  }
0x2e: {  	s30 =	sld [smem:$0x0];
	_ =	sdelay $0x2  }
0x2f: {  	s31 =	sshll.u32 s3, $0xD;
	s3 =	sshrl.u32 s3, $0x2  }
0x30: {  	s2 =	sand.u32 $0x4000, s31;
	s1 =	sadd.s32 s3, s30  }
0x31: {  	s0 =	sor.u32 s2, s0;
	s1 =	sshll.u32 s1, $0x11  }
0x32: {  	s0 =	sor.u32 s1, s0  }
0x33: {  	s0 =	sadd.s32 $0x8F2B, s0  }
0x34: {  	[sflag:s0] =	ssyncadd.remote.s32 $0x1  }
0x35: {  	_ =	sfence.sel $0xFFFF  }
0x36: {  	[dreg:$0x0] =	wrdreg $0xFFFFFFFF;
	(pc) =	sbr.abs _section_cstart, $3  }
0x37: {  	[dreg:$0x1] =	wrdreg $0xFFFFFFFF  }
0x38: {  	_ =	task.clear_ibuf [dreg:s6], $0x2FFFF;
	_ =	strace $0x9FFFFFFF  }
0x39: {  	(tm) =	ssettm $0x7FFFFFFF  }
tec
execute0_lowered:
.L_overlay_start_1:
0x0: {  	(tag) =	ssettag $0x1  }
0x1: {  	s0 =	srdreg.scid  }
0x2: {  	s4 =	rddreg [dreg:$0x0];
	s1 =	stileid.u32  }
0x3: {  	s5 =	simm.s32 $0x1;
	s7 =	simm.s32 $0x2;
	s14 =	simm.s32 $0x0  }
0x4: {  	p0 =	por $0x0, $0x0;
	s13 =	simm.s32 $0x0;
	s0 =	sshll.u32 s0, $0x4  }
0x5: {  	s8 =	simm.s32 $0x0;
	s9 =	simm.s32 $0x0;
	s2 =	sand.u32 $0x10, s0  }
.Ltmp0:
0x6: {  	s11 =	simm.s32 $0x0;
	s3 =	sor.u32 s1, s2;
	(pc) =	sbr.rel .LBB1_1-.Ltmp0, $4  }
0x7: {  	s12 =	simm.s32 $0x0;
	s0 =	rddreg [dreg:$0x1];
	s3 =	sshll.u32 s3, $0x7  }
0x8: {  	_ =	strace $0x80000047;
	s2 =	sadd.s32 $0xC4600, s4;
	s6 =	ssub.s32 $0x18680, s3  }
0x9: {  	s4 =	sadd.s32 $0x24B600, s4;
	[sflag:s5] =	ssyncpa.u1 $0x0;
	s6 =	sshrl.u32 s6, $0xC  }
0xa: {  	[sflag:s7] =	ssyncpa.u1 $0x0;
	s10 =	smov.u32 s3;
	s7 =	sadd.s32 $0x2, s6  }
.LBB1_5:
0xb: {  	p1 =	slt.u32 s12, $0x2  }
0xc: {  	p2 =	sgt.s32 @!p1 s14, $0x18620  }
0xd: {  	s15 =	smov.u32 s14;
	s16 =	sshra.s32 @!p1 s14, $0x1F;
	p2 =	por !p2, p1  }
0xe: {  	s14 =	sand.u32 @!p1 s16, s14;
	s15 =	simm.s32 @p2 $0x18620  }
0xf: {  	s14 =	ssub.s32 @!p1 s15, s14;
	s15 =	ssub.s32 @!p1 $0x0, s13  }
0x10: {  	s17 =	smov.u32 s11;
	s16 =	sadd.s32 @!p1 $0xFFFE79E0, s14;
	s13 =	smin.u32 @!p1 s13, s15  }
0x11: {  	s14 =	ssub.s32 @!p1 $0x186A0, s14;
	p2 =	sgt.s32 @!p1 s16, $0x7F;
	p3 =	sgt.s32 @!p1 s13, $0x7F  }
0x12: {  	s13 =	ssub.s32 @!p1 $0x80, s13;
	p2 =	por !p2, p1;
	p3 =	por !p3, p1  }
0x13: {  	s15 =	sadd.s32 $0x1000, s10;
	s14 =	simm.s32 @!p2 $0x0;
	s13 =	simm.s32 @!p3 $0x0  }
0x14: {  	p2 =	sgt.s32 s15, $0x1869F;
	s13 =	smul.u32 @!p1 s13, s14;
	s14 =	sadd.s32 $0x80, s11  }
0x15: {  	s17 =	smov.u32 @p2 s14  }
0x16: {  	s15 =	smov.u32 @p2 s3;
	p2 =	sgt.s32 s17, $0x7F  }
0x17: {  	s17 =	simm.s32 @p2 $0x0;
	p2 =	sne.s32 s12, s7  }
.Ltmp1:
0x18: {  	p0 =	por !p0, !p0;
	s16 =	simm.s32 @!p1 $0x2;
	(pc) =	sbr.rel @!p2 .LBB1_6-.Ltmp1, $4  }
0x19: {  	s14 =	smov.u32 s8;
	s8 =	smov.u32 s10;
	s13 =	sand.u32 @!p1 $0x3FFFFFFF, s13  }
0x1a: {  	s10 =	smov.u32 s15;
	_ =	swait.ge @!p1 [sflag:s16], s13;
	s18 =	ssub.s32 @!p1 $0x0, s13  }
0x1b: {  	s13 =	smov.u32 s9;
	s12 =	sadd.s32 $0x1, s12;
	[sflag:s16] =	ssyncset.done @!p1 $0x0  }
0x1c: {  	s9 =	smov.u32 s11;
	s11 =	smov.u32 s17;
	[sflag:s16] =	ssyncadd.s32 @!p1 s18  }
.LBB1_1:
0x1d: {  	p1 =	sgt.u32 s12, s6  }
0x1e: {  	s15 =	sshrl.u32 @!p1 s11, $0x3  }
0x1f: {  	s16 =	sshll.u32 @!p1 s10, $0x3;
	s15 =	smul.u32 @!p1 $0xC3800, s15  }
0x20: {  	s17 =	sshll.u32 @!p1 s11, $0x7;
	s16 =	sand.u32 @!p1 $0xFFFFFC00, s16  }
0x21: {  	s15 =	sadd.s32 @!p1 s15, s16;
	s16 =	sand.u32 @!p1 $0x380, s17  }
0x22: {  	s17 =	sand.u32 @!p1 $0x7F, s10;
	s15 =	sor.u32 @!p1 s16, s15  }
0x23: {  	s16 =	sor.u32 @!p1 s17, s15  }
0x24: {  	s17 =	smulhi.u32 @!p1 $0xA79C7B17, s16;
	_ =	sdelay $0x1  }
0x25: {  	s15 =	smulhi.u32 @!p1 $0xA79C7B17, s15;
	s17 =	sshrl.u32 @!p1 s17, $0x10  }
0x26: {  	s17 =	smul.u32 @!p1 $0x18700, s17  }
0x27: {  	s18 =	sxor.u32 @!p1 $0xFFFFFFFF, s12;
	s15 =	sshrl.u32 @!p1 s15, $0x10  }
0x28: {  	s18 =	sshll.u32 @!p1 s18, $0xE;
	s15 =	sand.u32 @!p1 $0x7F, s15;
	s16 =	ssub.s32 @!p1 s16, s17  }
0x29: {  	s15 =	smul.u32 @!p1 $0x30E0, s15;
	s17 =	sshrl.u32 @!p1 s16, $0x3;
	s16 =	sand.u32 @!p1 $0x7, s16  }
0x2a: {  	s18 =	sand.u32 @!p1 $0x4000, s18;
	s17 =	sadd.s32 @!p1 s2, s17;
	s16 =	sshll.u32 @!p1 s16, $0x12  }
0x2b: {  	s15 =	sadd.s32 @!p1 s15, s17;
	s16 =	sor.u32 @!p1 $0x400, s16;
	s17 =	simm.s32 @!p1 $0xC3800  }
0x2c: {  	[tilespmem:s18], [sflag:$0x1] =	stream.strided.gather @!p1 [hbm4b:s15+s16], $0x4000, s17, s16, $0x38;
	[tilespmem:$0x10100] =	vst v63  }
0x2d: {  	p1 =	seq.s32 s12, $0x0  }
0x2e: {  	p2 =	sge.u32 @!p1 s12, s7  }
0x2f: {  	p1 =	por p1, p2  }
.Ltmp2:
0x30: {  	_ = 	snop;
	(pc) =	sbr.rel @p1 .LBB1_5-.Ltmp2, $1  }
0x31: {  	_ =	sdelay $0x3  }
0x32: {  	s15 =	simm.s32 $0x1  }
0x33: {  	_ =	swait.ge [sflag:s5], $0x4000;
	s15 =	simm.s32 @!p0 $0x0  }
0x34: {  	[sflag:s5] =	ssyncset.done $0x0;
	s16 =	sshll.u32 s15, $0xE  }
0x35: {  	[sflag:s5] =	ssyncadd.s32 $0xFFFFC000;
	s16 =	sor.u32 $0x40, s16  }
0x36: {  	s15 =	smul.u32 $0x10200, s15;
	v0 =	vld [tilespmem:s16+$0x30]  }
0x37: {  	v1 =	vld [tilespmem:s16+$0xFFFFFFD0]  }
0x38: {  	s15 =	sshrl.u32 s15, $0x2;
	v5 =	vld [tilespmem:s16+$0xFFFFFFE0]  }
0x39: {  	v6 =	vld [tilespmem:s16+$0xFFFFFFF0];
	s18 =	sor.u32 $0x8000, s15  }
0x3a: {  	s31 =	sand.u32 $0x1, s12;
	v4 =	vld [tilespmem:s16+$0x0];
	s17 =	sadd.s32 $0x0, s18  }
0x3b: {  	v3 =	vld [tilespmem:s16+$0x10];
	s15 =	smul.u32 $0x10200, s31;
	[tilespmem:s17+$0x3870 ss:$0x81] =	vst.msk $0xffff, v0  }
0x3c: {  	v2 =	vld [tilespmem:s16+$0x20];
	[tilespmem:s17+$0x810 ss:$0x81] =	vst.msk $0xffff, v1  }
0x3d: {  	s15 =	sshrl.u32 s15, $0x2;
	v0 =	vld [tilespmem:s16+$0xFFFFFFC0];
	[tilespmem:s17+$0x1020 ss:$0x81] =	vst.msk $0xffff, v5;
	s16 =	sadd.s32 $0x80, s16  }
0x3e: {  	s19 =	simm.s32 $0x4;
	s20 =	simm.s32 $0x8;
	s15 =	sor.u32 $0x8000, s15;
	[tilespmem:s17+$0x1830 ss:$0x81] =	vst.msk $0xffff, v6;
	v1 =	vld [tilespmem:s16+$0x30]  }
.LBB1_3:
0x3f: {  	p1 =	sne.s32 s20, $0x1FC;
	v5 =	vld [tilespmem:s16+$0xFFFFFFD0];
	[tilespmem:s17+$0x2040 ss:$0x81] =	vst.msk $0xffff, v4  }
0x40: {  	v6 =	vld [tilespmem:s16+$0xFFFFFFE0];
	[tilespmem:s17+$0x2850 ss:$0x81] =	vst.msk $0xffff, v3  }
0x41: {  	s21 =	sshra.s32 s19, $0x2;
	s19 =	smov.u32 s20;
	v7 =	vld [tilespmem:s16+$0xFFFFFFF0];
	[tilespmem:s17+$0x3060 ss:$0x81] =	vst.msk $0xffff, v2  }
.Ltmp3:
0x42: {  	v4 =	vld [tilespmem:s16+$0x0];
	[tilespmem:s17+$0x0 ss:$0x81] =	vst.msk $0xffff, v0;
	s17 =	sadd.s32 s21, s18;
	(pc) =	sbr.rel @p1 .LBB1_3-.Ltmp3, $4  }
0x43: {  	v3 =	vld [tilespmem:s16+$0x10];
	[tilespmem:s17+$0x3870 ss:$0x81] =	vst.msk $0xffff, v1  }
0x44: {  	[tilespmem:s17+$0x810 ss:$0x81] =	vst.msk $0xffff, v5;
	v2 =	vld [tilespmem:s16+$0x20]  }
0x45: {  	v0 =	vld [tilespmem:s16+$0xFFFFFFC0];
	[tilespmem:s17+$0x1020 ss:$0x81] =	vst.msk $0xffff, v6;
	s16 =	sadd.s32 $0x80, s16  }
0x46: {  	s20 =	sadd.s32 $0x4, s20;
	v1 =	vld [tilespmem:s16+$0x30];
	[tilespmem:s17+$0x1830 ss:$0x81] =	vst.msk $0xffff, v7  }
0x47: {  	s20 =	sshll.u32 s8, $0x7;
	s21 =	sshll.u32 s9, $0x3;
	s19 =	sshra.s32 s19, $0x2  }
0x48: {  	v5 =	vld [tilespmem:s16+$0xFFFFFFD0];
	[tilespmem:s17+$0x2040 ss:$0x81] =	vst.msk $0xffff, v4;
	p1 =	sgt.s32 s8, $0x18620;
	s22 =	sand.u32 $0xFFFFFC00, s20;
	s21 =	sand.u32 $0xFFFFFC00, s21  }
0x49: {  	v58 =	vld [tilespmem:s16+$0xFFFFFFE0];
	s24 =	sshra.s32 s8, $0x1F;
	s20 =	sand.u32 $0x380, s20;
	[tilespmem:s17+$0x2850 ss:$0x81] =	vst.msk $0xffff, v3;
	s21 =	sadd.s32 s21, s22  }
0x4a: {  	v59 =	vld [tilespmem:s16+$0xFFFFFFF0];
	s26 =	ssub.s32 $0x0, s9;
	s18 =	sadd.s32 s19, s18;
	[tilespmem:s17+$0x3060 ss:$0x81] =	vst.msk $0xffff, v2;
	s23 =	sor.u32 s20, s21  }
0x4b: {  	v60 =	vld [tilespmem:s16+$0x0];
	s28 =	smin.u32 s9, s26;
	s20 =	smov.u32 s8;
	[tilespmem:s17+$0x0 ss:$0x81] =	vst.msk $0xffff, v0;
	s19 =	sshrl.u32 s23, $0x7  }
0x4c: {  	v61 =	vld [tilespmem:s16+$0x10];
	s21 =	sand.u32 s24, s8;
	s20 =	simm.s32 @!p1 $0x18620;
	[tilespmem:s18+$0x3870 ss:$0x81] =	vst.msk $0xffff, v1;
	s25 =	smulhi.u32 $0x14F8B59, s19  }
0x4d: {  	v62 =	vld [tilespmem:s16+$0x20];
	s29 =	sshrl.u32 s9, $0x3;
	p2 =	sgt.s32 s28, $0x7F;
	s20 =	ssub.s32 s20, s21;
	[tilespmem:s18+$0x810 ss:$0x81] =	vst.msk $0xffff, v5  }
0x4e: {  	v63 =	vld [tilespmem:s16+$0xFFFFFFC0];
	[tilespmem:s18+$0x1020 ss:$0x81] =	vst.msk $0xffff, v58;
	s21 =	sadd.s32 $0xFFFE79E0, s20;
	s20 =	ssub.s32 $0x186A0, s20;
	s17 =	sshrl.u32 s25, $0x9  }
0x4f: {  	[tilespmem:s18+$0x1830 ss:$0x81] =	vst.msk $0xffff, v59;
	p1 =	sgt.s32 s21, $0x7F;
	s27 =	smul.u32 $0x186A0, s17;
	s17 =	ssub.s32 $0x80, s28  }
.Ltmp4:
0x50: {  	[tilespmem:s18+$0x2040 ss:$0x81] =	vst.msk $0xffff, v60;
	s20 =	simm.s32 @p1 $0x0;
	s17 =	simm.s32 @p2 $0x0;
	(pc) =	sbr.rel .LBB1_5-.Ltmp4, $4  }
0x51: {  	s30 =	sand.u32 $0xF, s29;
	[tilespmem:s18+$0x2850 ss:$0x81] =	vst.msk $0xffff, v61;
	s16 =	ssub.s32 s19, s27;
	s17 =	smul.u32 s17, s20  }
0x52: {  	[tilespmem:s18+$0x3060 ss:$0x81] =	vst.msk $0xffff, v62;
	s19 =	sadd.s32 s4, s30;
	s16 =	sshll.u32 s16, $0x4  }
0x53: {  	s31 =	sand.u32 $0x7, s9;
	[tilespmem:s18+$0x0 ss:$0x81] =	vst.msk $0xffff, v63;
	s17 =	sand.u32 $0x3FFFFFFF, s17;
	s16 =	sadd.s32 s16, s19  }
0x54: {  	[hbm4b:s16+s31] =	stream.linear.scatter [tilespmem:s15], [sflag:$0x2], s17, $0x20;
	[tilespmem:$0x10100] =	vst v63  }
.LBB1_6:
0x55: {  	_ =	sfence.sel $0x180000  }
0x56: {  	s2 =	simm.s32 $0x1;
	[bflag:$0x0] =	sbarrier.arrive $0xFFFF  }
0x57: {  	s31 =	simm.s32 $0x2;
	[sflag:s2] =	ssyncpa.u1 $0x1  }
0x58: {  	[sflag:s31] =	ssyncpa.u1 $0x1  }
0x59: {  	p0 =	sne.s32 s1, $0x0;
	_ =	strace $0x90000047  }
0x5a: {  	s0 =	sadd.s32 @!p0 $0x100000, s0;
	[bflag:$0x2] =	sbarrier.arrive $0xFFFF  }
0x5b: {  	[sflag:s0] =	ssyncadd.tile.s32 @!p0 $0x1;
	_ =	shalt  }
.Lfunc_end1:
_tile_overlayer_lowered:
.L_overlay_start_2:
0x5c: {  	(tag) =	ssettag $0x2  }
0x5d: {  	s0 =	rddreg [dreg:$0x0];
	s2 =	stileid.u32  }
0x5e: {  	s1 =	rddreg [dreg:$0x1];
	p0 =	sne.s32 s2, $0x0  }
0x5f: {  	s3 =	rddreg [dreg:$0x2];
	[bflag:$0x3] =	sbarrier.arrive $0xFFFF;
	s2 =	simm.s32 @!p0 $0x1C01  }
0x60: {  	[timem:s3], [sflag:s2] =	dma.local @!p0 [hbm:s0], s1  }
0x61: {  	s0 =	simm.s32 @!p0 $0x1  }
0x62: {  	_ =	swait.ge @!p0 [sflag:s0], s1  }
0x63: {  	s1 =	ssub.s32 @!p0 $0x0, s1;
	[sflag:s0] =	ssyncset.done @!p0 $0x0  }
0x64: {  	[sflag:s0] =	ssyncadd.s32 @!p0 s1  }
0x65: {  	[bflag:$0x3] =	sbarrier.arrive $0xFFFF  }
0x66: {  	_ =	shalt  }

</sc_bundles>
